<compile_context>
chip_gen: v7x
topology: tpu7x:2x2x1
jax: 0.10.2.dev20260603
libtpu: 0.0.44.dev20260713+nightly
codegen_flags: <defaults>
</compile_context>

<pallas_src>
import functools

import jax
import jax.numpy as jnp
from jax import lax
from jax.experimental import pallas as pl
from jax.experimental.pallas import tpu as pltpu
from jax.experimental.pallas import tpu_sc as plsc

NC = 2
NS = 16
LN = 16
CH = 128
EG = 32


def _sc_mesh():
    return plsc.VectorSubcoreMesh(
        core_axis_name="c", subcore_axis_name="s", num_cores=NC, num_subcores=NS
    )


def _fill_rows(idxb, base, lanes):

    def fi(i, _):
        idxb[pl.ds(i * LN, LN)] = base + i * LN + lanes
        return 0

    lax.fori_loop(0, CH // LN, fi, 0)


def _zero_slice(zbuf, shared, gidx, s, rpt, lanes):

    def zc(t, _):
        _fill_rows(gidx, s * rpt + t * CH, lanes)
        pltpu.sync_copy(zbuf, shared.at[gidx])
        return 0

    lax.fori_loop(0, rpt // CH, zc, 0)


def _localize(buf2d, rows, lo, npc, lanes_unused):
    vec = CH // LN

    def txb(i, _):
        j = i // vec
        k = (i % vec) * LN
        v = buf2d[j, pl.ds(k, LN)] - lo
        ok = (v >= 0) & (v < npc)
        buf2d[j, pl.ds(k, LN)] = jnp.where(ok, v, npc)
        return 0

    lax.fori_loop(0, rows * vec, txb, 0)


def _make_deg_kernel(npad, nept):
    nec = nept // CH
    ngr = nec // EG
    npc = npad // NC
    rpt = npc // NS

    @functools.partial(
        pl.kernel,
        out_type=jax.ShapeDtypeStruct((npad, CH), jnp.float32),
        mesh=_sc_mesh(),
        scratch_types=[
            pltpu.VMEM((EG, CH), jnp.int32),
            pltpu.VMEM((CH, CH), jnp.float32),
            pltpu.VMEM((CH, CH), jnp.float32),
            pltpu.VMEM((CH,), jnp.int32),
            pltpu.VMEM_SHARED((npad // NC + 8, CH), jnp.float32),
        ],
    )
    def deg_kernel(edset, out_hbm, sgrp, ones_b, zbuf, gidx, histS):
        c = lax.axis_index("c")
        s = lax.axis_index("s")
        lo = c * npc
        lanes = lax.broadcasted_iota(jnp.int32, (LN,), 0)
        zeros = jnp.zeros((LN,), jnp.float32)
        npl = CH // LN

        def fb(i, _):
            zbuf[i // npl, pl.ds((i % npl) * LN, LN)] = zeros
            ones_b[i // npl, pl.ds((i % npl) * LN, LN)] = zeros + 1.0
            return 0

        lax.fori_loop(0, CH * npl, fb, 0)
        _zero_slice(zbuf, histS, gidx, s, rpt, lanes)

        @pl.when(s == 0)
        def _():
            _fill_rows(gidx, npc - CH + 8, lanes)
            pltpu.sync_copy(zbuf, histS.at[gidx])

        plsc.subcore_barrier()

        def egrp(g, _):
            pltpu.sync_copy(edset.at[pl.ds((s * ngr + g) * EG, EG)], sgrp)
            _localize(sgrp, EG, lo, npc, lanes)

            def body(j, _):
                pltpu.sync_copy(ones_b, histS.at[sgrp.at[j]], add=True)
                return 0

            lax.fori_loop(0, EG, body, 0)
            return 0

        lax.fori_loop(0, ngr, egrp, 0)
        plsc.subcore_barrier()

        def co(t, _):
            r = s * rpt + t * CH
            _fill_rows(gidx, r, lanes)
            pltpu.sync_copy(histS.at[gidx], zbuf)
            pltpu.sync_copy(zbuf, out_hbm.at[pl.ds(c * npc + r, CH)])
            return 0

        lax.fori_loop(0, rpt // CH, co, 0)

    return deg_kernel


def _make_norm_scale(npad, d, rb):

    def body(hist_ref, x_ref, y_ref, n128_ref):
        deg = hist_ref[...][:, 0]
        nrm = lax.rsqrt(jnp.maximum(deg, 1.0))
        n128_ref[...] = jnp.broadcast_to(nrm[:, None], (rb, CH))
        y_ref[...] = x_ref[...] * nrm[:, None]

    return pl.pallas_call(
        body,
        grid=(npad // rb,),
        in_specs=[
            pl.BlockSpec((rb, CH), lambda i: (i, 0)),
            pl.BlockSpec((rb, d), lambda i: (i, 0)),
        ],
        out_specs=[
            pl.BlockSpec((rb, d), lambda i: (i, 0)),
            pl.BlockSpec((rb, CH), lambda i: (i, 0)),
        ],
        out_shape=[
            jax.ShapeDtypeStruct((npad, d), jnp.float32),
            jax.ShapeDtypeStruct((npad, CH), jnp.float32),
        ],
    )


def _make_agg_kernel(npad, d, ems, bt):
    nec = ems // CH
    ngr = nec // EG
    ngt = bt // CH // NS
    npc = npad // NC
    rpt = npc // NS

    @functools.partial(
        pl.kernel,
        out_type=jax.ShapeDtypeStruct((NC, bt, d), jnp.float32),
        mesh=_sc_mesh(),
        scratch_types=[
            pltpu.VMEM((EG, CH), jnp.int32),
            pltpu.VMEM((EG, CH), jnp.int32),
            pltpu.VMEM((CH, d), jnp.float32),
            pltpu.VMEM((CH, d), jnp.float32),
            pltpu.VMEM((CH,), jnp.int32),
            pltpu.VMEM_SHARED((npad // NC + 8, d), jnp.float32),
            pltpu.SemaphoreType.DMA,
            pltpu.SemaphoreType.DMA,
        ],
    )
    def agg_kernel(y, esrc, edst, idxg, aggg_out,
                   sgrp, dgrp, buf, zbuf, gidx, aggS, sem0, sem1):
        c = lax.axis_index("c")
        s = lax.axis_index("s")
        lo = c * npc
        lanes = lax.broadcasted_iota(jnp.int32, (LN,), 0)
        zeros = jnp.zeros((LN,), jnp.float32)
        npl = d // LN

        def zb(i, _):
            zbuf[i // npl, pl.ds((i % npl) * LN, LN)] = zeros
            return 0

        lax.fori_loop(0, CH * npl, zb, 0)
        _zero_slice(zbuf, aggS, gidx, s, rpt, lanes)

        @pl.when(s == 0)
        def _():
            _fill_rows(gidx, npc - CH + 8, lanes)
            pltpu.sync_copy(zbuf, aggS.at[gidx])

        plsc.subcore_barrier()

        bufs = (buf, zbuf)
        sems = (sem0, sem1)

        def egrp(g, _):
            pltpu.sync_copy(esrc.at[s, pl.ds(g * EG, EG)], sgrp)
            pltpu.sync_copy(edst.at[s, pl.ds(g * EG, EG)], dgrp)
            _localize(dgrp, EG, lo, npc, lanes)

            cps = [None, None]
            cps[0] = pltpu.async_copy(y.at[sgrp.at[0]], bufs[0], sems[0])
            for j in range(EG):
                if j + 1 < EG:
                    nb = (j + 1) % 2
                    cps[nb] = pltpu.async_copy(
                        y.at[sgrp.at[j + 1]], bufs[nb], sems[nb]
                    )
                cps[j % 2].wait()
                pltpu.sync_copy(bufs[j % 2], aggS.at[dgrp.at[j]], add=True)
            return 0

        lax.fori_loop(0, ngr, egrp, 0)
        plsc.subcore_barrier()

        def gbody(k, _):
            j = s * ngt + k
            pltpu.sync_copy(idxg.at[j], gidx)

            def lxb(i, _):
                v = gidx[pl.ds(i * LN, LN)] - lo
                ok = (v >= 0) & (v < npc)
                gidx[pl.ds(i * LN, LN)] = jnp.where(ok, v, npc)
                return 0

            lax.fori_loop(0, CH // LN, lxb, 0)
            pltpu.async_copy(aggS.at[gidx], zbuf, sem1).wait()
            pltpu.sync_copy(zbuf, aggg_out.at[c, pl.ds(j * CH, CH)])
            return 0

        lax.fori_loop(0, ngt, gbody, 0)

    return agg_kernel


def _make_normg_kernel(npad, bt):
    ngt = bt // CH // NS
    half = ngt // NC

    @functools.partial(
        pl.kernel,
        out_type=jax.ShapeDtypeStruct((bt, CH), jnp.float32),
        mesh=_sc_mesh(),
        scratch_types=[
            pltpu.VMEM((CH,), jnp.int32),
            pltpu.VMEM((CH, CH), jnp.float32),
            pltpu.SemaphoreType.DMA,
        ],
    )
    def normg_kernel(n128, idxg, out_hbm, gidx, nbuf, sem):
        c = lax.axis_index("c")
        s = lax.axis_index("s")

        def gbody(k, _):
            j = s * ngt + c * half + k
            pltpu.sync_copy(idxg.at[j], gidx)
            pltpu.async_copy(n128.at[gidx], nbuf, sem).wait()
            pltpu.sync_copy(nbuf, out_hbm.at[pl.ds(j * CH, CH)])
            return 0

        lax.fori_loop(0, half, gbody, 0)

    return normg_kernel


def _make_mlp(bt, d, h1, npc):
    b = bt // 2

    def body(aggg_ref, normg_ref, idxg_ref, wg_ref, bg_ref, w1_ref, b1_ref,
             w2_ref, b2_ref, out_ref):
        nrm = normg_ref[...][:, :1]
        own0 = idxg_ref[...] < npc
        a = jnp.where(own0, aggg_ref[0], aggg_ref[1]) * nrm
        h = (
            jnp.dot(a, wg_ref[...], preferred_element_type=jnp.float32)
            + bg_ref[...]
        )
        h = jnp.maximum(h, 0.0)
        hf = h[:b]
        hs = h[b:]
        z = (
            jnp.dot(hf, w1_ref[:d, :], preferred_element_type=jnp.float32)
            + jnp.dot(hs, w1_ref[d:, :], preferred_element_type=jnp.float32)
            + b1_ref[...]
        )
        z = jnp.maximum(z, 0.0)
        out_ref[...] = (
            jnp.dot(z, w2_ref[...], preferred_element_type=jnp.float32)
            + b2_ref[...]
        )

    return pl.pallas_call(
        body,
        out_shape=jax.ShapeDtypeStruct((b, 1), jnp.float32),
    )


def kernel(first_index, second_index, edge_index, emb_user, emb_item,
           W_gcn, b_gcn, W1, b1, W2, b2):
    nu, d = emb_user.shape
    ni = emb_item.shape[0]
    n = nu + ni
    e = edge_index.shape[1]
    bsz = first_index.shape[0]
    h1 = W1.shape[1]

    npad = -(-(n + 1) // (NC * NS * CH)) * (NC * NS * CH)
    epad = -(-e // (NS * CH * EG // 2)) * (NS * CH * EG // 2)
    ems = 2 * epad // NS
    nept = 2 * epad // NS
    bt = 2 * bsz

    idt = jnp.int32
    pad_e = jnp.full((epad - e,), n, dtype=idt)
    e0 = jnp.concatenate([edge_index[0].astype(idt), pad_e])
    e1 = jnp.concatenate([edge_index[1].astype(idt), pad_e])
    edset = jnp.concatenate([e0, e1]).reshape(NS * nept // CH, CH)
    esrc = jnp.concatenate(
        [e0.reshape(NS, -1), e1.reshape(NS, -1)], axis=1
    ).reshape(NS, ems // CH, CH)
    edst = jnp.concatenate(
        [e1.reshape(NS, -1), e0.reshape(NS, -1)], axis=1
    ).reshape(NS, ems // CH, CH)
    x = jnp.concatenate(
        [emb_user, emb_item, jnp.zeros((npad - n, d), jnp.float32)]
    )
    idxg_flat = jnp.concatenate(
        [first_index.astype(idt), second_index.astype(idt) + nu]
    )

    hist = _make_deg_kernel(npad, nept)(edset)
    y, n128 = _make_norm_scale(npad, d, 2048)(hist, x)
    aggg = _make_agg_kernel(npad, d, ems, bt)(
        y, esrc, edst, idxg_flat.reshape(bt // CH, CH)
    )
    normg = _make_normg_kernel(npad, bt)(n128, idxg_flat.reshape(bt // CH, CH))
    out = _make_mlp(bt, d, h1, npad // NC)(
        aggg,
        normg,
        idxg_flat.reshape(bt, 1),
        W_gcn,
        b_gcn.reshape(1, d),
        W1,
        b1.reshape(1, h1),
        W2,
        b2.reshape(1, 1),
    )
    return out.reshape(bsz)

# --- scband reference (transcript-rebuilt; emitter-appended) ---
"""Pipeline reference for scband-heterogeneous-network-3968549782320 (READ-ONLY COPY).

The authoritative reference and input builder live on the scoring server;
editing this copy changes nothing except your own understanding.
"""

import jax, jax.numpy as jnp
import numpy as np

N_U = 10000
N_I = 10000
D = 128
E = 160000
B = 4096
H1 = 64

def setup_inputs(seed: int = 0) -> dict:
    key = jax.random.key(seed)
    ks = jax.random.split(key, 12)
    first_index = jax.random.randint(ks[0], (B,), 0, N_U)
    second_index = jax.random.randint(ks[1], (B,), 0, N_I)
    edge_index = jax.random.randint(ks[2], (2, E), 0, N_U + N_I)
    emb_user = jax.random.normal(ks[3], (N_U, D), dtype=jnp.float32) * 0.02
    emb_item = jax.random.normal(ks[4], (N_I, D), dtype=jnp.float32) * 0.02
    W_gcn = jax.random.normal(ks[5], (D, D), dtype=jnp.float32) * (1.0 / np.sqrt(D))
    b_gcn = jnp.zeros((D,), dtype=jnp.float32)
    W1 = jax.random.normal(ks[6], (2 * D, H1), dtype=jnp.float32) * (1.0 / np.sqrt(2 * D))
    b1 = jnp.zeros((H1,), dtype=jnp.float32)
    W2 = jax.random.normal(ks[7], (H1, 1), dtype=jnp.float32) * (1.0 / np.sqrt(H1))
    b2 = jnp.zeros((1,), dtype=jnp.float32)
    return {"first_index": first_index, "second_index": second_index,
            "edge_index": edge_index, "emb_user": emb_user, "emb_item": emb_item,
            "W_gcn": W_gcn, "b_gcn": b_gcn, "W1": W1, "b1": b1, "W2": W2, "b2": b2}

def reference(first_index, second_index, edge_index, emb_user, emb_item,
              W_gcn, b_gcn, W1, b1, W2, b2):
    # aggregate_embeddings: homogeneous bidirected GCN over concatenated node embeddings
    N = emb_user.shape[0] + emb_item.shape[0]
    X = jnp.concatenate([emb_user, emb_item], axis=0)
    src = jnp.concatenate([edge_index[0], edge_index[1]])
    dst = jnp.concatenate([edge_index[1], edge_index[0]])
    deg = jnp.zeros((N,), dtype=X.dtype).at[dst].add(1.0)
    norm = jax.lax.rsqrt(jnp.clip(deg, 1.0, None))
    msg = X[src] * norm[src][:, None]
    agg = jnp.zeros_like(X).at[dst].add(msg)
    h = agg * norm[:, None]
    h = jax.nn.relu(h @ W_gcn + b_gcn)
    nu = emb_user.shape[0]
    user_emb = h[:nu]
    item_emb = h[nu:]
    # forward: gather per-batch embeddings and run DNN predictor
    f = user_emb[first_index]
    s = item_emb[second_index]
    z = jnp.concatenate([f, s], axis=-1)
    hidden = jax.nn.relu(z @ W1 + b1)
    out = (hidden @ W2 + b2).squeeze(-1)
    return out

if __name__ == "__main__":
    import jax
    _d = setup_inputs()
    print(jax.jit(kernel)(*tuple(_d.values())))

</pallas_src>

<mosaic_0001>
#map = affine_map<(d0, d1) -> (0, 0)>
module attributes {stable_mosaic.version = 14 : i64} {
  func.func @deg_kernel(%arg0: i32, %arg1: i32, %arg2: memref<2560x128xi32, #tpu.memory_space<hbm>>, %arg3: memref<20480x128xf32, #tpu.memory_space<hbm>>, %arg4: memref<32x128xi32, #tpu.memory_space<vmem>>, %arg5: memref<128x128xf32, #tpu.memory_space<vmem>>, %arg6: memref<128x128xf32, #tpu.memory_space<vmem>>, %arg7: memref<128xi32, #tpu.memory_space<vmem>>, %arg8: memref<10248x128xf32, #tpu.memory_space<vmem_shared>>) attributes {dimension_semantics = [#tpu.dimension_semantics<core_parallel>, #tpu.dimension_semantics<subcore_parallel>], iteration_bounds = array<i64: 2, 16>, scalar_prefetch = 0 : i64, scratch_operands = 5 : i64, tpu.core_type = #tpu.core_type<sc_vector_subcore>, window_params = [{transform_indices = #map}, {transform_indices = #map}]} {
    %mul3A = arith.constant 10240 : i32
    %mul3A_0 = arith.muli %arg0, %mul3A : i32
    %iota3A = tpu.iota {dimensions = array<i32: 0>} : vector<16xi32>
    %broadcast_in_dim3A = arith.constant 0.000000e+00 : f32
    %broadcast_in_dim3A_1 = vector.broadcast %broadcast_in_dim3A : f32 to vector<16xf32>
    %scan3A = arith.constant 0 : i32
    %scan3A_2 = arith.constant 0 : i32
    %scan3A_3 = arith.constant 1024 : i32
    %scan3A_4 = arith.addi %scan3A_2, %scan3A_3 : i32
    %scan3A_5 = arith.constant 1 : i32
    %scan3A_6 = scf.for %scan3A_32 = %scan3A_2 to %scan3A_4 step %scan3A_5 iter_args(%scan3A_33 = %scan3A) -> (i32)  : i32 {
      %jit3A = arith.constant 8 : i32
      %div3A = arith.divsi %scan3A_32, %jit3A : i32
      %sign3A = arith.constant 0 : i32
      %sign3A_34 = arith.cmpi sgt, %scan3A_32, %sign3A : i32
      %sign3A_35 = arith.extui %sign3A_34 : i1 to i32
      %sign3A_36 = arith.constant 0 : i32
      %sign3A_37 = arith.cmpi slt, %scan3A_32, %sign3A_36 : i32
      %sign3A_38 = arith.extui %sign3A_37 : i1 to i32
      %sign3A_39 = arith.subi %sign3A_35, %sign3A_38 : i32
      %sign3A_40 = arith.constant 0 : i32
      %sign3A_41 = arith.cmpi sgt, %jit3A, %sign3A_40 : i32
      %sign3A_42 = arith.extui %sign3A_41 : i1 to i32
      %sign3A_43 = arith.constant 0 : i32
      %sign3A_44 = arith.cmpi slt, %jit3A, %sign3A_43 : i32
      %sign3A_45 = arith.extui %sign3A_44 : i1 to i32
      %sign3A_46 = arith.subi %sign3A_42, %sign3A_45 : i32
      %ne3A = arith.cmpi ne, %sign3A_39, %sign3A_46 : i32
      %rem3A = arith.remsi %scan3A_32, %jit3A : i32
      %ne3A_47 = arith.constant 0 : i32
      %ne3A_48 = arith.cmpi ne, %rem3A, %ne3A_47 : i32
      %and3A = arith.andi %ne3A, %ne3A_48 : i1
      %sub3A = arith.constant 1 : i32
      %sub3A_49 = arith.subi %div3A, %sub3A : i32
      %select_n3A = arith.select %and3A, %sub3A_49, %div3A : i32
      %jit3A_50 = arith.constant 8 : i32
      %eq3A_51 = arith.constant 0 : i32
      %eq3A_52 = arith.cmpi eq, %jit3A_50, %eq3A_51 : i32
      %jit3A_53 = arith.constant 1 : i32
      %select_n3A_54 = arith.select %eq3A_52, %jit3A_53, %jit3A_50 : i32
      %rem3A_55 = arith.remsi %scan3A_32, %select_n3A_54 : i32
      %ne3A_56 = arith.constant 0 : i32
      %ne3A_57 = arith.cmpi ne, %rem3A_55, %ne3A_56 : i32
      %lt3A = arith.constant 0 : i32
      %lt3A_58 = arith.cmpi slt, %rem3A_55, %lt3A : i32
      %lt3A_59 = arith.constant 0 : i32
      %lt3A_60 = arith.cmpi slt, %select_n3A_54, %lt3A_59 : i32
      %ne3A_61 = arith.xori %lt3A_58, %lt3A_60 : i1
      %and3A_62 = arith.andi %ne3A_61, %ne3A_57 : i1
      %add3A = arith.addi %rem3A_55, %select_n3A_54 : i32
      %select_n3A_63 = arith.select %and3A_62, %add3A, %rem3A_55 : i32
      %mul3A_64 = arith.constant 16 : i32
      %mul3A_65 = arith.muli %select_n3A_63, %mul3A_64 : i32
      %swap3A = arith.index_cast %select_n3A : i32 to index
      %swap3A_66 = arith.index_cast %mul3A_65 : i32 to index
      %swap3A_67 = tpu.vector_load %arg6[%swap3A, %swap3A_66] {strides = array<i32>} : memref<128x128xf32, #tpu.memory_space<vmem>>, vector<1x16xf32>,
      %swap3A_68 = vector.shape_cast %swap3A_67 : vector<1x16xf32> to vector<16xf32>
      %swap3A_69 = vector.shape_cast %broadcast_in_dim3A_1 : vector<16xf32> to vector<1x16xf32>
      tpu.vector_store %arg6[%swap3A, %swap3A_66], %swap3A_69 {strides = array<i32>} : memref<128x128xf32, #tpu.memory_space<vmem>>, vector<1x16xf32>,
      %add3A_70 = arith.constant 1.000000e+00 : f32
      %add3A_71 = vector.broadcast %add3A_70 : f32 to vector<16xf32>
      %add3A_72 = arith.addf %broadcast_in_dim3A_1, %add3A_71 : vector<16xf32>
      %jit3A_73 = arith.constant 8 : i32
      %div3A_74 = arith.divsi %scan3A_32, %jit3A_73 : i32
      %sign3A_75 = arith.constant 0 : i32
      %sign3A_76 = arith.cmpi sgt, %scan3A_32, %sign3A_75 : i32
      %sign3A_77 = arith.extui %sign3A_76 : i1 to i32
      %sign3A_78 = arith.constant 0 : i32
      %sign3A_79 = arith.cmpi slt, %scan3A_32, %sign3A_78 : i32
      %sign3A_80 = arith.extui %sign3A_79 : i1 to i32
      %sign3A_81 = arith.subi %sign3A_77, %sign3A_80 : i32
      %sign3A_82 = arith.constant 0 : i32
      %sign3A_83 = arith.cmpi sgt, %jit3A_73, %sign3A_82 : i32
      %sign3A_84 = arith.extui %sign3A_83 : i1 to i32
      %sign3A_85 = arith.constant 0 : i32
      %sign3A_86 = arith.cmpi slt, %jit3A_73, %sign3A_85 : i32
      %sign3A_87 = arith.extui %sign3A_86 : i1 to i32
      %sign3A_88 = arith.subi %sign3A_84, %sign3A_87 : i32
      %ne3A_89 = arith.cmpi ne, %sign3A_81, %sign3A_88 : i32
      %rem3A_90 = arith.remsi %scan3A_32, %jit3A_73 : i32
      %ne3A_91 = arith.constant 0 : i32
      %ne3A_92 = arith.cmpi ne, %rem3A_90, %ne3A_91 : i32
      %and3A_93 = arith.andi %ne3A_89, %ne3A_92 : i1
      %sub3A_94 = arith.constant 1 : i32
      %sub3A_95 = arith.subi %div3A_74, %sub3A_94 : i32
      %select_n3A_96 = arith.select %and3A_93, %sub3A_95, %div3A_74 : i32
      %jit3A_97 = arith.constant 8 : i32
      %eq3A_98 = arith.constant 0 : i32
      %eq3A_99 = arith.cmpi eq, %jit3A_97, %eq3A_98 : i32
      %jit3A_100 = arith.constant 1 : i32
      %select_n3A_101 = arith.select %eq3A_99, %jit3A_100, %jit3A_97 : i32
      %rem3A_102 = arith.remsi %scan3A_32, %select_n3A_101 : i32
      %ne3A_103 = arith.constant 0 : i32
      %ne3A_104 = arith.cmpi ne, %rem3A_102, %ne3A_103 : i32
      %lt3A_105 = arith.constant 0 : i32
      %lt3A_106 = arith.cmpi slt, %rem3A_102, %lt3A_105 : i32
      %lt3A_107 = arith.constant 0 : i32
      %lt3A_108 = arith.cmpi slt, %select_n3A_101, %lt3A_107 : i32
      %ne3A_109 = arith.xori %lt3A_106, %lt3A_108 : i1
      %and3A_110 = arith.andi %ne3A_109, %ne3A_104 : i1
      %add3A_111 = arith.addi %rem3A_102, %select_n3A_101 : i32
      %select_n3A_112 = arith.select %and3A_110, %add3A_111, %rem3A_102 : i32
      %mul3A_113 = arith.constant 16 : i32
      %mul3A_114 = arith.muli %select_n3A_112, %mul3A_113 : i32
      %swap3A_115 = arith.index_cast %select_n3A_96 : i32 to index
      %swap3A_116 = arith.index_cast %mul3A_114 : i32 to index
      %swap3A_117 = tpu.vector_load %arg5[%swap3A_115, %swap3A_116] {strides = array<i32>} : memref<128x128xf32, #tpu.memory_space<vmem>>, vector<1x16xf32>,
      %swap3A_118 = vector.shape_cast %swap3A_117 : vector<1x16xf32> to vector<16xf32>
      %swap3A_119 = vector.shape_cast %add3A_72 : vector<16xf32> to vector<1x16xf32>
      tpu.vector_store %arg5[%swap3A_115, %swap3A_116], %swap3A_119 {strides = array<i32>} : memref<128x128xf32, #tpu.memory_space<vmem>>, vector<1x16xf32>,
      %scan3A_120 = arith.constant 0 : i32
      scf.yield %scan3A_120 : i32
    }
    %scan3A_7 = arith.constant 1024 : i32
    %scan3A_8 = arith.constant 0 : i32
    %scan3A_9 = arith.constant 0 : i32
    %scan3A_10 = arith.constant 5 : i32
    %scan3A_11 = arith.addi %scan3A_9, %scan3A_10 : i32
    %scan3A_12 = arith.constant 1 : i32
    %scan3A_13 = scf.for %scan3A_32 = %scan3A_9 to %scan3A_11 step %scan3A_12 iter_args(%scan3A_33 = %scan3A_8) -> (i32)  : i32 {
      %mul3A_34 = arith.constant 640 : i32
      %mul3A_35 = arith.muli %arg1, %mul3A_34 : i32
      %mul3A_36 = arith.constant 128 : i32
      %mul3A_37 = arith.muli %scan3A_32, %mul3A_36 : i32
      %add3A = arith.addi %mul3A_35, %mul3A_37 : i32
      %scan3A_38 = arith.constant 0 : i32
      %scan3A_39 = arith.constant 0 : i32
      %scan3A_40 = arith.constant 8 : i32
      %scan3A_41 = arith.addi %scan3A_39, %scan3A_40 : i32
      %scan3A_42 = arith.constant 1 : i32
      %scan3A_43 = scf.for %scan3A_46 = %scan3A_39 to %scan3A_41 step %scan3A_42 iter_args(%scan3A_47 = %scan3A_38) -> (i32)  : i32 {
        %mul3A_48 = arith.constant 16 : i32
        %mul3A_49 = arith.muli %scan3A_46, %mul3A_48 : i32
        %add3A_50 = arith.addi %add3A, %mul3A_49 : i32
        %add3A_51 = vector.broadcast %add3A_50 : i32 to vector<16xi32>
        %add3A_52 = arith.addi %add3A_51, %iota3A : vector<16xi32>
        %mul3A_53 = arith.constant 16 : i32
        %mul3A_54 = arith.muli %scan3A_46, %mul3A_53 : i32
        %swap3A = arith.index_cast %mul3A_54 : i32 to index
        %swap3A_55 = tpu.vector_load %arg7[%swap3A] {strides = array<i32>} : memref<128xi32, #tpu.memory_space<vmem>>, vector<16xi32>,
        %swap3A_56 = vector.shape_cast %swap3A_55 : vector<16xi32> to vector<16xi32>
        %swap3A_57 = vector.shape_cast %add3A_52 : vector<16xi32> to vector<16xi32>
        tpu.vector_store %arg7[%swap3A], %swap3A_57 {strides = array<i32>} : memref<128xi32, #tpu.memory_space<vmem>>, vector<16xi32>,
        %scan3A_58 = arith.constant 0 : i32
        scf.yield %scan3A_58 : i32
      }
      %scan3A_44 = arith.constant 8 : i32
      "tpu.region"() ({
        %run_scoped3A = tpu.sem_alloc : memref<!tpu.dma_semaphore, #tpu.memory_space<semaphore_mem>>
        %dma_start3A = arith.constant 0 : i32
        %dma_start3A_46 = arith.constant 0 : i32
        %dma_start3A_47 = tpu.memref_slice %arg8[%dma_start3A, %dma_start3A_46] : memref<10248x128xf32, #tpu.memory_space<vmem_shared>> -> memref<10248x128xf32, #tpu.memory_space<vmem_shared>>
        tpu.enqueue_indirect_dma source(%arg6 : memref<128x128xf32, #tpu.memory_space<vmem>>) target(%dma_start3A_47 : memref<10248x128xf32, #tpu.memory_space<vmem_shared>>) offsets(%arg7 : memref<128xi32, #tpu.memory_space<vmem>>) semaphore(%run_scoped3A : memref<!tpu.dma_semaphore, #tpu.memory_space<semaphore_mem>>)
        %dma_wait3A = arith.constant 0 : i32
        %dma_wait3A_48 = arith.constant 0 : i32
        %dma_wait3A_49 = tpu.memref_slice %arg8[%dma_wait3A, %dma_wait3A_48] : memref<10248x128xf32, #tpu.memory_space<vmem_shared>> -> memref<10248x128xf32, #tpu.memory_space<vmem_shared>>
        tpu.wait_indirect_dma semaphore(%run_scoped3A : memref<!tpu.dma_semaphore, #tpu.memory_space<semaphore_mem>>) src(%arg6 : memref<128x128xf32, #tpu.memory_space<vmem>>) dst(%dma_wait3A_49 : memref<10248x128xf32, #tpu.memory_space<vmem_shared>>)
        tpu.yield
      }) : () -> ()
      %scan3A_45 = arith.constant 0 : i32
      scf.yield %scan3A_45 : i32
    }
    %scan3A_14 = arith.constant 5 : i32
    %eq3A = arith.constant 0 : i32
    %eq3A_15 = arith.cmpi eq, %arg1, %eq3A : i32
    %convert_element_type3A = arith.extui %eq3A_15 : i1 to i32
    %cond3A = arith.constant 0 : i32
    %cond3A_16 = arith.cmpi ne, %convert_element_type3A, %cond3A : i32
    scf.if %cond3A_16 {
      %scan3A_32 = arith.constant 0 : i32
      %scan3A_33 = arith.constant 0 : i32
      %scan3A_34 = arith.constant 8 : i32
      %scan3A_35 = arith.addi %scan3A_33, %scan3A_34 : i32
      %scan3A_36 = arith.constant 1 : i32
      %scan3A_37 = scf.for %scan3A_39 = %scan3A_33 to %scan3A_35 step %scan3A_36 iter_args(%scan3A_40 = %scan3A_32) -> (i32)  : i32 {
        %mul3A_41 = arith.constant 16 : i32
        %mul3A_42 = arith.muli %scan3A_39, %mul3A_41 : i32
        %add3A = arith.constant 10120 : i32
        %add3A_43 = arith.addi %add3A, %mul3A_42 : i32
        %add3A_44 = vector.broadcast %add3A_43 : i32 to vector<16xi32>
        %add3A_45 = arith.addi %add3A_44, %iota3A : vector<16xi32>
        %mul3A_46 = arith.constant 16 : i32
        %mul3A_47 = arith.muli %scan3A_39, %mul3A_46 : i32
        %swap3A = arith.index_cast %mul3A_47 : i32 to index
        %swap3A_48 = tpu.vector_load %arg7[%swap3A] {strides = array<i32>} : memref<128xi32, #tpu.memory_space<vmem>>, vector<16xi32>,
        %swap3A_49 = vector.shape_cast %swap3A_48 : vector<16xi32> to vector<16xi32>
        %swap3A_50 = vector.shape_cast %add3A_45 : vector<16xi32> to vector<16xi32>
        tpu.vector_store %arg7[%swap3A], %swap3A_50 {strides = array<i32>} : memref<128xi32, #tpu.memory_space<vmem>>, vector<16xi32>,
        %scan3A_51 = arith.constant 0 : i32
        scf.yield %scan3A_51 : i32
      }
      %scan3A_38 = arith.constant 8 : i32
      "tpu.region"() ({
        %run_scoped3A = tpu.sem_alloc : memref<!tpu.dma_semaphore, #tpu.memory_space<semaphore_mem>>
        %dma_start3A = arith.constant 0 : i32
        %dma_start3A_39 = arith.constant 0 : i32
        %dma_start3A_40 = tpu.memref_slice %arg8[%dma_start3A, %dma_start3A_39] : memref<10248x128xf32, #tpu.memory_space<vmem_shared>> -> memref<10248x128xf32, #tpu.memory_space<vmem_shared>>
        tpu.enqueue_indirect_dma source(%arg6 : memref<128x128xf32, #tpu.memory_space<vmem>>) target(%dma_start3A_40 : memref<10248x128xf32, #tpu.memory_space<vmem_shared>>) offsets(%arg7 : memref<128xi32, #tpu.memory_space<vmem>>) semaphore(%run_scoped3A : memref<!tpu.dma_semaphore, #tpu.memory_space<semaphore_mem>>)
        %dma_wait3A = arith.constant 0 : i32
        %dma_wait3A_41 = arith.constant 0 : i32
        %dma_wait3A_42 = tpu.memref_slice %arg8[%dma_wait3A, %dma_wait3A_41] : memref<10248x128xf32, #tpu.memory_space<vmem_shared>> -> memref<10248x128xf32, #tpu.memory_space<vmem_shared>>
        tpu.wait_indirect_dma semaphore(%run_scoped3A : memref<!tpu.dma_semaphore, #tpu.memory_space<semaphore_mem>>) src(%arg6 : memref<128x128xf32, #tpu.memory_space<vmem>>) dst(%dma_wait3A_42 : memref<10248x128xf32, #tpu.memory_space<vmem_shared>>)
        tpu.yield
      }) : () -> ()
    } else {
    }
    %barrier3A = arith.constant 0 : index
    tpu.barrier barrier_id(%barrier3A)
    %scan3A_17 = arith.constant 0 : i32
    %scan3A_18 = arith.constant 0 : i32
    %scan3A_19 = arith.constant 5 : i32
    %scan3A_20 = arith.addi %scan3A_18, %scan3A_19 : i32
    %scan3A_21 = arith.constant 1 : i32
    %scan3A_22 = scf.for %scan3A_32 = %scan3A_18 to %scan3A_20 step %scan3A_21 iter_args(%scan3A_33 = %scan3A_17) -> (i32)  : i32 {
      %mul3A_34 = arith.constant 5 : i32
      %mul3A_35 = arith.muli %arg1, %mul3A_34 : i32
      %add3A = arith.addi %mul3A_35, %scan3A_32 : i32
      %mul3A_36 = arith.constant 32 : i32
      %mul3A_37 = arith.muli %add3A, %mul3A_36 : i32
      "tpu.region"() ({
        %run_scoped3A = tpu.sem_alloc : memref<!tpu.dma_semaphore, #tpu.memory_space<semaphore_mem>>
        %dma_start3A = arith.constant 0 : i32
        %dma_start3A_53 = tpu.memref_slice %arg2[%mul3A_37, %dma_start3A] : memref<2560x128xi32, #tpu.memory_space<hbm>> -> memref<32x128xi32, #tpu.memory_space<hbm>>
        %dma_start3A_54 = arith.constant 0 : i32
        %dma_start3A_55 = tpu.memref_slice %arg2[%mul3A_37, %dma_start3A_54] : memref<2560x128xi32, #tpu.memory_space<hbm>> -> memref<32x128xi32, #tpu.memory_space<hbm>>
        tpu.enqueue_dma source(%dma_start3A_55 : memref<32x128xi32, #tpu.memory_space<hbm>>) target(%arg4 : memref<32x128xi32, #tpu.memory_space<vmem>>) target_semaphore(%run_scoped3A : memref<!tpu.dma_semaphore, #tpu.memory_space<semaphore_mem>>)
        %dma_wait3A = arith.constant 0 : i32
        %dma_wait3A_56 = tpu.memref_slice %arg2[%mul3A_37, %dma_wait3A] : memref<2560x128xi32, #tpu.memory_space<hbm>> -> memref<32x128xi32, #tpu.memory_space<hbm>>
        %dma_wait3A_57 = arith.constant 0 : i32
        %dma_wait3A_58 = tpu.memref_slice %arg2[%mul3A_37, %dma_wait3A_57] : memref<2560x128xi32, #tpu.memory_space<hbm>> -> memref<32x128xi32, #tpu.memory_space<hbm>>
        tpu.wait_dma2 semaphore(%run_scoped3A : memref<!tpu.dma_semaphore, #tpu.memory_space<semaphore_mem>>) src(%dma_wait3A_58 : memref<32x128xi32, #tpu.memory_space<hbm>>) dst(%arg4 : memref<32x128xi32, #tpu.memory_space<vmem>>)
        tpu.yield
      }) : () -> ()
      %scan3A_38 = arith.constant 0 : i32
      %scan3A_39 = arith.constant 0 : i32
      %scan3A_40 = arith.constant 256 : i32
      %scan3A_41 = arith.addi %scan3A_39, %scan3A_40 : i32
      %scan3A_42 = arith.constant 1 : i32
      %scan3A_43 = scf.for %scan3A_53 = %scan3A_39 to %scan3A_41 step %scan3A_42 iter_args(%scan3A_54 = %scan3A_38) -> (i32)  : i32 {
        %jit3A = arith.constant 8 : i32
        %div3A = arith.divsi %scan3A_53, %jit3A : i32
        %sign3A = arith.constant 0 : i32
        %sign3A_55 = arith.cmpi sgt, %scan3A_53, %sign3A : i32
        %sign3A_56 = arith.extui %sign3A_55 : i1 to i32
        %sign3A_57 = arith.constant 0 : i32
        %sign3A_58 = arith.cmpi slt, %scan3A_53, %sign3A_57 : i32
        %sign3A_59 = arith.extui %sign3A_58 : i1 to i32
        %sign3A_60 = arith.subi %sign3A_56, %sign3A_59 : i32
        %sign3A_61 = arith.constant 0 : i32
        %sign3A_62 = arith.cmpi sgt, %jit3A, %sign3A_61 : i32
        %sign3A_63 = arith.extui %sign3A_62 : i1 to i32
        %sign3A_64 = arith.constant 0 : i32
        %sign3A_65 = arith.cmpi slt, %jit3A, %sign3A_64 : i32
        %sign3A_66 = arith.extui %sign3A_65 : i1 to i32
        %sign3A_67 = arith.subi %sign3A_63, %sign3A_66 : i32
        %ne3A = arith.cmpi ne, %sign3A_60, %sign3A_67 : i32
        %rem3A = arith.remsi %scan3A_53, %jit3A : i32
        %ne3A_68 = arith.constant 0 : i32
        %ne3A_69 = arith.cmpi ne, %rem3A, %ne3A_68 : i32
        %and3A = arith.andi %ne3A, %ne3A_69 : i1
        %sub3A = arith.constant 1 : i32
        %sub3A_70 = arith.subi %div3A, %sub3A : i32
        %select_n3A = arith.select %and3A, %sub3A_70, %div3A : i32
        %jit3A_71 = arith.constant 8 : i32
        %eq3A_72 = arith.constant 0 : i32
        %eq3A_73 = arith.cmpi eq, %jit3A_71, %eq3A_72 : i32
        %jit3A_74 = arith.constant 1 : i32
        %select_n3A_75 = arith.select %eq3A_73, %jit3A_74, %jit3A_71 : i32
        %rem3A_76 = arith.remsi %scan3A_53, %select_n3A_75 : i32
        %ne3A_77 = arith.constant 0 : i32
        %ne3A_78 = arith.cmpi ne, %rem3A_76, %ne3A_77 : i32
        %lt3A = arith.constant 0 : i32
        %lt3A_79 = arith.cmpi slt, %rem3A_76, %lt3A : i32
        %lt3A_80 = arith.constant 0 : i32
        %lt3A_81 = arith.cmpi slt, %select_n3A_75, %lt3A_80 : i32
        %ne3A_82 = arith.xori %lt3A_79, %lt3A_81 : i1
        %and3A_83 = arith.andi %ne3A_82, %ne3A_78 : i1
        %add3A_84 = arith.addi %rem3A_76, %select_n3A_75 : i32
        %select_n3A_85 = arith.select %and3A_83, %add3A_84, %rem3A_76 : i32
        %mul3A_86 = arith.constant 16 : i32
        %mul3A_87 = arith.muli %select_n3A_85, %mul3A_86 : i32
        %get3A = arith.index_cast %select_n3A : i32 to index
        %get3A_88 = arith.index_cast %mul3A_87 : i32 to index
        %get3A_89 = tpu.vector_load %arg4[%get3A, %get3A_88] {strides = array<i32>} : memref<32x128xi32, #tpu.memory_space<vmem>>, vector<1x16xi32>,
        %get3A_90 = vector.shape_cast %get3A_89 : vector<1x16xi32> to vector<16xi32>
        %sub3A_91 = vector.broadcast %mul3A_0 : i32 to vector<16xi32>
        %sub3A_92 = arith.subi %get3A_90, %sub3A_91 : vector<16xi32>
        %ge3A = arith.constant 0 : i32
        %ge3A_93 = vector.broadcast %ge3A : i32 to vector<16xi32>
        %ge3A_94 = arith.cmpi sge, %sub3A_92, %ge3A_93 : vector<16xi32>
        %lt3A_95 = arith.constant 10240 : i32
        %lt3A_96 = vector.broadcast %lt3A_95 : i32 to vector<16xi32>
        %lt3A_97 = arith.cmpi slt, %sub3A_92, %lt3A_96 : vector<16xi32>
        %and3A_98 = arith.andi %ge3A_94, %lt3A_97 : vector<16xi1>
        %jit3A_99 = arith.constant 10240 : i32
        %broadcast_in_dim3A_100 = vector.broadcast %jit3A_99 : i32 to vector<16xi32>
        %select_n3A_101 = arith.select %and3A_98, %sub3A_92, %broadcast_in_dim3A_100 : vector<16xi1>, vector<16xi32>
        %swap3A = arith.index_cast %select_n3A : i32 to index
        %swap3A_102 = arith.index_cast %mul3A_87 : i32 to index
        %swap3A_103 = tpu.vector_load %arg4[%swap3A, %swap3A_102] {strides = array<i32>} : memref<32x128xi32, #tpu.memory_space<vmem>>, vector<1x16xi32>,
        %swap3A_104 = vector.shape_cast %swap3A_103 : vector<1x16xi32> to vector<16xi32>
        %swap3A_105 = vector.shape_cast %select_n3A_101 : vector<16xi32> to vector<1x16xi32>
        tpu.vector_store %arg4[%swap3A, %swap3A_102], %swap3A_105 {strides = array<i32>} : memref<32x128xi32, #tpu.memory_space<vmem>>, vector<1x16xi32>,
        %scan3A_106 = arith.constant 0 : i32
        scf.yield %scan3A_106 : i32
      }
      %scan3A_44 = arith.constant 256 : i32
      %scan3A_45 = arith.constant 0 : i32
      %scan3A_46 = arith.constant 0 : i32
      %scan3A_47 = arith.constant 32 : i32
      %scan3A_48 = arith.addi %scan3A_46, %scan3A_47 : i32
      %scan3A_49 = arith.constant 1 : i32
      %scan3A_50 = scf.for %scan3A_53 = %scan3A_46 to %scan3A_48 step %scan3A_49 iter_args(%scan3A_54 = %scan3A_45) -> (i32)  : i32 {
        "tpu.region"() ({
          %run_scoped3A = tpu.sem_alloc : memref<!tpu.dma_semaphore, #tpu.memory_space<semaphore_mem>>
          %dma_start3A = arith.constant 0 : i32
          %dma_start3A_56 = tpu.memref_slice %arg4[%scan3A_53, %dma_start3A] : memref<32x128xi32, #tpu.memory_space<vmem>> -> memref<1x128xi32, #tpu.memory_space<vmem>>
          %dma_start3A_57 = tpu.memref_squeeze %dma_start3A_56 : memref<1x128xi32, #tpu.memory_space<vmem>> -> memref<128xi32, #tpu.memory_space<vmem>>
          %dma_start3A_58 = arith.constant 0 : i32
          %dma_start3A_59 = arith.constant 0 : i32
          %dma_start3A_60 = tpu.memref_slice %arg8[%dma_start3A_58, %dma_start3A_59] : memref<10248x128xf32, #tpu.memory_space<vmem_shared>> -> memref<10248x128xf32, #tpu.memory_space<vmem_shared>>
          tpu.enqueue_indirect_dma source(%arg5 : memref<128x128xf32, #tpu.memory_space<vmem>>) target(%dma_start3A_60 : memref<10248x128xf32, #tpu.memory_space<vmem_shared>>) offsets(%dma_start3A_57 : memref<128xi32, #tpu.memory_space<vmem>>) semaphore(%run_scoped3A : memref<!tpu.dma_semaphore, #tpu.memory_space<semaphore_mem>>) {add = true}
          %dma_wait3A = arith.constant 0 : i32
          %dma_wait3A_61 = tpu.memref_slice %arg4[%scan3A_53, %dma_wait3A] : memref<32x128xi32, #tpu.memory_space<vmem>> -> memref<1x128xi32, #tpu.memory_space<vmem>>
          %dma_wait3A_62 = tpu.memref_squeeze %dma_wait3A_61 : memref<1x128xi32, #tpu.memory_space<vmem>> -> memref<128xi32, #tpu.memory_space<vmem>>
          %dma_wait3A_63 = arith.constant 0 : i32
          %dma_wait3A_64 = arith.constant 0 : i32
          %dma_wait3A_65 = tpu.memref_slice %arg8[%dma_wait3A_63, %dma_wait3A_64] : memref<10248x128xf32, #tpu.memory_space<vmem_shared>> -> memref<10248x128xf32, #tpu.memory_space<vmem_shared>>
          tpu.wait_indirect_dma semaphore(%run_scoped3A : memref<!tpu.dma_semaphore, #tpu.memory_space<semaphore_mem>>) src(%arg5 : memref<128x128xf32, #tpu.memory_space<vmem>>) dst(%dma_wait3A_65 : memref<10248x128xf32, #tpu.memory_space<vmem_shared>>)
          tpu.yield
        }) : () -> ()
        %scan3A_55 = arith.constant 0 : i32
        scf.yield %scan3A_55 : i32
      }
      %scan3A_51 = arith.constant 32 : i32
      %scan3A_52 = arith.constant 0 : i32
      scf.yield %scan3A_52 : i32
    }
    %scan3A_23 = arith.constant 5 : i32
    %barrier3A_24 = arith.constant 0 : index
    tpu.barrier barrier_id(%barrier3A_24)
    %scan3A_25 = arith.constant 0 : i32
    %scan3A_26 = arith.constant 0 : i32
    %scan3A_27 = arith.constant 5 : i32
    %scan3A_28 = arith.addi %scan3A_26, %scan3A_27 : i32
    %scan3A_29 = arith.constant 1 : i32
    %scan3A_30 = scf.for %scan3A_32 = %scan3A_26 to %scan3A_28 step %scan3A_29 iter_args(%scan3A_33 = %scan3A_25) -> (i32)  : i32 {
      %mul3A_34 = arith.constant 640 : i32
      %mul3A_35 = arith.muli %arg1, %mul3A_34 : i32
      %mul3A_36 = arith.constant 128 : i32
      %mul3A_37 = arith.muli %scan3A_32, %mul3A_36 : i32
      %add3A = arith.addi %mul3A_35, %mul3A_37 : i32
      %scan3A_38 = arith.constant 0 : i32
      %scan3A_39 = arith.constant 0 : i32
      %scan3A_40 = arith.constant 8 : i32
      %scan3A_41 = arith.addi %scan3A_39, %scan3A_40 : i32
      %scan3A_42 = arith.constant 1 : i32
      %scan3A_43 = scf.for %scan3A_49 = %scan3A_39 to %scan3A_41 step %scan3A_42 iter_args(%scan3A_50 = %scan3A_38) -> (i32)  : i32 {
        %mul3A_51 = arith.constant 16 : i32
        %mul3A_52 = arith.muli %scan3A_49, %mul3A_51 : i32
        %add3A_53 = arith.addi %add3A, %mul3A_52 : i32
        %add3A_54 = vector.broadcast %add3A_53 : i32 to vector<16xi32>
        %add3A_55 = arith.addi %add3A_54, %iota3A : vector<16xi32>
        %mul3A_56 = arith.constant 16 : i32
        %mul3A_57 = arith.muli %scan3A_49, %mul3A_56 : i32
        %swap3A = arith.index_cast %mul3A_57 : i32 to index
        %swap3A_58 = tpu.vector_load %arg7[%swap3A] {strides = array<i32>} : memref<128xi32, #tpu.memory_space<vmem>>, vector<16xi32>,
        %swap3A_59 = vector.shape_cast %swap3A_58 : vector<16xi32> to vector<16xi32>
        %swap3A_60 = vector.shape_cast %add3A_55 : vector<16xi32> to vector<16xi32>
        tpu.vector_store %arg7[%swap3A], %swap3A_60 {strides = array<i32>} : memref<128xi32, #tpu.memory_space<vmem>>, vector<16xi32>,
        %scan3A_61 = arith.constant 0 : i32
        scf.yield %scan3A_61 : i32
      }
      %scan3A_44 = arith.constant 8 : i32
      "tpu.region"() ({
        %run_scoped3A = tpu.sem_alloc : memref<!tpu.dma_semaphore, #tpu.memory_space<semaphore_mem>>
        %dma_start3A = arith.constant 0 : i32
        %dma_start3A_49 = arith.constant 0 : i32
        %dma_start3A_50 = tpu.memref_slice %arg8[%dma_start3A, %dma_start3A_49] : memref<10248x128xf32, #tpu.memory_space<vmem_shared>> -> memref<10248x128xf32, #tpu.memory_space<vmem_shared>>
        tpu.enqueue_indirect_dma source(%dma_start3A_50 : memref<10248x128xf32, #tpu.memory_space<vmem_shared>>) target(%arg6 : memref<128x128xf32, #tpu.memory_space<vmem>>) offsets(%arg7 : memref<128xi32, #tpu.memory_space<vmem>>) semaphore(%run_scoped3A : memref<!tpu.dma_semaphore, #tpu.memory_space<semaphore_mem>>)
        %dma_wait3A = arith.constant 0 : i32
        %dma_wait3A_51 = arith.constant 0 : i32
        %dma_wait3A_52 = tpu.memref_slice %arg8[%dma_wait3A, %dma_wait3A_51] : memref<10248x128xf32, #tpu.memory_space<vmem_shared>> -> memref<10248x128xf32, #tpu.memory_space<vmem_shared>>
        tpu.wait_indirect_dma semaphore(%run_scoped3A : memref<!tpu.dma_semaphore, #tpu.memory_space<semaphore_mem>>) src(%dma_wait3A_52 : memref<10248x128xf32, #tpu.memory_space<vmem_shared>>) dst(%arg6 : memref<128x128xf32, #tpu.memory_space<vmem>>)
        tpu.yield
      }) : () -> ()
      %mul3A_45 = arith.constant 10240 : i32
      %mul3A_46 = arith.muli %arg0, %mul3A_45 : i32
      %add3A_47 = arith.addi %mul3A_46, %add3A : i32
      "tpu.region"() ({
        %run_scoped3A = tpu.sem_alloc : memref<!tpu.dma_semaphore, #tpu.memory_space<semaphore_mem>>
        %dma_start3A = arith.constant 0 : i32
        %dma_start3A_49 = tpu.memref_slice %arg3[%add3A_47, %dma_start3A] : memref<20480x128xf32, #tpu.memory_space<hbm>> -> memref<128x128xf32, #tpu.memory_space<hbm>>
        %dma_start3A_50 = arith.constant 0 : i32
        %dma_start3A_51 = tpu.memref_slice %arg3[%add3A_47, %dma_start3A_50] : memref<20480x128xf32, #tpu.memory_space<hbm>> -> memref<128x128xf32, #tpu.memory_space<hbm>>
        tpu.enqueue_dma source(%arg6 : memref<128x128xf32, #tpu.memory_space<vmem>>) target(%dma_start3A_51 : memref<128x128xf32, #tpu.memory_space<hbm>>) target_semaphore(%run_scoped3A : memref<!tpu.dma_semaphore, #tpu.memory_space<semaphore_mem>>)
        %dma_wait3A = arith.constant 0 : i32
        %dma_wait3A_52 = tpu.memref_slice %arg3[%add3A_47, %dma_wait3A] : memref<20480x128xf32, #tpu.memory_space<hbm>> -> memref<128x128xf32, #tpu.memory_space<hbm>>
        %dma_wait3A_53 = arith.constant 0 : i32
        %dma_wait3A_54 = tpu.memref_slice %arg3[%add3A_47, %dma_wait3A_53] : memref<20480x128xf32, #tpu.memory_space<hbm>> -> memref<128x128xf32, #tpu.memory_space<hbm>>
        tpu.wait_dma2 semaphore(%run_scoped3A : memref<!tpu.dma_semaphore, #tpu.memory_space<semaphore_mem>>) src(%arg6 : memref<128x128xf32, #tpu.memory_space<vmem>>) dst(%dma_wait3A_54 : memref<128x128xf32, #tpu.memory_space<hbm>>)
        tpu.yield
      }) : () -> ()
      %scan3A_48 = arith.constant 0 : i32
      scf.yield %scan3A_48 : i32
    }
    %scan3A_31 = arith.constant 5 : i32
    return
  }
}

#map = affine_map<(d0, d1) -> (0, 0)>
module attributes {stable_mosaic.version = 14 : i64} {
  func.func @normg_kernel(%arg0: i32, %arg1: i32, %arg2: memref<20480x128xf32, #tpu.memory_space<hbm>>, %arg3: memref<64x128xi32, #tpu.memory_space<hbm>>, %arg4: memref<8192x128xf32, #tpu.memory_space<hbm>>, %arg5: memref<128xi32, #tpu.memory_space<vmem>>, %arg6: memref<128x128xf32, #tpu.memory_space<vmem>>, %arg7: memref<!tpu.dma_semaphore, #tpu.memory_space<semaphore_mem>>) attributes {dimension_semantics = [#tpu.dimension_semantics<core_parallel>, #tpu.dimension_semantics<subcore_parallel>], iteration_bounds = array<i64: 2, 16>, scalar_prefetch = 0 : i64, scratch_operands = 3 : i64, tpu.core_type = #tpu.core_type<sc_vector_subcore>, window_params = [{transform_indices = #map}, {transform_indices = #map}, {transform_indices = #map}]} {
    %scan3A = arith.constant 0 : i32
    %scan3A_0 = arith.constant 0 : i32
    %scan3A_1 = arith.constant 2 : i32
    %scan3A_2 = arith.addi %scan3A_0, %scan3A_1 : i32
    %scan3A_3 = arith.constant 1 : i32
    %scan3A_4 = scf.for %scan3A_6 = %scan3A_0 to %scan3A_2 step %scan3A_3 iter_args(%scan3A_7 = %scan3A) -> (i32)  : i32 {
      %mul3A = arith.constant 4 : i32
      %mul3A_8 = arith.muli %arg1, %mul3A : i32
      %mul3A_9 = arith.constant 2 : i32
      %mul3A_10 = arith.muli %arg0, %mul3A_9 : i32
      %add3A = arith.addi %mul3A_8, %mul3A_10 : i32
      %add3A_11 = arith.addi %add3A, %scan3A_6 : i32
      "tpu.region"() ({
        %run_scoped3A = tpu.sem_alloc : memref<!tpu.dma_semaphore, #tpu.memory_space<semaphore_mem>>
        %dma_start3A_19 = arith.constant 0 : i32
        %dma_start3A_20 = tpu.memref_slice %arg3[%add3A_11, %dma_start3A_19] : memref<64x128xi32, #tpu.memory_space<hbm>> -> memref<1x128xi32, #tpu.memory_space<hbm>>
        %dma_start3A_21 = tpu.memref_squeeze %dma_start3A_20 : memref<1x128xi32, #tpu.memory_space<hbm>> -> memref<128xi32, #tpu.memory_space<hbm>>
        %dma_start3A_22 = arith.constant 0 : i32
        %dma_start3A_23 = tpu.memref_slice %arg3[%add3A_11, %dma_start3A_22] : memref<64x128xi32, #tpu.memory_space<hbm>> -> memref<1x128xi32, #tpu.memory_space<hbm>>
        %dma_start3A_24 = tpu.memref_squeeze %dma_start3A_23 : memref<1x128xi32, #tpu.memory_space<hbm>> -> memref<128xi32, #tpu.memory_space<hbm>>
        tpu.enqueue_dma source(%dma_start3A_24 : memref<128xi32, #tpu.memory_space<hbm>>) target(%arg5 : memref<128xi32, #tpu.memory_space<vmem>>) target_semaphore(%run_scoped3A : memref<!tpu.dma_semaphore, #tpu.memory_space<semaphore_mem>>)
        %dma_wait3A_25 = arith.constant 0 : i32
        %dma_wait3A_26 = tpu.memref_slice %arg3[%add3A_11, %dma_wait3A_25] : memref<64x128xi32, #tpu.memory_space<hbm>> -> memref<1x128xi32, #tpu.memory_space<hbm>>
        %dma_wait3A_27 = tpu.memref_squeeze %dma_wait3A_26 : memref<1x128xi32, #tpu.memory_space<hbm>> -> memref<128xi32, #tpu.memory_space<hbm>>
        %dma_wait3A_28 = arith.constant 0 : i32
        %dma_wait3A_29 = tpu.memref_slice %arg3[%add3A_11, %dma_wait3A_28] : memref<64x128xi32, #tpu.memory_space<hbm>> -> memref<1x128xi32, #tpu.memory_space<hbm>>
        %dma_wait3A_30 = tpu.memref_squeeze %dma_wait3A_29 : memref<1x128xi32, #tpu.memory_space<hbm>> -> memref<128xi32, #tpu.memory_space<hbm>>
        tpu.wait_dma2 semaphore(%run_scoped3A : memref<!tpu.dma_semaphore, #tpu.memory_space<semaphore_mem>>) src(%dma_wait3A_30 : memref<128xi32, #tpu.memory_space<hbm>>) dst(%arg5 : memref<128xi32, #tpu.memory_space<vmem>>)
        tpu.yield
      }) : () -> ()
      %dma_start3A = arith.constant 0 : i32
      %dma_start3A_12 = arith.constant 0 : i32
      %dma_start3A_13 = tpu.memref_slice %arg2[%dma_start3A, %dma_start3A_12] : memref<20480x128xf32, #tpu.memory_space<hbm>> -> memref<20480x128xf32, #tpu.memory_space<hbm>>
      tpu.enqueue_indirect_dma source(%dma_start3A_13 : memref<20480x128xf32, #tpu.memory_space<hbm>>) target(%arg6 : memref<128x128xf32, #tpu.memory_space<vmem>>) offsets(%arg5 : memref<128xi32, #tpu.memory_space<vmem>>) semaphore(%arg7 : memref<!tpu.dma_semaphore, #tpu.memory_space<semaphore_mem>>)
      %dma_wait3A = arith.constant 0 : i32
      %dma_wait3A_14 = arith.constant 0 : i32
      %dma_wait3A_15 = tpu.memref_slice %arg2[%dma_wait3A, %dma_wait3A_14] : memref<20480x128xf32, #tpu.memory_space<hbm>> -> memref<20480x128xf32, #tpu.memory_space<hbm>>
      tpu.wait_indirect_dma semaphore(%arg7 : memref<!tpu.dma_semaphore, #tpu.memory_space<semaphore_mem>>) src(%dma_wait3A_15 : memref<20480x128xf32, #tpu.memory_space<hbm>>) dst(%arg6 : memref<128x128xf32, #tpu.memory_space<vmem>>)
      %mul3A_16 = arith.constant 128 : i32
      %mul3A_17 = arith.muli %add3A_11, %mul3A_16 : i32
      "tpu.region"() ({
        %run_scoped3A = tpu.sem_alloc : memref<!tpu.dma_semaphore, #tpu.memory_space<semaphore_mem>>
        %dma_start3A_19 = arith.constant 0 : i32
        %dma_start3A_20 = tpu.memref_slice %arg4[%mul3A_17, %dma_start3A_19] : memref<8192x128xf32, #tpu.memory_space<hbm>> -> memref<128x128xf32, #tpu.memory_space<hbm>>
        %dma_start3A_21 = arith.constant 0 : i32
        %dma_start3A_22 = tpu.memref_slice %arg4[%mul3A_17, %dma_start3A_21] : memref<8192x128xf32, #tpu.memory_space<hbm>> -> memref<128x128xf32, #tpu.memory_space<hbm>>
        tpu.enqueue_dma source(%arg6 : memref<128x128xf32, #tpu.memory_space<vmem>>) target(%dma_start3A_22 : memref<128x128xf32, #tpu.memory_space<hbm>>) target_semaphore(%run_scoped3A : memref<!tpu.dma_semaphore, #tpu.memory_space<semaphore_mem>>)
        %dma_wait3A_23 = arith.constant 0 : i32
        %dma_wait3A_24 = tpu.memref_slice %arg4[%mul3A_17, %dma_wait3A_23] : memref<8192x128xf32, #tpu.memory_space<hbm>> -> memref<128x128xf32, #tpu.memory_space<hbm>>
        %dma_wait3A_25 = arith.constant 0 : i32
        %dma_wait3A_26 = tpu.memref_slice %arg4[%mul3A_17, %dma_wait3A_25] : memref<8192x128xf32, #tpu.memory_space<hbm>> -> memref<128x128xf32, #tpu.memory_space<hbm>>
        tpu.wait_dma2 semaphore(%run_scoped3A : memref<!tpu.dma_semaphore, #tpu.memory_space<semaphore_mem>>) src(%arg6 : memref<128x128xf32, #tpu.memory_space<vmem>>) dst(%dma_wait3A_26 : memref<128x128xf32, #tpu.memory_space<hbm>>)
        tpu.yield
      }) : () -> ()
      %scan3A_18 = arith.constant 0 : i32
      scf.yield %scan3A_18 : i32
    }
    %scan3A_5 = arith.constant 2 : i32
    return
  }
}

#map = affine_map<(d0, d1) -> (0, 0)>
#map1 = affine_map<(d0, d1) -> (0, 0, 0)>
module attributes {stable_mosaic.version = 14 : i64} {
  func.func @agg_kernel(%arg0: i32, %arg1: i32, %arg2: memref<20480x128xf32, #tpu.memory_space<hbm>>, %arg3: memref<16x160x128xi32, #tpu.memory_space<hbm>>, %arg4: memref<16x160x128xi32, #tpu.memory_space<hbm>>, %arg5: memref<64x128xi32, #tpu.memory_space<hbm>>, %arg6: memref<2x8192x128xf32, #tpu.memory_space<hbm>>, %arg7: memref<32x128xi32, #tpu.memory_space<vmem>>, %arg8: memref<32x128xi32, #tpu.memory_space<vmem>>, %arg9: memref<128x128xf32, #tpu.memory_space<vmem>>, %arg10: memref<128x128xf32, #tpu.memory_space<vmem>>, %arg11: memref<128xi32, #tpu.memory_space<vmem>>, %arg12: memref<10248x128xf32, #tpu.memory_space<vmem_shared>>, %arg13: memref<!tpu.dma_semaphore, #tpu.memory_space<semaphore_mem>>, %arg14: memref<!tpu.dma_semaphore, #tpu.memory_space<semaphore_mem>>) attributes {dimension_semantics = [#tpu.dimension_semantics<core_parallel>, #tpu.dimension_semantics<subcore_parallel>], iteration_bounds = array<i64: 2, 16>, scalar_prefetch = 0 : i64, scratch_operands = 8 : i64, tpu.core_type = #tpu.core_type<sc_vector_subcore>, window_params = [{transform_indices = #map}, {transform_indices = #map1}, {transform_indices = #map1}, {transform_indices = #map}, {transform_indices = #map1}]} {
    %mul3A = arith.constant 10240 : i32
    %mul3A_0 = arith.muli %arg0, %mul3A : i32
    %iota3A = tpu.iota {dimensions = array<i32: 0>} : vector<16xi32>
    %broadcast_in_dim3A = arith.constant 0.000000e+00 : f32
    %broadcast_in_dim3A_1 = vector.broadcast %broadcast_in_dim3A : f32 to vector<16xf32>
    %scan3A = arith.constant 0 : i32
    %scan3A_2 = arith.constant 0 : i32
    %scan3A_3 = arith.constant 1024 : i32
    %scan3A_4 = arith.addi %scan3A_2, %scan3A_3 : i32
    %scan3A_5 = arith.constant 1 : i32
    %scan3A_6 = scf.for %scan3A_32 = %scan3A_2 to %scan3A_4 step %scan3A_5 iter_args(%scan3A_33 = %scan3A) -> (i32)  : i32 {
      %jit3A = arith.constant 8 : i32
      %div3A = arith.divsi %scan3A_32, %jit3A : i32
      %sign3A = arith.constant 0 : i32
      %sign3A_34 = arith.cmpi sgt, %scan3A_32, %sign3A : i32
      %sign3A_35 = arith.extui %sign3A_34 : i1 to i32
      %sign3A_36 = arith.constant 0 : i32
      %sign3A_37 = arith.cmpi slt, %scan3A_32, %sign3A_36 : i32
      %sign3A_38 = arith.extui %sign3A_37 : i1 to i32
      %sign3A_39 = arith.subi %sign3A_35, %sign3A_38 : i32
      %sign3A_40 = arith.constant 0 : i32
      %sign3A_41 = arith.cmpi sgt, %jit3A, %sign3A_40 : i32
      %sign3A_42 = arith.extui %sign3A_41 : i1 to i32
      %sign3A_43 = arith.constant 0 : i32
      %sign3A_44 = arith.cmpi slt, %jit3A, %sign3A_43 : i32
      %sign3A_45 = arith.extui %sign3A_44 : i1 to i32
      %sign3A_46 = arith.subi %sign3A_42, %sign3A_45 : i32
      %ne3A = arith.cmpi ne, %sign3A_39, %sign3A_46 : i32
      %rem3A = arith.remsi %scan3A_32, %jit3A : i32
      %ne3A_47 = arith.constant 0 : i32
      %ne3A_48 = arith.cmpi ne, %rem3A, %ne3A_47 : i32
      %and3A = arith.andi %ne3A, %ne3A_48 : i1
      %sub3A = arith.constant 1 : i32
      %sub3A_49 = arith.subi %div3A, %sub3A : i32
      %select_n3A = arith.select %and3A, %sub3A_49, %div3A : i32
      %jit3A_50 = arith.constant 8 : i32
      %eq3A_51 = arith.constant 0 : i32
      %eq3A_52 = arith.cmpi eq, %jit3A_50, %eq3A_51 : i32
      %jit3A_53 = arith.constant 1 : i32
      %select_n3A_54 = arith.select %eq3A_52, %jit3A_53, %jit3A_50 : i32
      %rem3A_55 = arith.remsi %scan3A_32, %select_n3A_54 : i32
      %ne3A_56 = arith.constant 0 : i32
      %ne3A_57 = arith.cmpi ne, %rem3A_55, %ne3A_56 : i32
      %lt3A = arith.constant 0 : i32
      %lt3A_58 = arith.cmpi slt, %rem3A_55, %lt3A : i32
      %lt3A_59 = arith.constant 0 : i32
      %lt3A_60 = arith.cmpi slt, %select_n3A_54, %lt3A_59 : i32
      %ne3A_61 = arith.xori %lt3A_58, %lt3A_60 : i1
      %and3A_62 = arith.andi %ne3A_61, %ne3A_57 : i1
      %add3A = arith.addi %rem3A_55, %select_n3A_54 : i32
      %select_n3A_63 = arith.select %and3A_62, %add3A, %rem3A_55 : i32
      %mul3A_64 = arith.constant 16 : i32
      %mul3A_65 = arith.muli %select_n3A_63, %mul3A_64 : i32
      %swap3A = arith.index_cast %select_n3A : i32 to index
      %swap3A_66 = arith.index_cast %mul3A_65 : i32 to index
      %swap3A_67 = tpu.vector_load %arg10[%swap3A, %swap3A_66] {strides = array<i32>} : memref<128x128xf32, #tpu.memory_space<vmem>>, vector<1x16xf32>,
      %swap3A_68 = vector.shape_cast %swap3A_67 : vector<1x16xf32> to vector<16xf32>
      %swap3A_69 = vector.shape_cast %broadcast_in_dim3A_1 : vector<16xf32> to vector<1x16xf32>
      tpu.vector_store %arg10[%swap3A, %swap3A_66], %swap3A_69 {strides = array<i32>} : memref<128x128xf32, #tpu.memory_space<vmem>>, vector<1x16xf32>,
      %scan3A_70 = arith.constant 0 : i32
      scf.yield %scan3A_70 : i32
    }
    %scan3A_7 = arith.constant 1024 : i32
    %scan3A_8 = arith.constant 0 : i32
    %scan3A_9 = arith.constant 0 : i32
    %scan3A_10 = arith.constant 5 : i32
    %scan3A_11 = arith.addi %scan3A_9, %scan3A_10 : i32
    %scan3A_12 = arith.constant 1 : i32
    %scan3A_13 = scf.for %scan3A_32 = %scan3A_9 to %scan3A_11 step %scan3A_12 iter_args(%scan3A_33 = %scan3A_8) -> (i32)  : i32 {
      %mul3A_34 = arith.constant 640 : i32
      %mul3A_35 = arith.muli %arg1, %mul3A_34 : i32
      %mul3A_36 = arith.constant 128 : i32
      %mul3A_37 = arith.muli %scan3A_32, %mul3A_36 : i32
      %add3A = arith.addi %mul3A_35, %mul3A_37 : i32
      %scan3A_38 = arith.constant 0 : i32
      %scan3A_39 = arith.constant 0 : i32
      %scan3A_40 = arith.constant 8 : i32
      %scan3A_41 = arith.addi %scan3A_39, %scan3A_40 : i32
      %scan3A_42 = arith.constant 1 : i32
      %scan3A_43 = scf.for %scan3A_46 = %scan3A_39 to %scan3A_41 step %scan3A_42 iter_args(%scan3A_47 = %scan3A_38) -> (i32)  : i32 {
        %mul3A_48 = arith.constant 16 : i32
        %mul3A_49 = arith.muli %scan3A_46, %mul3A_48 : i32
        %add3A_50 = arith.addi %add3A, %mul3A_49 : i32
        %add3A_51 = vector.broadcast %add3A_50 : i32 to vector<16xi32>
        %add3A_52 = arith.addi %add3A_51, %iota3A : vector<16xi32>
        %mul3A_53 = arith.constant 16 : i32
        %mul3A_54 = arith.muli %scan3A_46, %mul3A_53 : i32
        %swap3A = arith.index_cast %mul3A_54 : i32 to index
        %swap3A_55 = tpu.vector_load %arg11[%swap3A] {strides = array<i32>} : memref<128xi32, #tpu.memory_space<vmem>>, vector<16xi32>,
        %swap3A_56 = vector.shape_cast %swap3A_55 : vector<16xi32> to vector<16xi32>
        %swap3A_57 = vector.shape_cast %add3A_52 : vector<16xi32> to vector<16xi32>
        tpu.vector_store %arg11[%swap3A], %swap3A_57 {strides = array<i32>} : memref<128xi32, #tpu.memory_space<vmem>>, vector<16xi32>,
        %scan3A_58 = arith.constant 0 : i32
        scf.yield %scan3A_58 : i32
      }
      %scan3A_44 = arith.constant 8 : i32
      "tpu.region"() ({
        %run_scoped3A = tpu.sem_alloc : memref<!tpu.dma_semaphore, #tpu.memory_space<semaphore_mem>>
        %dma_start3A = arith.constant 0 : i32
        %dma_start3A_46 = arith.constant 0 : i32
        %dma_start3A_47 = tpu.memref_slice %arg12[%dma_start3A, %dma_start3A_46] : memref<10248x128xf32, #tpu.memory_space<vmem_shared>> -> memref<10248x128xf32, #tpu.memory_space<vmem_shared>>
        tpu.enqueue_indirect_dma source(%arg10 : memref<128x128xf32, #tpu.memory_space<vmem>>) target(%dma_start3A_47 : memref<10248x128xf32, #tpu.memory_space<vmem_shared>>) offsets(%arg11 : memref<128xi32, #tpu.memory_space<vmem>>) semaphore(%run_scoped3A : memref<!tpu.dma_semaphore, #tpu.memory_space<semaphore_mem>>)
        %dma_wait3A = arith.constant 0 : i32
        %dma_wait3A_48 = arith.constant 0 : i32
        %dma_wait3A_49 = tpu.memref_slice %arg12[%dma_wait3A, %dma_wait3A_48] : memref<10248x128xf32, #tpu.memory_space<vmem_shared>> -> memref<10248x128xf32, #tpu.memory_space<vmem_shared>>
        tpu.wait_indirect_dma semaphore(%run_scoped3A : memref<!tpu.dma_semaphore, #tpu.memory_space<semaphore_mem>>) src(%arg10 : memref<128x128xf32, #tpu.memory_space<vmem>>) dst(%dma_wait3A_49 : memref<10248x128xf32, #tpu.memory_space<vmem_shared>>)
        tpu.yield
      }) : () -> ()
      %scan3A_45 = arith.constant 0 : i32
      scf.yield %scan3A_45 : i32
    }
    %scan3A_14 = arith.constant 5 : i32
    %eq3A = arith.constant 0 : i32
    %eq3A_15 = arith.cmpi eq, %arg1, %eq3A : i32
    %convert_element_type3A = arith.extui %eq3A_15 : i1 to i32
    %cond3A = arith.constant 0 : i32
    %cond3A_16 = arith.cmpi ne, %convert_element_type3A, %cond3A : i32
    scf.if %cond3A_16 {
      %scan3A_32 = arith.constant 0 : i32
      %scan3A_33 = arith.constant 0 : i32
      %scan3A_34 = arith.constant 8 : i32
      %scan3A_35 = arith.addi %scan3A_33, %scan3A_34 : i32
      %scan3A_36 = arith.constant 1 : i32
      %scan3A_37 = scf.for %scan3A_39 = %scan3A_33 to %scan3A_35 step %scan3A_36 iter_args(%scan3A_40 = %scan3A_32) -> (i32)  : i32 {
        %mul3A_41 = arith.constant 16 : i32
        %mul3A_42 = arith.muli %scan3A_39, %mul3A_41 : i32
        %add3A = arith.constant 10120 : i32
        %add3A_43 = arith.addi %add3A, %mul3A_42 : i32
        %add3A_44 = vector.broadcast %add3A_43 : i32 to vector<16xi32>
        %add3A_45 = arith.addi %add3A_44, %iota3A : vector<16xi32>
        %mul3A_46 = arith.constant 16 : i32
        %mul3A_47 = arith.muli %scan3A_39, %mul3A_46 : i32
        %swap3A = arith.index_cast %mul3A_47 : i32 to index
        %swap3A_48 = tpu.vector_load %arg11[%swap3A] {strides = array<i32>} : memref<128xi32, #tpu.memory_space<vmem>>, vector<16xi32>,
        %swap3A_49 = vector.shape_cast %swap3A_48 : vector<16xi32> to vector<16xi32>
        %swap3A_50 = vector.shape_cast %add3A_45 : vector<16xi32> to vector<16xi32>
        tpu.vector_store %arg11[%swap3A], %swap3A_50 {strides = array<i32>} : memref<128xi32, #tpu.memory_space<vmem>>, vector<16xi32>,
        %scan3A_51 = arith.constant 0 : i32
        scf.yield %scan3A_51 : i32
      }
      %scan3A_38 = arith.constant 8 : i32
      "tpu.region"() ({
        %run_scoped3A = tpu.sem_alloc : memref<!tpu.dma_semaphore, #tpu.memory_space<semaphore_mem>>
        %dma_start3A = arith.constant 0 : i32
        %dma_start3A_39 = arith.constant 0 : i32
        %dma_start3A_40 = tpu.memref_slice %arg12[%dma_start3A, %dma_start3A_39] : memref<10248x128xf32, #tpu.memory_space<vmem_shared>> -> memref<10248x128xf32, #tpu.memory_space<vmem_shared>>
        tpu.enqueue_indirect_dma source(%arg10 : memref<128x128xf32, #tpu.memory_space<vmem>>) target(%dma_start3A_40 : memref<10248x128xf32, #tpu.memory_space<vmem_shared>>) offsets(%arg11 : memref<128xi32, #tpu.memory_space<vmem>>) semaphore(%run_scoped3A : memref<!tpu.dma_semaphore, #tpu.memory_space<semaphore_mem>>)
        %dma_wait3A = arith.constant 0 : i32
        %dma_wait3A_41 = arith.constant 0 : i32
        %dma_wait3A_42 = tpu.memref_slice %arg12[%dma_wait3A, %dma_wait3A_41] : memref<10248x128xf32, #tpu.memory_space<vmem_shared>> -> memref<10248x128xf32, #tpu.memory_space<vmem_shared>>
        tpu.wait_indirect_dma semaphore(%run_scoped3A : memref<!tpu.dma_semaphore, #tpu.memory_space<semaphore_mem>>) src(%arg10 : memref<128x128xf32, #tpu.memory_space<vmem>>) dst(%dma_wait3A_42 : memref<10248x128xf32, #tpu.memory_space<vmem_shared>>)
        tpu.yield
      }) : () -> ()
    } else {
    }
    %barrier3A = arith.constant 0 : index
    tpu.barrier barrier_id(%barrier3A)
    %scan3A_17 = arith.constant 0 : i32
    %scan3A_18 = arith.constant 0 : i32
    %scan3A_19 = arith.constant 5 : i32
    %scan3A_20 = arith.addi %scan3A_18, %scan3A_19 : i32
    %scan3A_21 = arith.constant 1 : i32
    %scan3A_22 = scf.for %scan3A_32 = %scan3A_18 to %scan3A_20 step %scan3A_21 iter_args(%scan3A_33 = %scan3A_17) -> (i32)  : i32 {
      %mul3A_34 = arith.constant 32 : i32
      %mul3A_35 = arith.muli %scan3A_32, %mul3A_34 : i32
      "tpu.region"() ({
        %run_scoped3A_523 = tpu.sem_alloc : memref<!tpu.dma_semaphore, #tpu.memory_space<semaphore_mem>>
        %dma_start3A_524 = arith.constant 0 : i32
        %dma_start3A_525 = tpu.memref_slice %arg3[%arg1, %mul3A_35, %dma_start3A_524] : memref<16x160x128xi32, #tpu.memory_space<hbm>> -> memref<1x32x128xi32, #tpu.memory_space<hbm>>
        %dma_start3A_526 = tpu.memref_squeeze %dma_start3A_525 : memref<1x32x128xi32, #tpu.memory_space<hbm>> -> memref<32x128xi32, #tpu.memory_space<hbm>>
        %dma_start3A_527 = arith.constant 0 : i32
        %dma_start3A_528 = tpu.memref_slice %arg3[%arg1, %mul3A_35, %dma_start3A_527] : memref<16x160x128xi32, #tpu.memory_space<hbm>> -> memref<1x32x128xi32, #tpu.memory_space<hbm>>
        %dma_start3A_529 = tpu.memref_squeeze %dma_start3A_528 : memref<1x32x128xi32, #tpu.memory_space<hbm>> -> memref<32x128xi32, #tpu.memory_space<hbm>>
        tpu.enqueue_dma source(%dma_start3A_529 : memref<32x128xi32, #tpu.memory_space<hbm>>) target(%arg7 : memref<32x128xi32, #tpu.memory_space<vmem>>) target_semaphore(%run_scoped3A_523 : memref<!tpu.dma_semaphore, #tpu.memory_space<semaphore_mem>>)
        %dma_wait3A_530 = arith.constant 0 : i32
        %dma_wait3A_531 = tpu.memref_slice %arg3[%arg1, %mul3A_35, %dma_wait3A_530] : memref<16x160x128xi32, #tpu.memory_space<hbm>> -> memref<1x32x128xi32, #tpu.memory_space<hbm>>
        %dma_wait3A_532 = tpu.memref_squeeze %dma_wait3A_531 : memref<1x32x128xi32, #tpu.memory_space<hbm>> -> memref<32x128xi32, #tpu.memory_space<hbm>>
        %dma_wait3A_533 = arith.constant 0 : i32
        %dma_wait3A_534 = tpu.memref_slice %arg3[%arg1, %mul3A_35, %dma_wait3A_533] : memref<16x160x128xi32, #tpu.memory_space<hbm>> -> memref<1x32x128xi32, #tpu.memory_space<hbm>>
        %dma_wait3A_535 = tpu.memref_squeeze %dma_wait3A_534 : memref<1x32x128xi32, #tpu.memory_space<hbm>> -> memref<32x128xi32, #tpu.memory_space<hbm>>
        tpu.wait_dma2 semaphore(%run_scoped3A_523 : memref<!tpu.dma_semaphore, #tpu.memory_space<semaphore_mem>>) src(%dma_wait3A_535 : memref<32x128xi32, #tpu.memory_space<hbm>>) dst(%arg7 : memref<32x128xi32, #tpu.memory_space<vmem>>)
        tpu.yield
      }) : () -> ()
      %mul3A_36 = arith.constant 32 : i32
      %mul3A_37 = arith.muli %scan3A_32, %mul3A_36 : i32
      "tpu.region"() ({
        %run_scoped3A_523 = tpu.sem_alloc : memref<!tpu.dma_semaphore, #tpu.memory_space<semaphore_mem>>
        %dma_start3A_524 = arith.constant 0 : i32
        %dma_start3A_525 = tpu.memref_slice %arg4[%arg1, %mul3A_37, %dma_start3A_524] : memref<16x160x128xi32, #tpu.memory_space<hbm>> -> memref<1x32x128xi32, #tpu.memory_space<hbm>>
        %dma_start3A_526 = tpu.memref_squeeze %dma_start3A_525 : memref<1x32x128xi32, #tpu.memory_space<hbm>> -> memref<32x128xi32, #tpu.memory_space<hbm>>
        %dma_start3A_527 = arith.constant 0 : i32
        %dma_start3A_528 = tpu.memref_slice %arg4[%arg1, %mul3A_37, %dma_start3A_527] : memref<16x160x128xi32, #tpu.memory_space<hbm>> -> memref<1x32x128xi32, #tpu.memory_space<hbm>>
        %dma_start3A_529 = tpu.memref_squeeze %dma_start3A_528 : memref<1x32x128xi32, #tpu.memory_space<hbm>> -> memref<32x128xi32, #tpu.memory_space<hbm>>
        tpu.enqueue_dma source(%dma_start3A_529 : memref<32x128xi32, #tpu.memory_space<hbm>>) target(%arg8 : memref<32x128xi32, #tpu.memory_space<vmem>>) target_semaphore(%run_scoped3A_523 : memref<!tpu.dma_semaphore, #tpu.memory_space<semaphore_mem>>)
        %dma_wait3A_530 = arith.constant 0 : i32
        %dma_wait3A_531 = tpu.memref_slice %arg4[%arg1, %mul3A_37, %dma_wait3A_530] : memref<16x160x128xi32, #tpu.memory_space<hbm>> -> memref<1x32x128xi32, #tpu.memory_space<hbm>>
        %dma_wait3A_532 = tpu.memref_squeeze %dma_wait3A_531 : memref<1x32x128xi32, #tpu.memory_space<hbm>> -> memref<32x128xi32, #tpu.memory_space<hbm>>
        %dma_wait3A_533 = arith.constant 0 : i32
        %dma_wait3A_534 = tpu.memref_slice %arg4[%arg1, %mul3A_37, %dma_wait3A_533] : memref<16x160x128xi32, #tpu.memory_space<hbm>> -> memref<1x32x128xi32, #tpu.memory_space<hbm>>
        %dma_wait3A_535 = tpu.memref_squeeze %dma_wait3A_534 : memref<1x32x128xi32, #tpu.memory_space<hbm>> -> memref<32x128xi32, #tpu.memory_space<hbm>>
        tpu.wait_dma2 semaphore(%run_scoped3A_523 : memref<!tpu.dma_semaphore, #tpu.memory_space<semaphore_mem>>) src(%dma_wait3A_535 : memref<32x128xi32, #tpu.memory_space<hbm>>) dst(%arg8 : memref<32x128xi32, #tpu.memory_space<vmem>>)
        tpu.yield
      }) : () -> ()
      %scan3A_38 = arith.constant 0 : i32
      %scan3A_39 = arith.constant 0 : i32
      %scan3A_40 = arith.constant 256 : i32
      %scan3A_41 = arith.addi %scan3A_39, %scan3A_40 : i32
      %scan3A_42 = arith.constant 1 : i32
      %scan3A_43 = scf.for %scan3A_523 = %scan3A_39 to %scan3A_41 step %scan3A_42 iter_args(%scan3A_524 = %scan3A_38) -> (i32)  : i32 {
        %jit3A = arith.constant 8 : i32
        %div3A = arith.divsi %scan3A_523, %jit3A : i32
        %sign3A = arith.constant 0 : i32
        %sign3A_525 = arith.cmpi sgt, %scan3A_523, %sign3A : i32
        %sign3A_526 = arith.extui %sign3A_525 : i1 to i32
        %sign3A_527 = arith.constant 0 : i32
        %sign3A_528 = arith.cmpi slt, %scan3A_523, %sign3A_527 : i32
        %sign3A_529 = arith.extui %sign3A_528 : i1 to i32
        %sign3A_530 = arith.subi %sign3A_526, %sign3A_529 : i32
        %sign3A_531 = arith.constant 0 : i32
        %sign3A_532 = arith.cmpi sgt, %jit3A, %sign3A_531 : i32
        %sign3A_533 = arith.extui %sign3A_532 : i1 to i32
        %sign3A_534 = arith.constant 0 : i32
        %sign3A_535 = arith.cmpi slt, %jit3A, %sign3A_534 : i32
        %sign3A_536 = arith.extui %sign3A_535 : i1 to i32
        %sign3A_537 = arith.subi %sign3A_533, %sign3A_536 : i32
        %ne3A = arith.cmpi ne, %sign3A_530, %sign3A_537 : i32
        %rem3A = arith.remsi %scan3A_523, %jit3A : i32
        %ne3A_538 = arith.constant 0 : i32
        %ne3A_539 = arith.cmpi ne, %rem3A, %ne3A_538 : i32
        %and3A = arith.andi %ne3A, %ne3A_539 : i1
        %sub3A = arith.constant 1 : i32
        %sub3A_540 = arith.subi %div3A, %sub3A : i32
        %select_n3A = arith.select %and3A, %sub3A_540, %div3A : i32
        %jit3A_541 = arith.constant 8 : i32
        %eq3A_542 = arith.constant 0 : i32
        %eq3A_543 = arith.cmpi eq, %jit3A_541, %eq3A_542 : i32
        %jit3A_544 = arith.constant 1 : i32
        %select_n3A_545 = arith.select %eq3A_543, %jit3A_544, %jit3A_541 : i32
        %rem3A_546 = arith.remsi %scan3A_523, %select_n3A_545 : i32
        %ne3A_547 = arith.constant 0 : i32
        %ne3A_548 = arith.cmpi ne, %rem3A_546, %ne3A_547 : i32
        %lt3A = arith.constant 0 : i32
        %lt3A_549 = arith.cmpi slt, %rem3A_546, %lt3A : i32
        %lt3A_550 = arith.constant 0 : i32
        %lt3A_551 = arith.cmpi slt, %select_n3A_545, %lt3A_550 : i32
        %ne3A_552 = arith.xori %lt3A_549, %lt3A_551 : i1
        %and3A_553 = arith.andi %ne3A_552, %ne3A_548 : i1
        %add3A = arith.addi %rem3A_546, %select_n3A_545 : i32
        %select_n3A_554 = arith.select %and3A_553, %add3A, %rem3A_546 : i32
        %mul3A_555 = arith.constant 16 : i32
        %mul3A_556 = arith.muli %select_n3A_554, %mul3A_555 : i32
        %get3A = arith.index_cast %select_n3A : i32 to index
        %get3A_557 = arith.index_cast %mul3A_556 : i32 to index
        %get3A_558 = tpu.vector_load %arg8[%get3A, %get3A_557] {strides = array<i32>} : memref<32x128xi32, #tpu.memory_space<vmem>>, vector<1x16xi32>,
        %get3A_559 = vector.shape_cast %get3A_558 : vector<1x16xi32> to vector<16xi32>
        %sub3A_560 = vector.broadcast %mul3A_0 : i32 to vector<16xi32>
        %sub3A_561 = arith.subi %get3A_559, %sub3A_560 : vector<16xi32>
        %ge3A = arith.constant 0 : i32
        %ge3A_562 = vector.broadcast %ge3A : i32 to vector<16xi32>
        %ge3A_563 = arith.cmpi sge, %sub3A_561, %ge3A_562 : vector<16xi32>
        %lt3A_564 = arith.constant 10240 : i32
        %lt3A_565 = vector.broadcast %lt3A_564 : i32 to vector<16xi32>
        %lt3A_566 = arith.cmpi slt, %sub3A_561, %lt3A_565 : vector<16xi32>
        %and3A_567 = arith.andi %ge3A_563, %lt3A_566 : vector<16xi1>
        %jit3A_568 = arith.constant 10240 : i32
        %broadcast_in_dim3A_569 = vector.broadcast %jit3A_568 : i32 to vector<16xi32>
        %select_n3A_570 = arith.select %and3A_567, %sub3A_561, %broadcast_in_dim3A_569 : vector<16xi1>, vector<16xi32>
        %swap3A = arith.index_cast %select_n3A : i32 to index
        %swap3A_571 = arith.index_cast %mul3A_556 : i32 to index
        %swap3A_572 = tpu.vector_load %arg8[%swap3A, %swap3A_571] {strides = array<i32>} : memref<32x128xi32, #tpu.memory_space<vmem>>, vector<1x16xi32>,
        %swap3A_573 = vector.shape_cast %swap3A_572 : vector<1x16xi32> to vector<16xi32>
        %swap3A_574 = vector.shape_cast %select_n3A_570 : vector<16xi32> to vector<1x16xi32>
        tpu.vector_store %arg8[%swap3A, %swap3A_571], %swap3A_574 {strides = array<i32>} : memref<32x128xi32, #tpu.memory_space<vmem>>, vector<1x16xi32>,
        %scan3A_575 = arith.constant 0 : i32
        scf.yield %scan3A_575 : i32
      }
      %scan3A_44 = arith.constant 256 : i32
      %dma_start3A = arith.constant 0 : i32
      %dma_start3A_45 = arith.constant 0 : i32
      %dma_start3A_46 = tpu.memref_slice %arg7[%dma_start3A, %dma_start3A_45] : memref<32x128xi32, #tpu.memory_space<vmem>> -> memref<1x128xi32, #tpu.memory_space<vmem>>
      %dma_start3A_47 = tpu.memref_squeeze %dma_start3A_46 : memref<1x128xi32, #tpu.memory_space<vmem>> -> memref<128xi32, #tpu.memory_space<vmem>>
      %dma_start3A_48 = arith.constant 0 : i32
      %dma_start3A_49 = arith.constant 0 : i32
      %dma_start3A_50 = tpu.memref_slice %arg2[%dma_start3A_48, %dma_start3A_49] : memref<20480x128xf32, #tpu.memory_space<hbm>> -> memref<20480x128xf32, #tpu.memory_space<hbm>>
      tpu.enqueue_indirect_dma source(%dma_start3A_50 : memref<20480x128xf32, #tpu.memory_space<hbm>>) target(%arg9 : memref<128x128xf32, #tpu.memory_space<vmem>>) offsets(%dma_start3A_47 : memref<128xi32, #tpu.memory_space<vmem>>) semaphore(%arg13 : memref<!tpu.dma_semaphore, #tpu.memory_space<semaphore_mem>>)
      %dma_start3A_51 = arith.constant 1 : i32
      %dma_start3A_52 = arith.constant 0 : i32
      %dma_start3A_53 = tpu.memref_slice %arg7[%dma_start3A_51, %dma_start3A_52] : memref<32x128xi32, #tpu.memory_space<vmem>> -> memref<1x128xi32, #tpu.memory_space<vmem>>
      %dma_start3A_54 = tpu.memref_squeeze %dma_start3A_53 : memref<1x128xi32, #tpu.memory_space<vmem>> -> memref<128xi32, #tpu.memory_space<vmem>>
      %dma_start3A_55 = arith.constant 0 : i32
      %dma_start3A_56 = arith.constant 0 : i32
      %dma_start3A_57 = tpu.memref_slice %arg2[%dma_start3A_55, %dma_start3A_56] : memref<20480x128xf32, #tpu.memory_space<hbm>> -> memref<20480x128xf32, #tpu.memory_space<hbm>>
      tpu.enqueue_indirect_dma source(%dma_start3A_57 : memref<20480x128xf32, #tpu.memory_space<hbm>>) target(%arg10 : memref<128x128xf32, #tpu.memory_space<vmem>>) offsets(%dma_start3A_54 : memref<128xi32, #tpu.memory_space<vmem>>) semaphore(%arg14 : memref<!tpu.dma_semaphore, #tpu.memory_space<semaphore_mem>>)
      %dma_wait3A = arith.constant 0 : i32
      %dma_wait3A_58 = arith.constant 0 : i32
      %dma_wait3A_59 = tpu.memref_slice %arg7[%dma_wait3A, %dma_wait3A_58] : memref<32x128xi32, #tpu.memory_space<vmem>> -> memref<1x128xi32, #tpu.memory_space<vmem>>
      %dma_wait3A_60 = tpu.memref_squeeze %dma_wait3A_59 : memref<1x128xi32, #tpu.memory_space<vmem>> -> memref<128xi32, #tpu.memory_space<vmem>>
      %dma_wait3A_61 = arith.constant 0 : i32
      %dma_wait3A_62 = arith.constant 0 : i32
      %dma_wait3A_63 = tpu.memref_slice %arg2[%dma_wait3A_61, %dma_wait3A_62] : memref<20480x128xf32, #tpu.memory_space<hbm>> -> memref<20480x128xf32, #tpu.memory_space<hbm>>
      tpu.wait_indirect_dma semaphore(%arg13 : memref<!tpu.dma_semaphore, #tpu.memory_space<semaphore_mem>>) src(%dma_wait3A_63 : memref<20480x128xf32, #tpu.memory_space<hbm>>) dst(%arg9 : memref<128x128xf32, #tpu.memory_space<vmem>>)
      %run_scoped3A = arith.constant 0 : i32
      "tpu.region"() ({
        %run_scoped3A_523 = tpu.sem_alloc : memref<!tpu.dma_semaphore, #tpu.memory_space<semaphore_mem>>
        %dma_start3A_524 = arith.constant 0 : i32
        %dma_start3A_525 = tpu.memref_slice %arg8[%run_scoped3A, %dma_start3A_524] : memref<32x128xi32, #tpu.memory_space<vmem>> -> memref<1x128xi32, #tpu.memory_space<vmem>>
        %dma_start3A_526 = tpu.memref_squeeze %dma_start3A_525 : memref<1x128xi32, #tpu.memory_space<vmem>> -> memref<128xi32, #tpu.memory_space<vmem>>
        %dma_start3A_527 = arith.constant 0 : i32
        %dma_start3A_528 = arith.constant 0 : i32
        %dma_start3A_529 = tpu.memref_slice %arg12[%dma_start3A_527, %dma_start3A_528] : memref<10248x128xf32, #tpu.memory_space<vmem_shared>> -> memref<10248x128xf32, #tpu.memory_space<vmem_shared>>
        tpu.enqueue_indirect_dma source(%arg9 : memref<128x128xf32, #tpu.memory_space<vmem>>) target(%dma_start3A_529 : memref<10248x128xf32, #tpu.memory_space<vmem_shared>>) offsets(%dma_start3A_526 : memref<128xi32, #tpu.memory_space<vmem>>) semaphore(%run_scoped3A_523 : memref<!tpu.dma_semaphore, #tpu.memory_space<semaphore_mem>>) {add = true}
        %dma_wait3A_530 = arith.constant 0 : i32
        %dma_wait3A_531 = tpu.memref_slice %arg8[%run_scoped3A, %dma_wait3A_530] : memref<32x128xi32, #tpu.memory_space<vmem>> -> memref<1x128xi32, #tpu.memory_space<vmem>>
        %dma_wait3A_532 = tpu.memref_squeeze %dma_wait3A_531 : memref<1x128xi32, #tpu.memory_space<vmem>> -> memref<128xi32, #tpu.memory_space<vmem>>
        %dma_wait3A_533 = arith.constant 0 : i32
        %dma_wait3A_534 = arith.constant 0 : i32
        %dma_wait3A_535 = tpu.memref_slice %arg12[%dma_wait3A_533, %dma_wait3A_534] : memref<10248x128xf32, #tpu.memory_space<vmem_shared>> -> memref<10248x128xf32, #tpu.memory_space<vmem_shared>>
        tpu.wait_indirect_dma semaphore(%run_scoped3A_523 : memref<!tpu.dma_semaphore, #tpu.memory_space<semaphore_mem>>) src(%arg9 : memref<128x128xf32, #tpu.memory_space<vmem>>) dst(%dma_wait3A_535 : memref<10248x128xf32, #tpu.memory_space<vmem_shared>>)
        tpu.yield
      }) : () -> ()
      %dma_start3A_64 = arith.constant 2 : i32
      %dma_start3A_65 = arith.constant 0 : i32
      %dma_start3A_66 = tpu.memref_slice %arg7[%dma_start3A_64, %dma_start3A_65] : memref<32x128xi32, #tpu.memory_space<vmem>> -> memref<1x128xi32, #tpu.memory_space<vmem>>
      %dma_start3A_67 = tpu.memref_squeeze %dma_start3A_66 : memref<1x128xi32, #tpu.memory_space<vmem>> -> memref<128xi32, #tpu.memory_space<vmem>>
      %dma_start3A_68 = arith.constant 0 : i32
      %dma_start3A_69 = arith.constant 0 : i32
      %dma_start3A_70 = tpu.memref_slice %arg2[%dma_start3A_68, %dma_start3A_69] : memref<20480x128xf32, #tpu.memory_space<hbm>> -> memref<20480x128xf32, #tpu.memory_space<hbm>>
      tpu.enqueue_indirect_dma source(%dma_start3A_70 : memref<20480x128xf32, #tpu.memory_space<hbm>>) target(%arg9 : memref<128x128xf32, #tpu.memory_space<vmem>>) offsets(%dma_start3A_67 : memref<128xi32, #tpu.memory_space<vmem>>) semaphore(%arg13 : memref<!tpu.dma_semaphore, #tpu.memory_space<semaphore_mem>>)
      %dma_wait3A_71 = arith.constant 1 : i32
      %dma_wait3A_72 = arith.constant 0 : i32
      %dma_wait3A_73 = tpu.memref_slice %arg7[%dma_wait3A_71, %dma_wait3A_72] : memref<32x128xi32, #tpu.memory_space<vmem>> -> memref<1x128xi32, #tpu.memory_space<vmem>>
      %dma_wait3A_74 = tpu.memref_squeeze %dma_wait3A_73 : memref<1x128xi32, #tpu.memory_space<vmem>> -> memref<128xi32, #tpu.memory_space<vmem>>
      %dma_wait3A_75 = arith.constant 0 : i32
      %dma_wait3A_76 = arith.constant 0 : i32
      %dma_wait3A_77 = tpu.memref_slice %arg2[%dma_wait3A_75, %dma_wait3A_76] : memref<20480x128xf32, #tpu.memory_space<hbm>> -> memref<20480x128xf32, #tpu.memory_space<hbm>>
      tpu.wait_indirect_dma semaphore(%arg14 : memref<!tpu.dma_semaphore, #tpu.memory_space<semaphore_mem>>) src(%dma_wait3A_77 : memref<20480x128xf32, #tpu.memory_space<hbm>>) dst(%arg10 : memref<128x128xf32, #tpu.memory_space<vmem>>)
      %run_scoped3A_78 = arith.constant 1 : i32
      "tpu.region"() ({
        %run_scoped3A_523 = tpu.sem_alloc : memref<!tpu.dma_semaphore, #tpu.memory_space<semaphore_mem>>
        %dma_start3A_524 = arith.constant 0 : i32
        %dma_start3A_525 = tpu.memref_slice %arg8[%run_scoped3A_78, %dma_start3A_524] : memref<32x128xi32, #tpu.memory_space<vmem>> -> memref<1x128xi32, #tpu.memory_space<vmem>>
        %dma_start3A_526 = tpu.memref_squeeze %dma_start3A_525 : memref<1x128xi32, #tpu.memory_space<vmem>> -> memref<128xi32, #tpu.memory_space<vmem>>
        %dma_start3A_527 = arith.constant 0 : i32
        %dma_start3A_528 = arith.constant 0 : i32
        %dma_start3A_529 = tpu.memref_slice %arg12[%dma_start3A_527, %dma_start3A_528] : memref<10248x128xf32, #tpu.memory_space<vmem_shared>> -> memref<10248x128xf32, #tpu.memory_space<vmem_shared>>
        tpu.enqueue_indirect_dma source(%arg10 : memref<128x128xf32, #tpu.memory_space<vmem>>) target(%dma_start3A_529 : memref<10248x128xf32, #tpu.memory_space<vmem_shared>>) offsets(%dma_start3A_526 : memref<128xi32, #tpu.memory_space<vmem>>) semaphore(%run_scoped3A_523 : memref<!tpu.dma_semaphore, #tpu.memory_space<semaphore_mem>>) {add = true}
        %dma_wait3A_530 = arith.constant 0 : i32
        %dma_wait3A_531 = tpu.memref_slice %arg8[%run_scoped3A_78, %dma_wait3A_530] : memref<32x128xi32, #tpu.memory_space<vmem>> -> memref<1x128xi32, #tpu.memory_space<vmem>>
        %dma_wait3A_532 = tpu.memref_squeeze %dma_wait3A_531 : memref<1x128xi32, #tpu.memory_space<vmem>> -> memref<128xi32, #tpu.memory_space<vmem>>
        %dma_wait3A_533 = arith.constant 0 : i32
        %dma_wait3A_534 = arith.constant 0 : i32
        %dma_wait3A_535 = tpu.memref_slice %arg12[%dma_wait3A_533, %dma_wait3A_534] : memref<10248x128xf32, #tpu.memory_space<vmem_shared>> -> memref<10248x128xf32, #tpu.memory_space<vmem_shared>>
        tpu.wait_indirect_dma semaphore(%run_scoped3A_523 : memref<!tpu.dma_semaphore, #tpu.memory_space<semaphore_mem>>) src(%arg10 : memref<128x128xf32, #tpu.memory_space<vmem>>) dst(%dma_wait3A_535 : memref<10248x128xf32, #tpu.memory_space<vmem_shared>>)
        tpu.yield
      }) : () -> ()
      %dma_start3A_79 = arith.constant 3 : i32
      %dma_start3A_80 = arith.constant 0 : i32
      %dma_start3A_81 = tpu.memref_slice %arg7[%dma_start3A_79, %dma_start3A_80] : memref<32x128xi32, #tpu.memory_space<vmem>> -> memref<1x128xi32, #tpu.memory_space<vmem>>
      %dma_start3A_82 = tpu.memref_squeeze %dma_start3A_81 : memref<1x128xi32, #tpu.memory_space<vmem>> -> memref<128xi32, #tpu.memory_space<vmem>>
      %dma_start3A_83 = arith.constant 0 : i32
      %dma_start3A_84 = arith.constant 0 : i32
      %dma_start3A_85 = tpu.memref_slice %arg2[%dma_start3A_83, %dma_start3A_84] : memref<20480x128xf32, #tpu.memory_space<hbm>> -> memref<20480x128xf32, #tpu.memory_space<hbm>>
      tpu.enqueue_indirect_dma source(%dma_start3A_85 : memref<20480x128xf32, #tpu.memory_space<hbm>>) target(%arg10 : memref<128x128xf32, #tpu.memory_space<vmem>>) offsets(%dma_start3A_82 : memref<128xi32, #tpu.memory_space<vmem>>) semaphore(%arg14 : memref<!tpu.dma_semaphore, #tpu.memory_space<semaphore_mem>>)
      %dma_wait3A_86 = arith.constant 2 : i32
      %dma_wait3A_87 = arith.constant 0 : i32
      %dma_wait3A_88 = tpu.memref_slice %arg7[%dma_wait3A_86, %dma_wait3A_87] : memref<32x128xi32, #tpu.memory_space<vmem>> -> memref<1x128xi32, #tpu.memory_space<vmem>>
      %dma_wait3A_89 = tpu.memref_squeeze %dma_wait3A_88 : memref<1x128xi32, #tpu.memory_space<vmem>> -> memref<128xi32, #tpu.memory_space<vmem>>
      %dma_wait3A_90 = arith.constant 0 : i32
      %dma_wait3A_91 = arith.constant 0 : i32
      %dma_wait3A_92 = tpu.memref_slice %arg2[%dma_wait3A_90, %dma_wait3A_91] : memref<20480x128xf32, #tpu.memory_space<hbm>> -> memref<20480x128xf32, #tpu.memory_space<hbm>>
      tpu.wait_indirect_dma semaphore(%arg13 : memref<!tpu.dma_semaphore, #tpu.memory_space<semaphore_mem>>) src(%dma_wait3A_92 : memref<20480x128xf32, #tpu.memory_space<hbm>>) dst(%arg9 : memref<128x128xf32, #tpu.memory_space<vmem>>)
      %run_scoped3A_93 = arith.constant 2 : i32
      "tpu.region"() ({
        %run_scoped3A_523 = tpu.sem_alloc : memref<!tpu.dma_semaphore, #tpu.memory_space<semaphore_mem>>
        %dma_start3A_524 = arith.constant 0 : i32
        %dma_start3A_525 = tpu.memref_slice %arg8[%run_scoped3A_93, %dma_start3A_524] : memref<32x128xi32, #tpu.memory_space<vmem>> -> memref<1x128xi32, #tpu.memory_space<vmem>>
        %dma_start3A_526 = tpu.memref_squeeze %dma_start3A_525 : memref<1x128xi32, #tpu.memory_space<vmem>> -> memref<128xi32, #tpu.memory_space<vmem>>
        %dma_start3A_527 = arith.constant 0 : i32
        %dma_start3A_528 = arith.constant 0 : i32
        %dma_start3A_529 = tpu.memref_slice %arg12[%dma_start3A_527, %dma_start3A_528] : memref<10248x128xf32, #tpu.memory_space<vmem_shared>> -> memref<10248x128xf32, #tpu.memory_space<vmem_shared>>
        tpu.enqueue_indirect_dma source(%arg9 : memref<128x128xf32, #tpu.memory_space<vmem>>) target(%dma_start3A_529 : memref<10248x128xf32, #tpu.memory_space<vmem_shared>>) offsets(%dma_start3A_526 : memref<128xi32, #tpu.memory_space<vmem>>) semaphore(%run_scoped3A_523 : memref<!tpu.dma_semaphore, #tpu.memory_space<semaphore_mem>>) {add = true}
        %dma_wait3A_530 = arith.constant 0 : i32
        %dma_wait3A_531 = tpu.memref_slice %arg8[%run_scoped3A_93, %dma_wait3A_530] : memref<32x128xi32, #tpu.memory_space<vmem>> -> memref<1x128xi32, #tpu.memory_space<vmem>>
        %dma_wait3A_532 = tpu.memref_squeeze %dma_wait3A_531 : memref<1x128xi32, #tpu.memory_space<vmem>> -> memref<128xi32, #tpu.memory_space<vmem>>
        %dma_wait3A_533 = arith.constant 0 : i32
        %dma_wait3A_534 = arith.constant 0 : i32
        %dma_wait3A_535 = tpu.memref_slice %arg12[%dma_wait3A_533, %dma_wait3A_534] : memref<10248x128xf32, #tpu.memory_space<vmem_shared>> -> memref<10248x128xf32, #tpu.memory_space<vmem_shared>>
        tpu.wait_indirect_dma semaphore(%run_scoped3A_523 : memref<!tpu.dma_semaphore, #tpu.memory_space<semaphore_mem>>) src(%arg9 : memref<128x128xf32, #tpu.memory_space<vmem>>) dst(%dma_wait3A_535 : memref<10248x128xf32, #tpu.memory_space<vmem_shared>>)
        tpu.yield
      }) : () -> ()
      %dma_start3A_94 = arith.constant 4 : i32
      %dma_start3A_95 = arith.constant 0 : i32
      %dma_start3A_96 = tpu.memref_slice %arg7[%dma_start3A_94, %dma_start3A_95] : memref<32x128xi32, #tpu.memory_space<vmem>> -> memref<1x128xi32, #tpu.memory_space<vmem>>
      %dma_start3A_97 = tpu.memref_squeeze %dma_start3A_96 : memref<1x128xi32, #tpu.memory_space<vmem>> -> memref<128xi32, #tpu.memory_space<vmem>>
      %dma_start3A_98 = arith.constant 0 : i32
      %dma_start3A_99 = arith.constant 0 : i32
      %dma_start3A_100 = tpu.memref_slice %arg2[%dma_start3A_98, %dma_start3A_99] : memref<20480x128xf32, #tpu.memory_space<hbm>> -> memref<20480x128xf32, #tpu.memory_space<hbm>>
      tpu.enqueue_indirect_dma source(%dma_start3A_100 : memref<20480x128xf32, #tpu.memory_space<hbm>>) target(%arg9 : memref<128x128xf32, #tpu.memory_space<vmem>>) offsets(%dma_start3A_97 : memref<128xi32, #tpu.memory_space<vmem>>) semaphore(%arg13 : memref<!tpu.dma_semaphore, #tpu.memory_space<semaphore_mem>>)
      %dma_wait3A_101 = arith.constant 3 : i32
      %dma_wait3A_102 = arith.constant 0 : i32
      %dma_wait3A_103 = tpu.memref_slice %arg7[%dma_wait3A_101, %dma_wait3A_102] : memref<32x128xi32, #tpu.memory_space<vmem>> -> memref<1x128xi32, #tpu.memory_space<vmem>>
      %dma_wait3A_104 = tpu.memref_squeeze %dma_wait3A_103 : memref<1x128xi32, #tpu.memory_space<vmem>> -> memref<128xi32, #tpu.memory_space<vmem>>
      %dma_wait3A_105 = arith.constant 0 : i32
      %dma_wait3A_106 = arith.constant 0 : i32
      %dma_wait3A_107 = tpu.memref_slice %arg2[%dma_wait3A_105, %dma_wait3A_106] : memref<20480x128xf32, #tpu.memory_space<hbm>> -> memref<20480x128xf32, #tpu.memory_space<hbm>>
      tpu.wait_indirect_dma semaphore(%arg14 : memref<!tpu.dma_semaphore, #tpu.memory_space<semaphore_mem>>) src(%dma_wait3A_107 : memref<20480x128xf32, #tpu.memory_space<hbm>>) dst(%arg10 : memref<128x128xf32, #tpu.memory_space<vmem>>)
      %run_scoped3A_108 = arith.constant 3 : i32
      "tpu.region"() ({
        %run_scoped3A_523 = tpu.sem_alloc : memref<!tpu.dma_semaphore, #tpu.memory_space<semaphore_mem>>
        %dma_start3A_524 = arith.constant 0 : i32
        %dma_start3A_525 = tpu.memref_slice %arg8[%run_scoped3A_108, %dma_start3A_524] : memref<32x128xi32, #tpu.memory_space<vmem>> -> memref<1x128xi32, #tpu.memory_space<vmem>>
        %dma_start3A_526 = tpu.memref_squeeze %dma_start3A_525 : memref<1x128xi32, #tpu.memory_space<vmem>> -> memref<128xi32, #tpu.memory_space<vmem>>
        %dma_start3A_527 = arith.constant 0 : i32
        %dma_start3A_528 = arith.constant 0 : i32
        %dma_start3A_529 = tpu.memref_slice %arg12[%dma_start3A_527, %dma_start3A_528] : memref<10248x128xf32, #tpu.memory_space<vmem_shared>> -> memref<10248x128xf32, #tpu.memory_space<vmem_shared>>
        tpu.enqueue_indirect_dma source(%arg10 : memref<128x128xf32, #tpu.memory_space<vmem>>) target(%dma_start3A_529 : memref<10248x128xf32, #tpu.memory_space<vmem_shared>>) offsets(%dma_start3A_526 : memref<128xi32, #tpu.memory_space<vmem>>) semaphore(%run_scoped3A_523 : memref<!tpu.dma_semaphore, #tpu.memory_space<semaphore_mem>>) {add = true}
        %dma_wait3A_530 = arith.constant 0 : i32
        %dma_wait3A_531 = tpu.memref_slice %arg8[%run_scoped3A_108, %dma_wait3A_530] : memref<32x128xi32, #tpu.memory_space<vmem>> -> memref<1x128xi32, #tpu.memory_space<vmem>>
        %dma_wait3A_532 = tpu.memref_squeeze %dma_wait3A_531 : memref<1x128xi32, #tpu.memory_space<vmem>> -> memref<128xi32, #tpu.memory_space<vmem>>
        %dma_wait3A_533 = arith.constant 0 : i32
        %dma_wait3A_534 = arith.constant 0 : i32
        %dma_wait3A_535 = tpu.memref_slice %arg12[%dma_wait3A_533, %dma_wait3A_534] : memref<10248x128xf32, #tpu.memory_space<vmem_shared>> -> memref<10248x128xf32, #tpu.memory_space<vmem_shared>>
        tpu.wait_indirect_dma semaphore(%run_scoped3A_523 : memref<!tpu.dma_semaphore, #tpu.memory_space<semaphore_mem>>) src(%arg10 : memref<128x128xf32, #tpu.memory_space<vmem>>) dst(%dma_wait3A_535 : memref<10248x128xf32, #tpu.memory_space<vmem_shared>>)
        tpu.yield
      }) : () -> ()
      %dma_start3A_109 = arith.constant 5 : i32
      %dma_start3A_110 = arith.constant 0 : i32
      %dma_start3A_111 = tpu.memref_slice %arg7[%dma_start3A_109, %dma_start3A_110] : memref<32x128xi32, #tpu.memory_space<vmem>> -> memref<1x128xi32, #tpu.memory_space<vmem>>
      %dma_start3A_112 = tpu.memref_squeeze %dma_start3A_111 : memref<1x128xi32, #tpu.memory_space<vmem>> -> memref<128xi32, #tpu.memory_space<vmem>>
      %dma_start3A_113 = arith.constant 0 : i32
      %dma_start3A_114 = arith.constant 0 : i32
      %dma_start3A_115 = tpu.memref_slice %arg2[%dma_start3A_113, %dma_start3A_114] : memref<20480x128xf32, #tpu.memory_space<hbm>> -> memref<20480x128xf32, #tpu.memory_space<hbm>>
      tpu.enqueue_indirect_dma source(%dma_start3A_115 : memref<20480x128xf32, #tpu.memory_space<hbm>>) target(%arg10 : memref<128x128xf32, #tpu.memory_space<vmem>>) offsets(%dma_start3A_112 : memref<128xi32, #tpu.memory_space<vmem>>) semaphore(%arg14 : memref<!tpu.dma_semaphore, #tpu.memory_space<semaphore_mem>>)
      %dma_wait3A_116 = arith.constant 4 : i32
      %dma_wait3A_117 = arith.constant 0 : i32
      %dma_wait3A_118 = tpu.memref_slice %arg7[%dma_wait3A_116, %dma_wait3A_117] : memref<32x128xi32, #tpu.memory_space<vmem>> -> memref<1x128xi32, #tpu.memory_space<vmem>>
      %dma_wait3A_119 = tpu.memref_squeeze %dma_wait3A_118 : memref<1x128xi32, #tpu.memory_space<vmem>> -> memref<128xi32, #tpu.memory_space<vmem>>
      %dma_wait3A_120 = arith.constant 0 : i32
      %dma_wait3A_121 = arith.constant 0 : i32
      %dma_wait3A_122 = tpu.memref_slice %arg2[%dma_wait3A_120, %dma_wait3A_121] : memref<20480x128xf32, #tpu.memory_space<hbm>> -> memref<20480x128xf32, #tpu.memory_space<hbm>>
      tpu.wait_indirect_dma semaphore(%arg13 : memref<!tpu.dma_semaphore, #tpu.memory_space<semaphore_mem>>) src(%dma_wait3A_122 : memref<20480x128xf32, #tpu.memory_space<hbm>>) dst(%arg9 : memref<128x128xf32, #tpu.memory_space<vmem>>)
      %run_scoped3A_123 = arith.constant 4 : i32
      "tpu.region"() ({
        %run_scoped3A_523 = tpu.sem_alloc : memref<!tpu.dma_semaphore, #tpu.memory_space<semaphore_mem>>
        %dma_start3A_524 = arith.constant 0 : i32
        %dma_start3A_525 = tpu.memref_slice %arg8[%run_scoped3A_123, %dma_start3A_524] : memref<32x128xi32, #tpu.memory_space<vmem>> -> memref<1x128xi32, #tpu.memory_space<vmem>>
        %dma_start3A_526 = tpu.memref_squeeze %dma_start3A_525 : memref<1x128xi32, #tpu.memory_space<vmem>> -> memref<128xi32, #tpu.memory_space<vmem>>
        %dma_start3A_527 = arith.constant 0 : i32
        %dma_start3A_528 = arith.constant 0 : i32
        %dma_start3A_529 = tpu.memref_slice %arg12[%dma_start3A_527, %dma_start3A_528] : memref<10248x128xf32, #tpu.memory_space<vmem_shared>> -> memref<10248x128xf32, #tpu.memory_space<vmem_shared>>
        tpu.enqueue_indirect_dma source(%arg9 : memref<128x128xf32, #tpu.memory_space<vmem>>) target(%dma_start3A_529 : memref<10248x128xf32, #tpu.memory_space<vmem_shared>>) offsets(%dma_start3A_526 : memref<128xi32, #tpu.memory_space<vmem>>) semaphore(%run_scoped3A_523 : memref<!tpu.dma_semaphore, #tpu.memory_space<semaphore_mem>>) {add = true}
        %dma_wait3A_530 = arith.constant 0 : i32
        %dma_wait3A_531 = tpu.memref_slice %arg8[%run_scoped3A_123, %dma_wait3A_530] : memref<32x128xi32, #tpu.memory_space<vmem>> -> memref<1x128xi32, #tpu.memory_space<vmem>>
        %dma_wait3A_532 = tpu.memref_squeeze %dma_wait3A_531 : memref<1x128xi32, #tpu.memory_space<vmem>> -> memref<128xi32, #tpu.memory_space<vmem>>
        %dma_wait3A_533 = arith.constant 0 : i32
        %dma_wait3A_534 = arith.constant 0 : i32
        %dma_wait3A_535 = tpu.memref_slice %arg12[%dma_wait3A_533, %dma_wait3A_534] : memref<10248x128xf32, #tpu.memory_space<vmem_shared>> -> memref<10248x128xf32, #tpu.memory_space<vmem_shared>>
        tpu.wait_indirect_dma semaphore(%run_scoped3A_523 : memref<!tpu.dma_semaphore, #tpu.memory_space<semaphore_mem>>) src(%arg9 : memref<128x128xf32, #tpu.memory_space<vmem>>) dst(%dma_wait3A_535 : memref<10248x128xf32, #tpu.memory_space<vmem_shared>>)
        tpu.yield
      }) : () -> ()
      %dma_start3A_124 = arith.constant 6 : i32
      %dma_start3A_125 = arith.constant 0 : i32
      %dma_start3A_126 = tpu.memref_slice %arg7[%dma_start3A_124, %dma_start3A_125] : memref<32x128xi32, #tpu.memory_space<vmem>> -> memref<1x128xi32, #tpu.memory_space<vmem>>
      %dma_start3A_127 = tpu.memref_squeeze %dma_start3A_126 : memref<1x128xi32, #tpu.memory_space<vmem>> -> memref<128xi32, #tpu.memory_space<vmem>>
      %dma_start3A_128 = arith.constant 0 : i32
      %dma_start3A_129 = arith.constant 0 : i32
      %dma_start3A_130 = tpu.memref_slice %arg2[%dma_start3A_128, %dma_start3A_129] : memref<20480x128xf32, #tpu.memory_space<hbm>> -> memref<20480x128xf32, #tpu.memory_space<hbm>>
      tpu.enqueue_indirect_dma source(%dma_start3A_130 : memref<20480x128xf32, #tpu.memory_space<hbm>>) target(%arg9 : memref<128x128xf32, #tpu.memory_space<vmem>>) offsets(%dma_start3A_127 : memref<128xi32, #tpu.memory_space<vmem>>) semaphore(%arg13 : memref<!tpu.dma_semaphore, #tpu.memory_space<semaphore_mem>>)
      %dma_wait3A_131 = arith.constant 5 : i32
      %dma_wait3A_132 = arith.constant 0 : i32
      %dma_wait3A_133 = tpu.memref_slice %arg7[%dma_wait3A_131, %dma_wait3A_132] : memref<32x128xi32, #tpu.memory_space<vmem>> -> memref<1x128xi32, #tpu.memory_space<vmem>>
      %dma_wait3A_134 = tpu.memref_squeeze %dma_wait3A_133 : memref<1x128xi32, #tpu.memory_space<vmem>> -> memref<128xi32, #tpu.memory_space<vmem>>
      %dma_wait3A_135 = arith.constant 0 : i32
      %dma_wait3A_136 = arith.constant 0 : i32
      %dma_wait3A_137 = tpu.memref_slice %arg2[%dma_wait3A_135, %dma_wait3A_136] : memref<20480x128xf32, #tpu.memory_space<hbm>> -> memref<20480x128xf32, #tpu.memory_space<hbm>>
      tpu.wait_indirect_dma semaphore(%arg14 : memref<!tpu.dma_semaphore, #tpu.memory_space<semaphore_mem>>) src(%dma_wait3A_137 : memref<20480x128xf32, #tpu.memory_space<hbm>>) dst(%arg10 : memref<128x128xf32, #tpu.memory_space<vmem>>)
      %run_scoped3A_138 = arith.constant 5 : i32
      "tpu.region"() ({
        %run_scoped3A_523 = tpu.sem_alloc : memref<!tpu.dma_semaphore, #tpu.memory_space<semaphore_mem>>
        %dma_start3A_524 = arith.constant 0 : i32
        %dma_start3A_525 = tpu.memref_slice %arg8[%run_scoped3A_138, %dma_start3A_524] : memref<32x128xi32, #tpu.memory_space<vmem>> -> memref<1x128xi32, #tpu.memory_space<vmem>>
        %dma_start3A_526 = tpu.memref_squeeze %dma_start3A_525 : memref<1x128xi32, #tpu.memory_space<vmem>> -> memref<128xi32, #tpu.memory_space<vmem>>
        %dma_start3A_527 = arith.constant 0 : i32
        %dma_start3A_528 = arith.constant 0 : i32
        %dma_start3A_529 = tpu.memref_slice %arg12[%dma_start3A_527, %dma_start3A_528] : memref<10248x128xf32, #tpu.memory_space<vmem_shared>> -> memref<10248x128xf32, #tpu.memory_space<vmem_shared>>
        tpu.enqueue_indirect_dma source(%arg10 : memref<128x128xf32, #tpu.memory_space<vmem>>) target(%dma_start3A_529 : memref<10248x128xf32, #tpu.memory_space<vmem_shared>>) offsets(%dma_start3A_526 : memref<128xi32, #tpu.memory_space<vmem>>) semaphore(%run_scoped3A_523 : memref<!tpu.dma_semaphore, #tpu.memory_space<semaphore_mem>>) {add = true}
        %dma_wait3A_530 = arith.constant 0 : i32
        %dma_wait3A_531 = tpu.memref_slice %arg8[%run_scoped3A_138, %dma_wait3A_530] : memref<32x128xi32, #tpu.memory_space<vmem>> -> memref<1x128xi32, #tpu.memory_space<vmem>>
        %dma_wait3A_532 = tpu.memref_squeeze %dma_wait3A_531 : memref<1x128xi32, #tpu.memory_space<vmem>> -> memref<128xi32, #tpu.memory_space<vmem>>
        %dma_wait3A_533 = arith.constant 0 : i32
        %dma_wait3A_534 = arith.constant 0 : i32
        %dma_wait3A_535 = tpu.memref_slice %arg12[%dma_wait3A_533, %dma_wait3A_534] : memref<10248x128xf32, #tpu.memory_space<vmem_shared>> -> memref<10248x128xf32, #tpu.memory_space<vmem_shared>>
        tpu.wait_indirect_dma semaphore(%run_scoped3A_523 : memref<!tpu.dma_semaphore, #tpu.memory_space<semaphore_mem>>) src(%arg10 : memref<128x128xf32, #tpu.memory_space<vmem>>) dst(%dma_wait3A_535 : memref<10248x128xf32, #tpu.memory_space<vmem_shared>>)
        tpu.yield
      }) : () -> ()
      %dma_start3A_139 = arith.constant 7 : i32
      %dma_start3A_140 = arith.constant 0 : i32
      %dma_start3A_141 = tpu.memref_slice %arg7[%dma_start3A_139, %dma_start3A_140] : memref<32x128xi32, #tpu.memory_space<vmem>> -> memref<1x128xi32, #tpu.memory_space<vmem>>
      %dma_start3A_142 = tpu.memref_squeeze %dma_start3A_141 : memref<1x128xi32, #tpu.memory_space<vmem>> -> memref<128xi32, #tpu.memory_space<vmem>>
      %dma_start3A_143 = arith.constant 0 : i32
      %dma_start3A_144 = arith.constant 0 : i32
      %dma_start3A_145 = tpu.memref_slice %arg2[%dma_start3A_143, %dma_start3A_144] : memref<20480x128xf32, #tpu.memory_space<hbm>> -> memref<20480x128xf32, #tpu.memory_space<hbm>>
      tpu.enqueue_indirect_dma source(%dma_start3A_145 : memref<20480x128xf32, #tpu.memory_space<hbm>>) target(%arg10 : memref<128x128xf32, #tpu.memory_space<vmem>>) offsets(%dma_start3A_142 : memref<128xi32, #tpu.memory_space<vmem>>) semaphore(%arg14 : memref<!tpu.dma_semaphore, #tpu.memory_space<semaphore_mem>>)
      %dma_wait3A_146 = arith.constant 6 : i32
      %dma_wait3A_147 = arith.constant 0 : i32
      %dma_wait3A_148 = tpu.memref_slice %arg7[%dma_wait3A_146, %dma_wait3A_147] : memref<32x128xi32, #tpu.memory_space<vmem>> -> memref<1x128xi32, #tpu.memory_space<vmem>>
      %dma_wait3A_149 = tpu.memref_squeeze %dma_wait3A_148 : memref<1x128xi32, #tpu.memory_space<vmem>> -> memref<128xi32, #tpu.memory_space<vmem>>
      %dma_wait3A_150 = arith.constant 0 : i32
      %dma_wait3A_151 = arith.constant 0 : i32
      %dma_wait3A_152 = tpu.memref_slice %arg2[%dma_wait3A_150, %dma_wait3A_151] : memref<20480x128xf32, #tpu.memory_space<hbm>> -> memref<20480x128xf32, #tpu.memory_space<hbm>>
      tpu.wait_indirect_dma semaphore(%arg13 : memref<!tpu.dma_semaphore, #tpu.memory_space<semaphore_mem>>) src(%dma_wait3A_152 : memref<20480x128xf32, #tpu.memory_space<hbm>>) dst(%arg9 : memref<128x128xf32, #tpu.memory_space<vmem>>)
      %run_scoped3A_153 = arith.constant 6 : i32
      "tpu.region"() ({
        %run_scoped3A_523 = tpu.sem_alloc : memref<!tpu.dma_semaphore, #tpu.memory_space<semaphore_mem>>
        %dma_start3A_524 = arith.constant 0 : i32
        %dma_start3A_525 = tpu.memref_slice %arg8[%run_scoped3A_153, %dma_start3A_524] : memref<32x128xi32, #tpu.memory_space<vmem>> -> memref<1x128xi32, #tpu.memory_space<vmem>>
        %dma_start3A_526 = tpu.memref_squeeze %dma_start3A_525 : memref<1x128xi32, #tpu.memory_space<vmem>> -> memref<128xi32, #tpu.memory_space<vmem>>
        %dma_start3A_527 = arith.constant 0 : i32
        %dma_start3A_528 = arith.constant 0 : i32
        %dma_start3A_529 = tpu.memref_slice %arg12[%dma_start3A_527, %dma_start3A_528] : memref<10248x128xf32, #tpu.memory_space<vmem_shared>> -> memref<10248x128xf32, #tpu.memory_space<vmem_shared>>
        tpu.enqueue_indirect_dma source(%arg9 : memref<128x128xf32, #tpu.memory_space<vmem>>) target(%dma_start3A_529 : memref<10248x128xf32, #tpu.memory_space<vmem_shared>>) offsets(%dma_start3A_526 : memref<128xi32, #tpu.memory_space<vmem>>) semaphore(%run_scoped3A_523 : memref<!tpu.dma_semaphore, #tpu.memory_space<semaphore_mem>>) {add = true}
        %dma_wait3A_530 = arith.constant 0 : i32
        %dma_wait3A_531 = tpu.memref_slice %arg8[%run_scoped3A_153, %dma_wait3A_530] : memref<32x128xi32, #tpu.memory_space<vmem>> -> memref<1x128xi32, #tpu.memory_space<vmem>>
        %dma_wait3A_532 = tpu.memref_squeeze %dma_wait3A_531 : memref<1x128xi32, #tpu.memory_space<vmem>> -> memref<128xi32, #tpu.memory_space<vmem>>
        %dma_wait3A_533 = arith.constant 0 : i32
        %dma_wait3A_534 = arith.constant 0 : i32
        %dma_wait3A_535 = tpu.memref_slice %arg12[%dma_wait3A_533, %dma_wait3A_534] : memref<10248x128xf32, #tpu.memory_space<vmem_shared>> -> memref<10248x128xf32, #tpu.memory_space<vmem_shared>>
        tpu.wait_indirect_dma semaphore(%run_scoped3A_523 : memref<!tpu.dma_semaphore, #tpu.memory_space<semaphore_mem>>) src(%arg9 : memref<128x128xf32, #tpu.memory_space<vmem>>) dst(%dma_wait3A_535 : memref<10248x128xf32, #tpu.memory_space<vmem_shared>>)
        tpu.yield
      }) : () -> ()
      %dma_start3A_154 = arith.constant 8 : i32
      %dma_start3A_155 = arith.constant 0 : i32
      %dma_start3A_156 = tpu.memref_slice %arg7[%dma_start3A_154, %dma_start3A_155] : memref<32x128xi32, #tpu.memory_space<vmem>> -> memref<1x128xi32, #tpu.memory_space<vmem>>
      %dma_start3A_157 = tpu.memref_squeeze %dma_start3A_156 : memref<1x128xi32, #tpu.memory_space<vmem>> -> memref<128xi32, #tpu.memory_space<vmem>>
      %dma_start3A_158 = arith.constant 0 : i32
      %dma_start3A_159 = arith.constant 0 : i32
      %dma_start3A_160 = tpu.memref_slice %arg2[%dma_start3A_158, %dma_start3A_159] : memref<20480x128xf32, #tpu.memory_space<hbm>> -> memref<20480x128xf32, #tpu.memory_space<hbm>>
      tpu.enqueue_indirect_dma source(%dma_start3A_160 : memref<20480x128xf32, #tpu.memory_space<hbm>>) target(%arg9 : memref<128x128xf32, #tpu.memory_space<vmem>>) offsets(%dma_start3A_157 : memref<128xi32, #tpu.memory_space<vmem>>) semaphore(%arg13 : memref<!tpu.dma_semaphore, #tpu.memory_space<semaphore_mem>>)
      %dma_wait3A_161 = arith.constant 7 : i32
      %dma_wait3A_162 = arith.constant 0 : i32
      %dma_wait3A_163 = tpu.memref_slice %arg7[%dma_wait3A_161, %dma_wait3A_162] : memref<32x128xi32, #tpu.memory_space<vmem>> -> memref<1x128xi32, #tpu.memory_space<vmem>>
      %dma_wait3A_164 = tpu.memref_squeeze %dma_wait3A_163 : memref<1x128xi32, #tpu.memory_space<vmem>> -> memref<128xi32, #tpu.memory_space<vmem>>
      %dma_wait3A_165 = arith.constant 0 : i32
      %dma_wait3A_166 = arith.constant 0 : i32
      %dma_wait3A_167 = tpu.memref_slice %arg2[%dma_wait3A_165, %dma_wait3A_166] : memref<20480x128xf32, #tpu.memory_space<hbm>> -> memref<20480x128xf32, #tpu.memory_space<hbm>>
      tpu.wait_indirect_dma semaphore(%arg14 : memref<!tpu.dma_semaphore, #tpu.memory_space<semaphore_mem>>) src(%dma_wait3A_167 : memref<20480x128xf32, #tpu.memory_space<hbm>>) dst(%arg10 : memref<128x128xf32, #tpu.memory_space<vmem>>)
      %run_scoped3A_168 = arith.constant 7 : i32
      "tpu.region"() ({
        %run_scoped3A_523 = tpu.sem_alloc : memref<!tpu.dma_semaphore, #tpu.memory_space<semaphore_mem>>
        %dma_start3A_524 = arith.constant 0 : i32
        %dma_start3A_525 = tpu.memref_slice %arg8[%run_scoped3A_168, %dma_start3A_524] : memref<32x128xi32, #tpu.memory_space<vmem>> -> memref<1x128xi32, #tpu.memory_space<vmem>>
        %dma_start3A_526 = tpu.memref_squeeze %dma_start3A_525 : memref<1x128xi32, #tpu.memory_space<vmem>> -> memref<128xi32, #tpu.memory_space<vmem>>
        %dma_start3A_527 = arith.constant 0 : i32
        %dma_start3A_528 = arith.constant 0 : i32
        %dma_start3A_529 = tpu.memref_slice %arg12[%dma_start3A_527, %dma_start3A_528] : memref<10248x128xf32, #tpu.memory_space<vmem_shared>> -> memref<10248x128xf32, #tpu.memory_space<vmem_shared>>
        tpu.enqueue_indirect_dma source(%arg10 : memref<128x128xf32, #tpu.memory_space<vmem>>) target(%dma_start3A_529 : memref<10248x128xf32, #tpu.memory_space<vmem_shared>>) offsets(%dma_start3A_526 : memref<128xi32, #tpu.memory_space<vmem>>) semaphore(%run_scoped3A_523 : memref<!tpu.dma_semaphore, #tpu.memory_space<semaphore_mem>>) {add = true}
        %dma_wait3A_530 = arith.constant 0 : i32
        %dma_wait3A_531 = tpu.memref_slice %arg8[%run_scoped3A_168, %dma_wait3A_530] : memref<32x128xi32, #tpu.memory_space<vmem>> -> memref<1x128xi32, #tpu.memory_space<vmem>>
        %dma_wait3A_532 = tpu.memref_squeeze %dma_wait3A_531 : memref<1x128xi32, #tpu.memory_space<vmem>> -> memref<128xi32, #tpu.memory_space<vmem>>
        %dma_wait3A_533 = arith.constant 0 : i32
        %dma_wait3A_534 = arith.constant 0 : i32
        %dma_wait3A_535 = tpu.memref_slice %arg12[%dma_wait3A_533, %dma_wait3A_534] : memref<10248x128xf32, #tpu.memory_space<vmem_shared>> -> memref<10248x128xf32, #tpu.memory_space<vmem_shared>>
        tpu.wait_indirect_dma semaphore(%run_scoped3A_523 : memref<!tpu.dma_semaphore, #tpu.memory_space<semaphore_mem>>) src(%arg10 : memref<128x128xf32, #tpu.memory_space<vmem>>) dst(%dma_wait3A_535 : memref<10248x128xf32, #tpu.memory_space<vmem_shared>>)
        tpu.yield
      }) : () -> ()
      %dma_start3A_169 = arith.constant 9 : i32
      %dma_start3A_170 = arith.constant 0 : i32
      %dma_start3A_171 = tpu.memref_slice %arg7[%dma_start3A_169, %dma_start3A_170] : memref<32x128xi32, #tpu.memory_space<vmem>> -> memref<1x128xi32, #tpu.memory_space<vmem>>
      %dma_start3A_172 = tpu.memref_squeeze %dma_start3A_171 : memref<1x128xi32, #tpu.memory_space<vmem>> -> memref<128xi32, #tpu.memory_space<vmem>>
      %dma_start3A_173 = arith.constant 0 : i32
      %dma_start3A_174 = arith.constant 0 : i32
      %dma_start3A_175 = tpu.memref_slice %arg2[%dma_start3A_173, %dma_start3A_174] : memref<20480x128xf32, #tpu.memory_space<hbm>> -> memref<20480x128xf32, #tpu.memory_space<hbm>>
      tpu.enqueue_indirect_dma source(%dma_start3A_175 : memref<20480x128xf32, #tpu.memory_space<hbm>>) target(%arg10 : memref<128x128xf32, #tpu.memory_space<vmem>>) offsets(%dma_start3A_172 : memref<128xi32, #tpu.memory_space<vmem>>) semaphore(%arg14 : memref<!tpu.dma_semaphore, #tpu.memory_space<semaphore_mem>>)
      %dma_wait3A_176 = arith.constant 8 : i32
      %dma_wait3A_177 = arith.constant 0 : i32
      %dma_wait3A_178 = tpu.memref_slice %arg7[%dma_wait3A_176, %dma_wait3A_177] : memref<32x128xi32, #tpu.memory_space<vmem>> -> memref<1x128xi32, #tpu.memory_space<vmem>>
      %dma_wait3A_179 = tpu.memref_squeeze %dma_wait3A_178 : memref<1x128xi32, #tpu.memory_space<vmem>> -> memref<128xi32, #tpu.memory_space<vmem>>
      %dma_wait3A_180 = arith.constant 0 : i32
      %dma_wait3A_181 = arith.constant 0 : i32
      %dma_wait3A_182 = tpu.memref_slice %arg2[%dma_wait3A_180, %dma_wait3A_181] : memref<20480x128xf32, #tpu.memory_space<hbm>> -> memref<20480x128xf32, #tpu.memory_space<hbm>>
      tpu.wait_indirect_dma semaphore(%arg13 : memref<!tpu.dma_semaphore, #tpu.memory_space<semaphore_mem>>) src(%dma_wait3A_182 : memref<20480x128xf32, #tpu.memory_space<hbm>>) dst(%arg9 : memref<128x128xf32, #tpu.memory_space<vmem>>)
      %run_scoped3A_183 = arith.constant 8 : i32
      "tpu.region"() ({
        %run_scoped3A_523 = tpu.sem_alloc : memref<!tpu.dma_semaphore, #tpu.memory_space<semaphore_mem>>
        %dma_start3A_524 = arith.constant 0 : i32
        %dma_start3A_525 = tpu.memref_slice %arg8[%run_scoped3A_183, %dma_start3A_524] : memref<32x128xi32, #tpu.memory_space<vmem>> -> memref<1x128xi32, #tpu.memory_space<vmem>>
        %dma_start3A_526 = tpu.memref_squeeze %dma_start3A_525 : memref<1x128xi32, #tpu.memory_space<vmem>> -> memref<128xi32, #tpu.memory_space<vmem>>
        %dma_start3A_527 = arith.constant 0 : i32
        %dma_start3A_528 = arith.constant 0 : i32
        %dma_start3A_529 = tpu.memref_slice %arg12[%dma_start3A_527, %dma_start3A_528] : memref<10248x128xf32, #tpu.memory_space<vmem_shared>> -> memref<10248x128xf32, #tpu.memory_space<vmem_shared>>
        tpu.enqueue_indirect_dma source(%arg9 : memref<128x128xf32, #tpu.memory_space<vmem>>) target(%dma_start3A_529 : memref<10248x128xf32, #tpu.memory_space<vmem_shared>>) offsets(%dma_start3A_526 : memref<128xi32, #tpu.memory_space<vmem>>) semaphore(%run_scoped3A_523 : memref<!tpu.dma_semaphore, #tpu.memory_space<semaphore_mem>>) {add = true}
        %dma_wait3A_530 = arith.constant 0 : i32
        %dma_wait3A_531 = tpu.memref_slice %arg8[%run_scoped3A_183, %dma_wait3A_530] : memref<32x128xi32, #tpu.memory_space<vmem>> -> memref<1x128xi32, #tpu.memory_space<vmem>>
        %dma_wait3A_532 = tpu.memref_squeeze %dma_wait3A_531 : memref<1x128xi32, #tpu.memory_space<vmem>> -> memref<128xi32, #tpu.memory_space<vmem>>
        %dma_wait3A_533 = arith.constant 0 : i32
        %dma_wait3A_534 = arith.constant 0 : i32
        %dma_wait3A_535 = tpu.memref_slice %arg12[%dma_wait3A_533, %dma_wait3A_534] : memref<10248x128xf32, #tpu.memory_space<vmem_shared>> -> memref<10248x128xf32, #tpu.memory_space<vmem_shared>>
        tpu.wait_indirect_dma semaphore(%run_scoped3A_523 : memref<!tpu.dma_semaphore, #tpu.memory_space<semaphore_mem>>) src(%arg9 : memref<128x128xf32, #tpu.memory_space<vmem>>) dst(%dma_wait3A_535 : memref<10248x128xf32, #tpu.memory_space<vmem_shared>>)
        tpu.yield
      }) : () -> ()
      %dma_start3A_184 = arith.constant 10 : i32
      %dma_start3A_185 = arith.constant 0 : i32
      %dma_start3A_186 = tpu.memref_slice %arg7[%dma_start3A_184, %dma_start3A_185] : memref<32x128xi32, #tpu.memory_space<vmem>> -> memref<1x128xi32, #tpu.memory_space<vmem>>
      %dma_start3A_187 = tpu.memref_squeeze %dma_start3A_186 : memref<1x128xi32, #tpu.memory_space<vmem>> -> memref<128xi32, #tpu.memory_space<vmem>>
      %dma_start3A_188 = arith.constant 0 : i32
      %dma_start3A_189 = arith.constant 0 : i32
      %dma_start3A_190 = tpu.memref_slice %arg2[%dma_start3A_188, %dma_start3A_189] : memref<20480x128xf32, #tpu.memory_space<hbm>> -> memref<20480x128xf32, #tpu.memory_space<hbm>>
      tpu.enqueue_indirect_dma source(%dma_start3A_190 : memref<20480x128xf32, #tpu.memory_space<hbm>>) target(%arg9 : memref<128x128xf32, #tpu.memory_space<vmem>>) offsets(%dma_start3A_187 : memref<128xi32, #tpu.memory_space<vmem>>) semaphore(%arg13 : memref<!tpu.dma_semaphore, #tpu.memory_space<semaphore_mem>>)
      %dma_wait3A_191 = arith.constant 9 : i32
      %dma_wait3A_192 = arith.constant 0 : i32
      %dma_wait3A_193 = tpu.memref_slice %arg7[%dma_wait3A_191, %dma_wait3A_192] : memref<32x128xi32, #tpu.memory_space<vmem>> -> memref<1x128xi32, #tpu.memory_space<vmem>>
      %dma_wait3A_194 = tpu.memref_squeeze %dma_wait3A_193 : memref<1x128xi32, #tpu.memory_space<vmem>> -> memref<128xi32, #tpu.memory_space<vmem>>
      %dma_wait3A_195 = arith.constant 0 : i32
      %dma_wait3A_196 = arith.constant 0 : i32
      %dma_wait3A_197 = tpu.memref_slice %arg2[%dma_wait3A_195, %dma_wait3A_196] : memref<20480x128xf32, #tpu.memory_space<hbm>> -> memref<20480x128xf32, #tpu.memory_space<hbm>>
      tpu.wait_indirect_dma semaphore(%arg14 : memref<!tpu.dma_semaphore, #tpu.memory_space<semaphore_mem>>) src(%dma_wait3A_197 : memref<20480x128xf32, #tpu.memory_space<hbm>>) dst(%arg10 : memref<128x128xf32, #tpu.memory_space<vmem>>)
      %run_scoped3A_198 = arith.constant 9 : i32
      "tpu.region"() ({
        %run_scoped3A_523 = tpu.sem_alloc : memref<!tpu.dma_semaphore, #tpu.memory_space<semaphore_mem>>
        %dma_start3A_524 = arith.constant 0 : i32
        %dma_start3A_525 = tpu.memref_slice %arg8[%run_scoped3A_198, %dma_start3A_524] : memref<32x128xi32, #tpu.memory_space<vmem>> -> memref<1x128xi32, #tpu.memory_space<vmem>>
        %dma_start3A_526 = tpu.memref_squeeze %dma_start3A_525 : memref<1x128xi32, #tpu.memory_space<vmem>> -> memref<128xi32, #tpu.memory_space<vmem>>
        %dma_start3A_527 = arith.constant 0 : i32
        %dma_start3A_528 = arith.constant 0 : i32
        %dma_start3A_529 = tpu.memref_slice %arg12[%dma_start3A_527, %dma_start3A_528] : memref<10248x128xf32, #tpu.memory_space<vmem_shared>> -> memref<10248x128xf32, #tpu.memory_space<vmem_shared>>
        tpu.enqueue_indirect_dma source(%arg10 : memref<128x128xf32, #tpu.memory_space<vmem>>) target(%dma_start3A_529 : memref<10248x128xf32, #tpu.memory_space<vmem_shared>>) offsets(%dma_start3A_526 : memref<128xi32, #tpu.memory_space<vmem>>) semaphore(%run_scoped3A_523 : memref<!tpu.dma_semaphore, #tpu.memory_space<semaphore_mem>>) {add = true}
        %dma_wait3A_530 = arith.constant 0 : i32
        %dma_wait3A_531 = tpu.memref_slice %arg8[%run_scoped3A_198, %dma_wait3A_530] : memref<32x128xi32, #tpu.memory_space<vmem>> -> memref<1x128xi32, #tpu.memory_space<vmem>>
        %dma_wait3A_532 = tpu.memref_squeeze %dma_wait3A_531 : memref<1x128xi32, #tpu.memory_space<vmem>> -> memref<128xi32, #tpu.memory_space<vmem>>
        %dma_wait3A_533 = arith.constant 0 : i32
        %dma_wait3A_534 = arith.constant 0 : i32
        %dma_wait3A_535 = tpu.memref_slice %arg12[%dma_wait3A_533, %dma_wait3A_534] : memref<10248x128xf32, #tpu.memory_space<vmem_shared>> -> memref<10248x128xf32, #tpu.memory_space<vmem_shared>>
        tpu.wait_indirect_dma semaphore(%run_scoped3A_523 : memref<!tpu.dma_semaphore, #tpu.memory_space<semaphore_mem>>) src(%arg10 : memref<128x128xf32, #tpu.memory_space<vmem>>) dst(%dma_wait3A_535 : memref<10248x128xf32, #tpu.memory_space<vmem_shared>>)
        tpu.yield
      }) : () -> ()
      %dma_start3A_199 = arith.constant 11 : i32
      %dma_start3A_200 = arith.constant 0 : i32
      %dma_start3A_201 = tpu.memref_slice %arg7[%dma_start3A_199, %dma_start3A_200] : memref<32x128xi32, #tpu.memory_space<vmem>> -> memref<1x128xi32, #tpu.memory_space<vmem>>
      %dma_start3A_202 = tpu.memref_squeeze %dma_start3A_201 : memref<1x128xi32, #tpu.memory_space<vmem>> -> memref<128xi32, #tpu.memory_space<vmem>>
      %dma_start3A_203 = arith.constant 0 : i32
      %dma_start3A_204 = arith.constant 0 : i32
      %dma_start3A_205 = tpu.memref_slice %arg2[%dma_start3A_203, %dma_start3A_204] : memref<20480x128xf32, #tpu.memory_space<hbm>> -> memref<20480x128xf32, #tpu.memory_space<hbm>>
      tpu.enqueue_indirect_dma source(%dma_start3A_205 : memref<20480x128xf32, #tpu.memory_space<hbm>>) target(%arg10 : memref<128x128xf32, #tpu.memory_space<vmem>>) offsets(%dma_start3A_202 : memref<128xi32, #tpu.memory_space<vmem>>) semaphore(%arg14 : memref<!tpu.dma_semaphore, #tpu.memory_space<semaphore_mem>>)
      %dma_wait3A_206 = arith.constant 10 : i32
      %dma_wait3A_207 = arith.constant 0 : i32
      %dma_wait3A_208 = tpu.memref_slice %arg7[%dma_wait3A_206, %dma_wait3A_207] : memref<32x128xi32, #tpu.memory_space<vmem>> -> memref<1x128xi32, #tpu.memory_space<vmem>>
      %dma_wait3A_209 = tpu.memref_squeeze %dma_wait3A_208 : memref<1x128xi32, #tpu.memory_space<vmem>> -> memref<128xi32, #tpu.memory_space<vmem>>
      %dma_wait3A_210 = arith.constant 0 : i32
      %dma_wait3A_211 = arith.constant 0 : i32
      %dma_wait3A_212 = tpu.memref_slice %arg2[%dma_wait3A_210, %dma_wait3A_211] : memref<20480x128xf32, #tpu.memory_space<hbm>> -> memref<20480x128xf32, #tpu.memory_space<hbm>>
      tpu.wait_indirect_dma semaphore(%arg13 : memref<!tpu.dma_semaphore, #tpu.memory_space<semaphore_mem>>) src(%dma_wait3A_212 : memref<20480x128xf32, #tpu.memory_space<hbm>>) dst(%arg9 : memref<128x128xf32, #tpu.memory_space<vmem>>)
      %run_scoped3A_213 = arith.constant 10 : i32
      "tpu.region"() ({
        %run_scoped3A_523 = tpu.sem_alloc : memref<!tpu.dma_semaphore, #tpu.memory_space<semaphore_mem>>
        %dma_start3A_524 = arith.constant 0 : i32
        %dma_start3A_525 = tpu.memref_slice %arg8[%run_scoped3A_213, %dma_start3A_524] : memref<32x128xi32, #tpu.memory_space<vmem>> -> memref<1x128xi32, #tpu.memory_space<vmem>>
        %dma_start3A_526 = tpu.memref_squeeze %dma_start3A_525 : memref<1x128xi32, #tpu.memory_space<vmem>> -> memref<128xi32, #tpu.memory_space<vmem>>
        %dma_start3A_527 = arith.constant 0 : i32
        %dma_start3A_528 = arith.constant 0 : i32
        %dma_start3A_529 = tpu.memref_slice %arg12[%dma_start3A_527, %dma_start3A_528] : memref<10248x128xf32, #tpu.memory_space<vmem_shared>> -> memref<10248x128xf32, #tpu.memory_space<vmem_shared>>
        tpu.enqueue_indirect_dma source(%arg9 : memref<128x128xf32, #tpu.memory_space<vmem>>) target(%dma_start3A_529 : memref<10248x128xf32, #tpu.memory_space<vmem_shared>>) offsets(%dma_start3A_526 : memref<128xi32, #tpu.memory_space<vmem>>) semaphore(%run_scoped3A_523 : memref<!tpu.dma_semaphore, #tpu.memory_space<semaphore_mem>>) {add = true}
        %dma_wait3A_530 = arith.constant 0 : i32
        %dma_wait3A_531 = tpu.memref_slice %arg8[%run_scoped3A_213, %dma_wait3A_530] : memref<32x128xi32, #tpu.memory_space<vmem>> -> memref<1x128xi32, #tpu.memory_space<vmem>>
        %dma_wait3A_532 = tpu.memref_squeeze %dma_wait3A_531 : memref<1x128xi32, #tpu.memory_space<vmem>> -> memref<128xi32, #tpu.memory_space<vmem>>
        %dma_wait3A_533 = arith.constant 0 : i32
        %dma_wait3A_534 = arith.constant 0 : i32
        %dma_wait3A_535 = tpu.memref_slice %arg12[%dma_wait3A_533, %dma_wait3A_534] : memref<10248x128xf32, #tpu.memory_space<vmem_shared>> -> memref<10248x128xf32, #tpu.memory_space<vmem_shared>>
        tpu.wait_indirect_dma semaphore(%run_scoped3A_523 : memref<!tpu.dma_semaphore, #tpu.memory_space<semaphore_mem>>) src(%arg9 : memref<128x128xf32, #tpu.memory_space<vmem>>) dst(%dma_wait3A_535 : memref<10248x128xf32, #tpu.memory_space<vmem_shared>>)
        tpu.yield
      }) : () -> ()
      %dma_start3A_214 = arith.constant 12 : i32
      %dma_start3A_215 = arith.constant 0 : i32
      %dma_start3A_216 = tpu.memref_slice %arg7[%dma_start3A_214, %dma_start3A_215] : memref<32x128xi32, #tpu.memory_space<vmem>> -> memref<1x128xi32, #tpu.memory_space<vmem>>
      %dma_start3A_217 = tpu.memref_squeeze %dma_start3A_216 : memref<1x128xi32, #tpu.memory_space<vmem>> -> memref<128xi32, #tpu.memory_space<vmem>>
      %dma_start3A_218 = arith.constant 0 : i32
      %dma_start3A_219 = arith.constant 0 : i32
      %dma_start3A_220 = tpu.memref_slice %arg2[%dma_start3A_218, %dma_start3A_219] : memref<20480x128xf32, #tpu.memory_space<hbm>> -> memref<20480x128xf32, #tpu.memory_space<hbm>>
      tpu.enqueue_indirect_dma source(%dma_start3A_220 : memref<20480x128xf32, #tpu.memory_space<hbm>>) target(%arg9 : memref<128x128xf32, #tpu.memory_space<vmem>>) offsets(%dma_start3A_217 : memref<128xi32, #tpu.memory_space<vmem>>) semaphore(%arg13 : memref<!tpu.dma_semaphore, #tpu.memory_space<semaphore_mem>>)
      %dma_wait3A_221 = arith.constant 11 : i32
      %dma_wait3A_222 = arith.constant 0 : i32
      %dma_wait3A_223 = tpu.memref_slice %arg7[%dma_wait3A_221, %dma_wait3A_222] : memref<32x128xi32, #tpu.memory_space<vmem>> -> memref<1x128xi32, #tpu.memory_space<vmem>>
      %dma_wait3A_224 = tpu.memref_squeeze %dma_wait3A_223 : memref<1x128xi32, #tpu.memory_space<vmem>> -> memref<128xi32, #tpu.memory_space<vmem>>
      %dma_wait3A_225 = arith.constant 0 : i32
      %dma_wait3A_226 = arith.constant 0 : i32
      %dma_wait3A_227 = tpu.memref_slice %arg2[%dma_wait3A_225, %dma_wait3A_226] : memref<20480x128xf32, #tpu.memory_space<hbm>> -> memref<20480x128xf32, #tpu.memory_space<hbm>>
      tpu.wait_indirect_dma semaphore(%arg14 : memref<!tpu.dma_semaphore, #tpu.memory_space<semaphore_mem>>) src(%dma_wait3A_227 : memref<20480x128xf32, #tpu.memory_space<hbm>>) dst(%arg10 : memref<128x128xf32, #tpu.memory_space<vmem>>)
      %run_scoped3A_228 = arith.constant 11 : i32
      "tpu.region"() ({
        %run_scoped3A_523 = tpu.sem_alloc : memref<!tpu.dma_semaphore, #tpu.memory_space<semaphore_mem>>
        %dma_start3A_524 = arith.constant 0 : i32
        %dma_start3A_525 = tpu.memref_slice %arg8[%run_scoped3A_228, %dma_start3A_524] : memref<32x128xi32, #tpu.memory_space<vmem>> -> memref<1x128xi32, #tpu.memory_space<vmem>>
        %dma_start3A_526 = tpu.memref_squeeze %dma_start3A_525 : memref<1x128xi32, #tpu.memory_space<vmem>> -> memref<128xi32, #tpu.memory_space<vmem>>
        %dma_start3A_527 = arith.constant 0 : i32
        %dma_start3A_528 = arith.constant 0 : i32
        %dma_start3A_529 = tpu.memref_slice %arg12[%dma_start3A_527, %dma_start3A_528] : memref<10248x128xf32, #tpu.memory_space<vmem_shared>> -> memref<10248x128xf32, #tpu.memory_space<vmem_shared>>
        tpu.enqueue_indirect_dma source(%arg10 : memref<128x128xf32, #tpu.memory_space<vmem>>) target(%dma_start3A_529 : memref<10248x128xf32, #tpu.memory_space<vmem_shared>>) offsets(%dma_start3A_526 : memref<128xi32, #tpu.memory_space<vmem>>) semaphore(%run_scoped3A_523 : memref<!tpu.dma_semaphore, #tpu.memory_space<semaphore_mem>>) {add = true}
        %dma_wait3A_530 = arith.constant 0 : i32
        %dma_wait3A_531 = tpu.memref_slice %arg8[%run_scoped3A_228, %dma_wait3A_530] : memref<32x128xi32, #tpu.memory_space<vmem>> -> memref<1x128xi32, #tpu.memory_space<vmem>>
        %dma_wait3A_532 = tpu.memref_squeeze %dma_wait3A_531 : memref<1x128xi32, #tpu.memory_space<vmem>> -> memref<128xi32, #tpu.memory_space<vmem>>
        %dma_wait3A_533 = arith.constant 0 : i32
        %dma_wait3A_534 = arith.constant 0 : i32
        %dma_wait3A_535 = tpu.memref_slice %arg12[%dma_wait3A_533, %dma_wait3A_534] : memref<10248x128xf32, #tpu.memory_space<vmem_shared>> -> memref<10248x128xf32, #tpu.memory_space<vmem_shared>>
        tpu.wait_indirect_dma semaphore(%run_scoped3A_523 : memref<!tpu.dma_semaphore, #tpu.memory_space<semaphore_mem>>) src(%arg10 : memref<128x128xf32, #tpu.memory_space<vmem>>) dst(%dma_wait3A_535 : memref<10248x128xf32, #tpu.memory_space<vmem_shared>>)
        tpu.yield
      }) : () -> ()
      %dma_start3A_229 = arith.constant 13 : i32
      %dma_start3A_230 = arith.constant 0 : i32
      %dma_start3A_231 = tpu.memref_slice %arg7[%dma_start3A_229, %dma_start3A_230] : memref<32x128xi32, #tpu.memory_space<vmem>> -> memref<1x128xi32, #tpu.memory_space<vmem>>
      %dma_start3A_232 = tpu.memref_squeeze %dma_start3A_231 : memref<1x128xi32, #tpu.memory_space<vmem>> -> memref<128xi32, #tpu.memory_space<vmem>>
      %dma_start3A_233 = arith.constant 0 : i32
      %dma_start3A_234 = arith.constant 0 : i32
      %dma_start3A_235 = tpu.memref_slice %arg2[%dma_start3A_233, %dma_start3A_234] : memref<20480x128xf32, #tpu.memory_space<hbm>> -> memref<20480x128xf32, #tpu.memory_space<hbm>>
      tpu.enqueue_indirect_dma source(%dma_start3A_235 : memref<20480x128xf32, #tpu.memory_space<hbm>>) target(%arg10 : memref<128x128xf32, #tpu.memory_space<vmem>>) offsets(%dma_start3A_232 : memref<128xi32, #tpu.memory_space<vmem>>) semaphore(%arg14 : memref<!tpu.dma_semaphore, #tpu.memory_space<semaphore_mem>>)
      %dma_wait3A_236 = arith.constant 12 : i32
      %dma_wait3A_237 = arith.constant 0 : i32
      %dma_wait3A_238 = tpu.memref_slice %arg7[%dma_wait3A_236, %dma_wait3A_237] : memref<32x128xi32, #tpu.memory_space<vmem>> -> memref<1x128xi32, #tpu.memory_space<vmem>>
      %dma_wait3A_239 = tpu.memref_squeeze %dma_wait3A_238 : memref<1x128xi32, #tpu.memory_space<vmem>> -> memref<128xi32, #tpu.memory_space<vmem>>
      %dma_wait3A_240 = arith.constant 0 : i32
      %dma_wait3A_241 = arith.constant 0 : i32
      %dma_wait3A_242 = tpu.memref_slice %arg2[%dma_wait3A_240, %dma_wait3A_241] : memref<20480x128xf32, #tpu.memory_space<hbm>> -> memref<20480x128xf32, #tpu.memory_space<hbm>>
      tpu.wait_indirect_dma semaphore(%arg13 : memref<!tpu.dma_semaphore, #tpu.memory_space<semaphore_mem>>) src(%dma_wait3A_242 : memref<20480x128xf32, #tpu.memory_space<hbm>>) dst(%arg9 : memref<128x128xf32, #tpu.memory_space<vmem>>)
      %run_scoped3A_243 = arith.constant 12 : i32
      "tpu.region"() ({
        %run_scoped3A_523 = tpu.sem_alloc : memref<!tpu.dma_semaphore, #tpu.memory_space<semaphore_mem>>
        %dma_start3A_524 = arith.constant 0 : i32
        %dma_start3A_525 = tpu.memref_slice %arg8[%run_scoped3A_243, %dma_start3A_524] : memref<32x128xi32, #tpu.memory_space<vmem>> -> memref<1x128xi32, #tpu.memory_space<vmem>>
        %dma_start3A_526 = tpu.memref_squeeze %dma_start3A_525 : memref<1x128xi32, #tpu.memory_space<vmem>> -> memref<128xi32, #tpu.memory_space<vmem>>
        %dma_start3A_527 = arith.constant 0 : i32
        %dma_start3A_528 = arith.constant 0 : i32
        %dma_start3A_529 = tpu.memref_slice %arg12[%dma_start3A_527, %dma_start3A_528] : memref<10248x128xf32, #tpu.memory_space<vmem_shared>> -> memref<10248x128xf32, #tpu.memory_space<vmem_shared>>
        tpu.enqueue_indirect_dma source(%arg9 : memref<128x128xf32, #tpu.memory_space<vmem>>) target(%dma_start3A_529 : memref<10248x128xf32, #tpu.memory_space<vmem_shared>>) offsets(%dma_start3A_526 : memref<128xi32, #tpu.memory_space<vmem>>) semaphore(%run_scoped3A_523 : memref<!tpu.dma_semaphore, #tpu.memory_space<semaphore_mem>>) {add = true}
        %dma_wait3A_530 = arith.constant 0 : i32
        %dma_wait3A_531 = tpu.memref_slice %arg8[%run_scoped3A_243, %dma_wait3A_530] : memref<32x128xi32, #tpu.memory_space<vmem>> -> memref<1x128xi32, #tpu.memory_space<vmem>>
        %dma_wait3A_532 = tpu.memref_squeeze %dma_wait3A_531 : memref<1x128xi32, #tpu.memory_space<vmem>> -> memref<128xi32, #tpu.memory_space<vmem>>
        %dma_wait3A_533 = arith.constant 0 : i32
        %dma_wait3A_534 = arith.constant 0 : i32
        %dma_wait3A_535 = tpu.memref_slice %arg12[%dma_wait3A_533, %dma_wait3A_534] : memref<10248x128xf32, #tpu.memory_space<vmem_shared>> -> memref<10248x128xf32, #tpu.memory_space<vmem_shared>>
        tpu.wait_indirect_dma semaphore(%run_scoped3A_523 : memref<!tpu.dma_semaphore, #tpu.memory_space<semaphore_mem>>) src(%arg9 : memref<128x128xf32, #tpu.memory_space<vmem>>) dst(%dma_wait3A_535 : memref<10248x128xf32, #tpu.memory_space<vmem_shared>>)
        tpu.yield
      }) : () -> ()
      %dma_start3A_244 = arith.constant 14 : i32
      %dma_start3A_245 = arith.constant 0 : i32
      %dma_start3A_246 = tpu.memref_slice %arg7[%dma_start3A_244, %dma_start3A_245] : memref<32x128xi32, #tpu.memory_space<vmem>> -> memref<1x128xi32, #tpu.memory_space<vmem>>
      %dma_start3A_247 = tpu.memref_squeeze %dma_start3A_246 : memref<1x128xi32, #tpu.memory_space<vmem>> -> memref<128xi32, #tpu.memory_space<vmem>>
      %dma_start3A_248 = arith.constant 0 : i32
      %dma_start3A_249 = arith.constant 0 : i32
      %dma_start3A_250 = tpu.memref_slice %arg2[%dma_start3A_248, %dma_start3A_249] : memref<20480x128xf32, #tpu.memory_space<hbm>> -> memref<20480x128xf32, #tpu.memory_space<hbm>>
      tpu.enqueue_indirect_dma source(%dma_start3A_250 : memref<20480x128xf32, #tpu.memory_space<hbm>>) target(%arg9 : memref<128x128xf32, #tpu.memory_space<vmem>>) offsets(%dma_start3A_247 : memref<128xi32, #tpu.memory_space<vmem>>) semaphore(%arg13 : memref<!tpu.dma_semaphore, #tpu.memory_space<semaphore_mem>>)
      %dma_wait3A_251 = arith.constant 13 : i32
      %dma_wait3A_252 = arith.constant 0 : i32
      %dma_wait3A_253 = tpu.memref_slice %arg7[%dma_wait3A_251, %dma_wait3A_252] : memref<32x128xi32, #tpu.memory_space<vmem>> -> memref<1x128xi32, #tpu.memory_space<vmem>>
      %dma_wait3A_254 = tpu.memref_squeeze %dma_wait3A_253 : memref<1x128xi32, #tpu.memory_space<vmem>> -> memref<128xi32, #tpu.memory_space<vmem>>
      %dma_wait3A_255 = arith.constant 0 : i32
      %dma_wait3A_256 = arith.constant 0 : i32
      %dma_wait3A_257 = tpu.memref_slice %arg2[%dma_wait3A_255, %dma_wait3A_256] : memref<20480x128xf32, #tpu.memory_space<hbm>> -> memref<20480x128xf32, #tpu.memory_space<hbm>>
      tpu.wait_indirect_dma semaphore(%arg14 : memref<!tpu.dma_semaphore, #tpu.memory_space<semaphore_mem>>) src(%dma_wait3A_257 : memref<20480x128xf32, #tpu.memory_space<hbm>>) dst(%arg10 : memref<128x128xf32, #tpu.memory_space<vmem>>)
      %run_scoped3A_258 = arith.constant 13 : i32
      "tpu.region"() ({
        %run_scoped3A_523 = tpu.sem_alloc : memref<!tpu.dma_semaphore, #tpu.memory_space<semaphore_mem>>
        %dma_start3A_524 = arith.constant 0 : i32
        %dma_start3A_525 = tpu.memref_slice %arg8[%run_scoped3A_258, %dma_start3A_524] : memref<32x128xi32, #tpu.memory_space<vmem>> -> memref<1x128xi32, #tpu.memory_space<vmem>>
        %dma_start3A_526 = tpu.memref_squeeze %dma_start3A_525 : memref<1x128xi32, #tpu.memory_space<vmem>> -> memref<128xi32, #tpu.memory_space<vmem>>
        %dma_start3A_527 = arith.constant 0 : i32
        %dma_start3A_528 = arith.constant 0 : i32
        %dma_start3A_529 = tpu.memref_slice %arg12[%dma_start3A_527, %dma_start3A_528] : memref<10248x128xf32, #tpu.memory_space<vmem_shared>> -> memref<10248x128xf32, #tpu.memory_space<vmem_shared>>
        tpu.enqueue_indirect_dma source(%arg10 : memref<128x128xf32, #tpu.memory_space<vmem>>) target(%dma_start3A_529 : memref<10248x128xf32, #tpu.memory_space<vmem_shared>>) offsets(%dma_start3A_526 : memref<128xi32, #tpu.memory_space<vmem>>) semaphore(%run_scoped3A_523 : memref<!tpu.dma_semaphore, #tpu.memory_space<semaphore_mem>>) {add = true}
        %dma_wait3A_530 = arith.constant 0 : i32
        %dma_wait3A_531 = tpu.memref_slice %arg8[%run_scoped3A_258, %dma_wait3A_530] : memref<32x128xi32, #tpu.memory_space<vmem>> -> memref<1x128xi32, #tpu.memory_space<vmem>>
        %dma_wait3A_532 = tpu.memref_squeeze %dma_wait3A_531 : memref<1x128xi32, #tpu.memory_space<vmem>> -> memref<128xi32, #tpu.memory_space<vmem>>
        %dma_wait3A_533 = arith.constant 0 : i32
        %dma_wait3A_534 = arith.constant 0 : i32
        %dma_wait3A_535 = tpu.memref_slice %arg12[%dma_wait3A_533, %dma_wait3A_534] : memref<10248x128xf32, #tpu.memory_space<vmem_shared>> -> memref<10248x128xf32, #tpu.memory_space<vmem_shared>>
        tpu.wait_indirect_dma semaphore(%run_scoped3A_523 : memref<!tpu.dma_semaphore, #tpu.memory_space<semaphore_mem>>) src(%arg10 : memref<128x128xf32, #tpu.memory_space<vmem>>) dst(%dma_wait3A_535 : memref<10248x128xf32, #tpu.memory_space<vmem_shared>>)
        tpu.yield
      }) : () -> ()
      %dma_start3A_259 = arith.constant 15 : i32
      %dma_start3A_260 = arith.constant 0 : i32
      %dma_start3A_261 = tpu.memref_slice %arg7[%dma_start3A_259, %dma_start3A_260] : memref<32x128xi32, #tpu.memory_space<vmem>> -> memref<1x128xi32, #tpu.memory_space<vmem>>
      %dma_start3A_262 = tpu.memref_squeeze %dma_start3A_261 : memref<1x128xi32, #tpu.memory_space<vmem>> -> memref<128xi32, #tpu.memory_space<vmem>>
      %dma_start3A_263 = arith.constant 0 : i32
      %dma_start3A_264 = arith.constant 0 : i32
      %dma_start3A_265 = tpu.memref_slice %arg2[%dma_start3A_263, %dma_start3A_264] : memref<20480x128xf32, #tpu.memory_space<hbm>> -> memref<20480x128xf32, #tpu.memory_space<hbm>>
      tpu.enqueue_indirect_dma source(%dma_start3A_265 : memref<20480x128xf32, #tpu.memory_space<hbm>>) target(%arg10 : memref<128x128xf32, #tpu.memory_space<vmem>>) offsets(%dma_start3A_262 : memref<128xi32, #tpu.memory_space<vmem>>) semaphore(%arg14 : memref<!tpu.dma_semaphore, #tpu.memory_space<semaphore_mem>>)
      %dma_wait3A_266 = arith.constant 14 : i32
      %dma_wait3A_267 = arith.constant 0 : i32
      %dma_wait3A_268 = tpu.memref_slice %arg7[%dma_wait3A_266, %dma_wait3A_267] : memref<32x128xi32, #tpu.memory_space<vmem>> -> memref<1x128xi32, #tpu.memory_space<vmem>>
      %dma_wait3A_269 = tpu.memref_squeeze %dma_wait3A_268 : memref<1x128xi32, #tpu.memory_space<vmem>> -> memref<128xi32, #tpu.memory_space<vmem>>
      %dma_wait3A_270 = arith.constant 0 : i32
      %dma_wait3A_271 = arith.constant 0 : i32
      %dma_wait3A_272 = tpu.memref_slice %arg2[%dma_wait3A_270, %dma_wait3A_271] : memref<20480x128xf32, #tpu.memory_space<hbm>> -> memref<20480x128xf32, #tpu.memory_space<hbm>>
      tpu.wait_indirect_dma semaphore(%arg13 : memref<!tpu.dma_semaphore, #tpu.memory_space<semaphore_mem>>) src(%dma_wait3A_272 : memref<20480x128xf32, #tpu.memory_space<hbm>>) dst(%arg9 : memref<128x128xf32, #tpu.memory_space<vmem>>)
      %run_scoped3A_273 = arith.constant 14 : i32
      "tpu.region"() ({
        %run_scoped3A_523 = tpu.sem_alloc : memref<!tpu.dma_semaphore, #tpu.memory_space<semaphore_mem>>
        %dma_start3A_524 = arith.constant 0 : i32
        %dma_start3A_525 = tpu.memref_slice %arg8[%run_scoped3A_273, %dma_start3A_524] : memref<32x128xi32, #tpu.memory_space<vmem>> -> memref<1x128xi32, #tpu.memory_space<vmem>>
        %dma_start3A_526 = tpu.memref_squeeze %dma_start3A_525 : memref<1x128xi32, #tpu.memory_space<vmem>> -> memref<128xi32, #tpu.memory_space<vmem>>
        %dma_start3A_527 = arith.constant 0 : i32
        %dma_start3A_528 = arith.constant 0 : i32
        %dma_start3A_529 = tpu.memref_slice %arg12[%dma_start3A_527, %dma_start3A_528] : memref<10248x128xf32, #tpu.memory_space<vmem_shared>> -> memref<10248x128xf32, #tpu.memory_space<vmem_shared>>
        tpu.enqueue_indirect_dma source(%arg9 : memref<128x128xf32, #tpu.memory_space<vmem>>) target(%dma_start3A_529 : memref<10248x128xf32, #tpu.memory_space<vmem_shared>>) offsets(%dma_start3A_526 : memref<128xi32, #tpu.memory_space<vmem>>) semaphore(%run_scoped3A_523 : memref<!tpu.dma_semaphore, #tpu.memory_space<semaphore_mem>>) {add = true}
        %dma_wait3A_530 = arith.constant 0 : i32
        %dma_wait3A_531 = tpu.memref_slice %arg8[%run_scoped3A_273, %dma_wait3A_530] : memref<32x128xi32, #tpu.memory_space<vmem>> -> memref<1x128xi32, #tpu.memory_space<vmem>>
        %dma_wait3A_532 = tpu.memref_squeeze %dma_wait3A_531 : memref<1x128xi32, #tpu.memory_space<vmem>> -> memref<128xi32, #tpu.memory_space<vmem>>
        %dma_wait3A_533 = arith.constant 0 : i32
        %dma_wait3A_534 = arith.constant 0 : i32
        %dma_wait3A_535 = tpu.memref_slice %arg12[%dma_wait3A_533, %dma_wait3A_534] : memref<10248x128xf32, #tpu.memory_space<vmem_shared>> -> memref<10248x128xf32, #tpu.memory_space<vmem_shared>>
        tpu.wait_indirect_dma semaphore(%run_scoped3A_523 : memref<!tpu.dma_semaphore, #tpu.memory_space<semaphore_mem>>) src(%arg9 : memref<128x128xf32, #tpu.memory_space<vmem>>) dst(%dma_wait3A_535 : memref<10248x128xf32, #tpu.memory_space<vmem_shared>>)
        tpu.yield
      }) : () -> ()
      %dma_start3A_274 = arith.constant 16 : i32
      %dma_start3A_275 = arith.constant 0 : i32
      %dma_start3A_276 = tpu.memref_slice %arg7[%dma_start3A_274, %dma_start3A_275] : memref<32x128xi32, #tpu.memory_space<vmem>> -> memref<1x128xi32, #tpu.memory_space<vmem>>
      %dma_start3A_277 = tpu.memref_squeeze %dma_start3A_276 : memref<1x128xi32, #tpu.memory_space<vmem>> -> memref<128xi32, #tpu.memory_space<vmem>>
      %dma_start3A_278 = arith.constant 0 : i32
      %dma_start3A_279 = arith.constant 0 : i32
      %dma_start3A_280 = tpu.memref_slice %arg2[%dma_start3A_278, %dma_start3A_279] : memref<20480x128xf32, #tpu.memory_space<hbm>> -> memref<20480x128xf32, #tpu.memory_space<hbm>>
      tpu.enqueue_indirect_dma source(%dma_start3A_280 : memref<20480x128xf32, #tpu.memory_space<hbm>>) target(%arg9 : memref<128x128xf32, #tpu.memory_space<vmem>>) offsets(%dma_start3A_277 : memref<128xi32, #tpu.memory_space<vmem>>) semaphore(%arg13 : memref<!tpu.dma_semaphore, #tpu.memory_space<semaphore_mem>>)
      %dma_wait3A_281 = arith.constant 15 : i32
      %dma_wait3A_282 = arith.constant 0 : i32
      %dma_wait3A_283 = tpu.memref_slice %arg7[%dma_wait3A_281, %dma_wait3A_282] : memref<32x128xi32, #tpu.memory_space<vmem>> -> memref<1x128xi32, #tpu.memory_space<vmem>>
      %dma_wait3A_284 = tpu.memref_squeeze %dma_wait3A_283 : memref<1x128xi32, #tpu.memory_space<vmem>> -> memref<128xi32, #tpu.memory_space<vmem>>
      %dma_wait3A_285 = arith.constant 0 : i32
      %dma_wait3A_286 = arith.constant 0 : i32
      %dma_wait3A_287 = tpu.memref_slice %arg2[%dma_wait3A_285, %dma_wait3A_286] : memref<20480x128xf32, #tpu.memory_space<hbm>> -> memref<20480x128xf32, #tpu.memory_space<hbm>>
      tpu.wait_indirect_dma semaphore(%arg14 : memref<!tpu.dma_semaphore, #tpu.memory_space<semaphore_mem>>) src(%dma_wait3A_287 : memref<20480x128xf32, #tpu.memory_space<hbm>>) dst(%arg10 : memref<128x128xf32, #tpu.memory_space<vmem>>)
      %run_scoped3A_288 = arith.constant 15 : i32
      "tpu.region"() ({
        %run_scoped3A_523 = tpu.sem_alloc : memref<!tpu.dma_semaphore, #tpu.memory_space<semaphore_mem>>
        %dma_start3A_524 = arith.constant 0 : i32
        %dma_start3A_525 = tpu.memref_slice %arg8[%run_scoped3A_288, %dma_start3A_524] : memref<32x128xi32, #tpu.memory_space<vmem>> -> memref<1x128xi32, #tpu.memory_space<vmem>>
        %dma_start3A_526 = tpu.memref_squeeze %dma_start3A_525 : memref<1x128xi32, #tpu.memory_space<vmem>> -> memref<128xi32, #tpu.memory_space<vmem>>
        %dma_start3A_527 = arith.constant 0 : i32
        %dma_start3A_528 = arith.constant 0 : i32
        %dma_start3A_529 = tpu.memref_slice %arg12[%dma_start3A_527, %dma_start3A_528] : memref<10248x128xf32, #tpu.memory_space<vmem_shared>> -> memref<10248x128xf32, #tpu.memory_space<vmem_shared>>
        tpu.enqueue_indirect_dma source(%arg10 : memref<128x128xf32, #tpu.memory_space<vmem>>) target(%dma_start3A_529 : memref<10248x128xf32, #tpu.memory_space<vmem_shared>>) offsets(%dma_start3A_526 : memref<128xi32, #tpu.memory_space<vmem>>) semaphore(%run_scoped3A_523 : memref<!tpu.dma_semaphore, #tpu.memory_space<semaphore_mem>>) {add = true}
        %dma_wait3A_530 = arith.constant 0 : i32
        %dma_wait3A_531 = tpu.memref_slice %arg8[%run_scoped3A_288, %dma_wait3A_530] : memref<32x128xi32, #tpu.memory_space<vmem>> -> memref<1x128xi32, #tpu.memory_space<vmem>>
        %dma_wait3A_532 = tpu.memref_squeeze %dma_wait3A_531 : memref<1x128xi32, #tpu.memory_space<vmem>> -> memref<128xi32, #tpu.memory_space<vmem>>
        %dma_wait3A_533 = arith.constant 0 : i32
        %dma_wait3A_534 = arith.constant 0 : i32
        %dma_wait3A_535 = tpu.memref_slice %arg12[%dma_wait3A_533, %dma_wait3A_534] : memref<10248x128xf32, #tpu.memory_space<vmem_shared>> -> memref<10248x128xf32, #tpu.memory_space<vmem_shared>>
        tpu.wait_indirect_dma semaphore(%run_scoped3A_523 : memref<!tpu.dma_semaphore, #tpu.memory_space<semaphore_mem>>) src(%arg10 : memref<128x128xf32, #tpu.memory_space<vmem>>) dst(%dma_wait3A_535 : memref<10248x128xf32, #tpu.memory_space<vmem_shared>>)
        tpu.yield
      }) : () -> ()
      %dma_start3A_289 = arith.constant 17 : i32
      %dma_start3A_290 = arith.constant 0 : i32
      %dma_start3A_291 = tpu.memref_slice %arg7[%dma_start3A_289, %dma_start3A_290] : memref<32x128xi32, #tpu.memory_space<vmem>> -> memref<1x128xi32, #tpu.memory_space<vmem>>
      %dma_start3A_292 = tpu.memref_squeeze %dma_start3A_291 : memref<1x128xi32, #tpu.memory_space<vmem>> -> memref<128xi32, #tpu.memory_space<vmem>>
      %dma_start3A_293 = arith.constant 0 : i32
      %dma_start3A_294 = arith.constant 0 : i32
      %dma_start3A_295 = tpu.memref_slice %arg2[%dma_start3A_293, %dma_start3A_294] : memref<20480x128xf32, #tpu.memory_space<hbm>> -> memref<20480x128xf32, #tpu.memory_space<hbm>>
      tpu.enqueue_indirect_dma source(%dma_start3A_295 : memref<20480x128xf32, #tpu.memory_space<hbm>>) target(%arg10 : memref<128x128xf32, #tpu.memory_space<vmem>>) offsets(%dma_start3A_292 : memref<128xi32, #tpu.memory_space<vmem>>) semaphore(%arg14 : memref<!tpu.dma_semaphore, #tpu.memory_space<semaphore_mem>>)
      %dma_wait3A_296 = arith.constant 16 : i32
      %dma_wait3A_297 = arith.constant 0 : i32
      %dma_wait3A_298 = tpu.memref_slice %arg7[%dma_wait3A_296, %dma_wait3A_297] : memref<32x128xi32, #tpu.memory_space<vmem>> -> memref<1x128xi32, #tpu.memory_space<vmem>>
      %dma_wait3A_299 = tpu.memref_squeeze %dma_wait3A_298 : memref<1x128xi32, #tpu.memory_space<vmem>> -> memref<128xi32, #tpu.memory_space<vmem>>
      %dma_wait3A_300 = arith.constant 0 : i32
      %dma_wait3A_301 = arith.constant 0 : i32
      %dma_wait3A_302 = tpu.memref_slice %arg2[%dma_wait3A_300, %dma_wait3A_301] : memref<20480x128xf32, #tpu.memory_space<hbm>> -> memref<20480x128xf32, #tpu.memory_space<hbm>>
      tpu.wait_indirect_dma semaphore(%arg13 : memref<!tpu.dma_semaphore, #tpu.memory_space<semaphore_mem>>) src(%dma_wait3A_302 : memref<20480x128xf32, #tpu.memory_space<hbm>>) dst(%arg9 : memref<128x128xf32, #tpu.memory_space<vmem>>)
      %run_scoped3A_303 = arith.constant 16 : i32
      "tpu.region"() ({
        %run_scoped3A_523 = tpu.sem_alloc : memref<!tpu.dma_semaphore, #tpu.memory_space<semaphore_mem>>
        %dma_start3A_524 = arith.constant 0 : i32
        %dma_start3A_525 = tpu.memref_slice %arg8[%run_scoped3A_303, %dma_start3A_524] : memref<32x128xi32, #tpu.memory_space<vmem>> -> memref<1x128xi32, #tpu.memory_space<vmem>>
        %dma_start3A_526 = tpu.memref_squeeze %dma_start3A_525 : memref<1x128xi32, #tpu.memory_space<vmem>> -> memref<128xi32, #tpu.memory_space<vmem>>
        %dma_start3A_527 = arith.constant 0 : i32
        %dma_start3A_528 = arith.constant 0 : i32
        %dma_start3A_529 = tpu.memref_slice %arg12[%dma_start3A_527, %dma_start3A_528] : memref<10248x128xf32, #tpu.memory_space<vmem_shared>> -> memref<10248x128xf32, #tpu.memory_space<vmem_shared>>
        tpu.enqueue_indirect_dma source(%arg9 : memref<128x128xf32, #tpu.memory_space<vmem>>) target(%dma_start3A_529 : memref<10248x128xf32, #tpu.memory_space<vmem_shared>>) offsets(%dma_start3A_526 : memref<128xi32, #tpu.memory_space<vmem>>) semaphore(%run_scoped3A_523 : memref<!tpu.dma_semaphore, #tpu.memory_space<semaphore_mem>>) {add = true}
        %dma_wait3A_530 = arith.constant 0 : i32
        %dma_wait3A_531 = tpu.memref_slice %arg8[%run_scoped3A_303, %dma_wait3A_530] : memref<32x128xi32, #tpu.memory_space<vmem>> -> memref<1x128xi32, #tpu.memory_space<vmem>>
        %dma_wait3A_532 = tpu.memref_squeeze %dma_wait3A_531 : memref<1x128xi32, #tpu.memory_space<vmem>> -> memref<128xi32, #tpu.memory_space<vmem>>
        %dma_wait3A_533 = arith.constant 0 : i32
        %dma_wait3A_534 = arith.constant 0 : i32
        %dma_wait3A_535 = tpu.memref_slice %arg12[%dma_wait3A_533, %dma_wait3A_534] : memref<10248x128xf32, #tpu.memory_space<vmem_shared>> -> memref<10248x128xf32, #tpu.memory_space<vmem_shared>>
        tpu.wait_indirect_dma semaphore(%run_scoped3A_523 : memref<!tpu.dma_semaphore, #tpu.memory_space<semaphore_mem>>) src(%arg9 : memref<128x128xf32, #tpu.memory_space<vmem>>) dst(%dma_wait3A_535 : memref<10248x128xf32, #tpu.memory_space<vmem_shared>>)
        tpu.yield
      }) : () -> ()
      %dma_start3A_304 = arith.constant 18 : i32
      %dma_start3A_305 = arith.constant 0 : i32
      %dma_start3A_306 = tpu.memref_slice %arg7[%dma_start3A_304, %dma_start3A_305] : memref<32x128xi32, #tpu.memory_space<vmem>> -> memref<1x128xi32, #tpu.memory_space<vmem>>
      %dma_start3A_307 = tpu.memref_squeeze %dma_start3A_306 : memref<1x128xi32, #tpu.memory_space<vmem>> -> memref<128xi32, #tpu.memory_space<vmem>>
      %dma_start3A_308 = arith.constant 0 : i32
      %dma_start3A_309 = arith.constant 0 : i32
      %dma_start3A_310 = tpu.memref_slice %arg2[%dma_start3A_308, %dma_start3A_309] : memref<20480x128xf32, #tpu.memory_space<hbm>> -> memref<20480x128xf32, #tpu.memory_space<hbm>>
      tpu.enqueue_indirect_dma source(%dma_start3A_310 : memref<20480x128xf32, #tpu.memory_space<hbm>>) target(%arg9 : memref<128x128xf32, #tpu.memory_space<vmem>>) offsets(%dma_start3A_307 : memref<128xi32, #tpu.memory_space<vmem>>) semaphore(%arg13 : memref<!tpu.dma_semaphore, #tpu.memory_space<semaphore_mem>>)
      %dma_wait3A_311 = arith.constant 17 : i32
      %dma_wait3A_312 = arith.constant 0 : i32
      %dma_wait3A_313 = tpu.memref_slice %arg7[%dma_wait3A_311, %dma_wait3A_312] : memref<32x128xi32, #tpu.memory_space<vmem>> -> memref<1x128xi32, #tpu.memory_space<vmem>>
      %dma_wait3A_314 = tpu.memref_squeeze %dma_wait3A_313 : memref<1x128xi32, #tpu.memory_space<vmem>> -> memref<128xi32, #tpu.memory_space<vmem>>
      %dma_wait3A_315 = arith.constant 0 : i32
      %dma_wait3A_316 = arith.constant 0 : i32
      %dma_wait3A_317 = tpu.memref_slice %arg2[%dma_wait3A_315, %dma_wait3A_316] : memref<20480x128xf32, #tpu.memory_space<hbm>> -> memref<20480x128xf32, #tpu.memory_space<hbm>>
      tpu.wait_indirect_dma semaphore(%arg14 : memref<!tpu.dma_semaphore, #tpu.memory_space<semaphore_mem>>) src(%dma_wait3A_317 : memref<20480x128xf32, #tpu.memory_space<hbm>>) dst(%arg10 : memref<128x128xf32, #tpu.memory_space<vmem>>)
      %run_scoped3A_318 = arith.constant 17 : i32
      "tpu.region"() ({
        %run_scoped3A_523 = tpu.sem_alloc : memref<!tpu.dma_semaphore, #tpu.memory_space<semaphore_mem>>
        %dma_start3A_524 = arith.constant 0 : i32
        %dma_start3A_525 = tpu.memref_slice %arg8[%run_scoped3A_318, %dma_start3A_524] : memref<32x128xi32, #tpu.memory_space<vmem>> -> memref<1x128xi32, #tpu.memory_space<vmem>>
        %dma_start3A_526 = tpu.memref_squeeze %dma_start3A_525 : memref<1x128xi32, #tpu.memory_space<vmem>> -> memref<128xi32, #tpu.memory_space<vmem>>
        %dma_start3A_527 = arith.constant 0 : i32
        %dma_start3A_528 = arith.constant 0 : i32
        %dma_start3A_529 = tpu.memref_slice %arg12[%dma_start3A_527, %dma_start3A_528] : memref<10248x128xf32, #tpu.memory_space<vmem_shared>> -> memref<10248x128xf32, #tpu.memory_space<vmem_shared>>
        tpu.enqueue_indirect_dma source(%arg10 : memref<128x128xf32, #tpu.memory_space<vmem>>) target(%dma_start3A_529 : memref<10248x128xf32, #tpu.memory_space<vmem_shared>>) offsets(%dma_start3A_526 : memref<128xi32, #tpu.memory_space<vmem>>) semaphore(%run_scoped3A_523 : memref<!tpu.dma_semaphore, #tpu.memory_space<semaphore_mem>>) {add = true}
        %dma_wait3A_530 = arith.constant 0 : i32
        %dma_wait3A_531 = tpu.memref_slice %arg8[%run_scoped3A_318, %dma_wait3A_530] : memref<32x128xi32, #tpu.memory_space<vmem>> -> memref<1x128xi32, #tpu.memory_space<vmem>>
        %dma_wait3A_532 = tpu.memref_squeeze %dma_wait3A_531 : memref<1x128xi32, #tpu.memory_space<vmem>> -> memref<128xi32, #tpu.memory_space<vmem>>
        %dma_wait3A_533 = arith.constant 0 : i32
        %dma_wait3A_534 = arith.constant 0 : i32
        %dma_wait3A_535 = tpu.memref_slice %arg12[%dma_wait3A_533, %dma_wait3A_534] : memref<10248x128xf32, #tpu.memory_space<vmem_shared>> -> memref<10248x128xf32, #tpu.memory_space<vmem_shared>>
        tpu.wait_indirect_dma semaphore(%run_scoped3A_523 : memref<!tpu.dma_semaphore, #tpu.memory_space<semaphore_mem>>) src(%arg10 : memref<128x128xf32, #tpu.memory_space<vmem>>) dst(%dma_wait3A_535 : memref<10248x128xf32, #tpu.memory_space<vmem_shared>>)
        tpu.yield
      }) : () -> ()
      %dma_start3A_319 = arith.constant 19 : i32
      %dma_start3A_320 = arith.constant 0 : i32
      %dma_start3A_321 = tpu.memref_slice %arg7[%dma_start3A_319, %dma_start3A_320] : memref<32x128xi32, #tpu.memory_space<vmem>> -> memref<1x128xi32, #tpu.memory_space<vmem>>
      %dma_start3A_322 = tpu.memref_squeeze %dma_start3A_321 : memref<1x128xi32, #tpu.memory_space<vmem>> -> memref<128xi32, #tpu.memory_space<vmem>>
      %dma_start3A_323 = arith.constant 0 : i32
      %dma_start3A_324 = arith.constant 0 : i32
      %dma_start3A_325 = tpu.memref_slice %arg2[%dma_start3A_323, %dma_start3A_324] : memref<20480x128xf32, #tpu.memory_space<hbm>> -> memref<20480x128xf32, #tpu.memory_space<hbm>>
      tpu.enqueue_indirect_dma source(%dma_start3A_325 : memref<20480x128xf32, #tpu.memory_space<hbm>>) target(%arg10 : memref<128x128xf32, #tpu.memory_space<vmem>>) offsets(%dma_start3A_322 : memref<128xi32, #tpu.memory_space<vmem>>) semaphore(%arg14 : memref<!tpu.dma_semaphore, #tpu.memory_space<semaphore_mem>>)
      %dma_wait3A_326 = arith.constant 18 : i32
      %dma_wait3A_327 = arith.constant 0 : i32
      %dma_wait3A_328 = tpu.memref_slice %arg7[%dma_wait3A_326, %dma_wait3A_327] : memref<32x128xi32, #tpu.memory_space<vmem>> -> memref<1x128xi32, #tpu.memory_space<vmem>>
      %dma_wait3A_329 = tpu.memref_squeeze %dma_wait3A_328 : memref<1x128xi32, #tpu.memory_space<vmem>> -> memref<128xi32, #tpu.memory_space<vmem>>
      %dma_wait3A_330 = arith.constant 0 : i32
      %dma_wait3A_331 = arith.constant 0 : i32
      %dma_wait3A_332 = tpu.memref_slice %arg2[%dma_wait3A_330, %dma_wait3A_331] : memref<20480x128xf32, #tpu.memory_space<hbm>> -> memref<20480x128xf32, #tpu.memory_space<hbm>>
      tpu.wait_indirect_dma semaphore(%arg13 : memref<!tpu.dma_semaphore, #tpu.memory_space<semaphore_mem>>) src(%dma_wait3A_332 : memref<20480x128xf32, #tpu.memory_space<hbm>>) dst(%arg9 : memref<128x128xf32, #tpu.memory_space<vmem>>)
      %run_scoped3A_333 = arith.constant 18 : i32
      "tpu.region"() ({
        %run_scoped3A_523 = tpu.sem_alloc : memref<!tpu.dma_semaphore, #tpu.memory_space<semaphore_mem>>
        %dma_start3A_524 = arith.constant 0 : i32
        %dma_start3A_525 = tpu.memref_slice %arg8[%run_scoped3A_333, %dma_start3A_524] : memref<32x128xi32, #tpu.memory_space<vmem>> -> memref<1x128xi32, #tpu.memory_space<vmem>>
        %dma_start3A_526 = tpu.memref_squeeze %dma_start3A_525 : memref<1x128xi32, #tpu.memory_space<vmem>> -> memref<128xi32, #tpu.memory_space<vmem>>
        %dma_start3A_527 = arith.constant 0 : i32
        %dma_start3A_528 = arith.constant 0 : i32
        %dma_start3A_529 = tpu.memref_slice %arg12[%dma_start3A_527, %dma_start3A_528] : memref<10248x128xf32, #tpu.memory_space<vmem_shared>> -> memref<10248x128xf32, #tpu.memory_space<vmem_shared>>
        tpu.enqueue_indirect_dma source(%arg9 : memref<128x128xf32, #tpu.memory_space<vmem>>) target(%dma_start3A_529 : memref<10248x128xf32, #tpu.memory_space<vmem_shared>>) offsets(%dma_start3A_526 : memref<128xi32, #tpu.memory_space<vmem>>) semaphore(%run_scoped3A_523 : memref<!tpu.dma_semaphore, #tpu.memory_space<semaphore_mem>>) {add = true}
        %dma_wait3A_530 = arith.constant 0 : i32
        %dma_wait3A_531 = tpu.memref_slice %arg8[%run_scoped3A_333, %dma_wait3A_530] : memref<32x128xi32, #tpu.memory_space<vmem>> -> memref<1x128xi32, #tpu.memory_space<vmem>>
        %dma_wait3A_532 = tpu.memref_squeeze %dma_wait3A_531 : memref<1x128xi32, #tpu.memory_space<vmem>> -> memref<128xi32, #tpu.memory_space<vmem>>
        %dma_wait3A_533 = arith.constant 0 : i32
        %dma_wait3A_534 = arith.constant 0 : i32
        %dma_wait3A_535 = tpu.memref_slice %arg12[%dma_wait3A_533, %dma_wait3A_534] : memref<10248x128xf32, #tpu.memory_space<vmem_shared>> -> memref<10248x128xf32, #tpu.memory_space<vmem_shared>>
        tpu.wait_indirect_dma semaphore(%run_scoped3A_523 : memref<!tpu.dma_semaphore, #tpu.memory_space<semaphore_mem>>) src(%arg9 : memref<128x128xf32, #tpu.memory_space<vmem>>) dst(%dma_wait3A_535 : memref<10248x128xf32, #tpu.memory_space<vmem_shared>>)
        tpu.yield
      }) : () -> ()
      %dma_start3A_334 = arith.constant 20 : i32
      %dma_start3A_335 = arith.constant 0 : i32
      %dma_start3A_336 = tpu.memref_slice %arg7[%dma_start3A_334, %dma_start3A_335] : memref<32x128xi32, #tpu.memory_space<vmem>> -> memref<1x128xi32, #tpu.memory_space<vmem>>
      %dma_start3A_337 = tpu.memref_squeeze %dma_start3A_336 : memref<1x128xi32, #tpu.memory_space<vmem>> -> memref<128xi32, #tpu.memory_space<vmem>>
      %dma_start3A_338 = arith.constant 0 : i32
      %dma_start3A_339 = arith.constant 0 : i32
      %dma_start3A_340 = tpu.memref_slice %arg2[%dma_start3A_338, %dma_start3A_339] : memref<20480x128xf32, #tpu.memory_space<hbm>> -> memref<20480x128xf32, #tpu.memory_space<hbm>>
      tpu.enqueue_indirect_dma source(%dma_start3A_340 : memref<20480x128xf32, #tpu.memory_space<hbm>>) target(%arg9 : memref<128x128xf32, #tpu.memory_space<vmem>>) offsets(%dma_start3A_337 : memref<128xi32, #tpu.memory_space<vmem>>) semaphore(%arg13 : memref<!tpu.dma_semaphore, #tpu.memory_space<semaphore_mem>>)
      %dma_wait3A_341 = arith.constant 19 : i32
      %dma_wait3A_342 = arith.constant 0 : i32
      %dma_wait3A_343 = tpu.memref_slice %arg7[%dma_wait3A_341, %dma_wait3A_342] : memref<32x128xi32, #tpu.memory_space<vmem>> -> memref<1x128xi32, #tpu.memory_space<vmem>>
      %dma_wait3A_344 = tpu.memref_squeeze %dma_wait3A_343 : memref<1x128xi32, #tpu.memory_space<vmem>> -> memref<128xi32, #tpu.memory_space<vmem>>
      %dma_wait3A_345 = arith.constant 0 : i32
      %dma_wait3A_346 = arith.constant 0 : i32
      %dma_wait3A_347 = tpu.memref_slice %arg2[%dma_wait3A_345, %dma_wait3A_346] : memref<20480x128xf32, #tpu.memory_space<hbm>> -> memref<20480x128xf32, #tpu.memory_space<hbm>>
      tpu.wait_indirect_dma semaphore(%arg14 : memref<!tpu.dma_semaphore, #tpu.memory_space<semaphore_mem>>) src(%dma_wait3A_347 : memref<20480x128xf32, #tpu.memory_space<hbm>>) dst(%arg10 : memref<128x128xf32, #tpu.memory_space<vmem>>)
      %run_scoped3A_348 = arith.constant 19 : i32
      "tpu.region"() ({
        %run_scoped3A_523 = tpu.sem_alloc : memref<!tpu.dma_semaphore, #tpu.memory_space<semaphore_mem>>
        %dma_start3A_524 = arith.constant 0 : i32
        %dma_start3A_525 = tpu.memref_slice %arg8[%run_scoped3A_348, %dma_start3A_524] : memref<32x128xi32, #tpu.memory_space<vmem>> -> memref<1x128xi32, #tpu.memory_space<vmem>>
        %dma_start3A_526 = tpu.memref_squeeze %dma_start3A_525 : memref<1x128xi32, #tpu.memory_space<vmem>> -> memref<128xi32, #tpu.memory_space<vmem>>
        %dma_start3A_527 = arith.constant 0 : i32
        %dma_start3A_528 = arith.constant 0 : i32
        %dma_start3A_529 = tpu.memref_slice %arg12[%dma_start3A_527, %dma_start3A_528] : memref<10248x128xf32, #tpu.memory_space<vmem_shared>> -> memref<10248x128xf32, #tpu.memory_space<vmem_shared>>
        tpu.enqueue_indirect_dma source(%arg10 : memref<128x128xf32, #tpu.memory_space<vmem>>) target(%dma_start3A_529 : memref<10248x128xf32, #tpu.memory_space<vmem_shared>>) offsets(%dma_start3A_526 : memref<128xi32, #tpu.memory_space<vmem>>) semaphore(%run_scoped3A_523 : memref<!tpu.dma_semaphore, #tpu.memory_space<semaphore_mem>>) {add = true}
        %dma_wait3A_530 = arith.constant 0 : i32
        %dma_wait3A_531 = tpu.memref_slice %arg8[%run_scoped3A_348, %dma_wait3A_530] : memref<32x128xi32, #tpu.memory_space<vmem>> -> memref<1x128xi32, #tpu.memory_space<vmem>>
        %dma_wait3A_532 = tpu.memref_squeeze %dma_wait3A_531 : memref<1x128xi32, #tpu.memory_space<vmem>> -> memref<128xi32, #tpu.memory_space<vmem>>
        %dma_wait3A_533 = arith.constant 0 : i32
        %dma_wait3A_534 = arith.constant 0 : i32
        %dma_wait3A_535 = tpu.memref_slice %arg12[%dma_wait3A_533, %dma_wait3A_534] : memref<10248x128xf32, #tpu.memory_space<vmem_shared>> -> memref<10248x128xf32, #tpu.memory_space<vmem_shared>>
        tpu.wait_indirect_dma semaphore(%run_scoped3A_523 : memref<!tpu.dma_semaphore, #tpu.memory_space<semaphore_mem>>) src(%arg10 : memref<128x128xf32, #tpu.memory_space<vmem>>) dst(%dma_wait3A_535 : memref<10248x128xf32, #tpu.memory_space<vmem_shared>>)
        tpu.yield
      }) : () -> ()
      %dma_start3A_349 = arith.constant 21 : i32
      %dma_start3A_350 = arith.constant 0 : i32
      %dma_start3A_351 = tpu.memref_slice %arg7[%dma_start3A_349, %dma_start3A_350] : memref<32x128xi32, #tpu.memory_space<vmem>> -> memref<1x128xi32, #tpu.memory_space<vmem>>
      %dma_start3A_352 = tpu.memref_squeeze %dma_start3A_351 : memref<1x128xi32, #tpu.memory_space<vmem>> -> memref<128xi32, #tpu.memory_space<vmem>>
      %dma_start3A_353 = arith.constant 0 : i32
      %dma_start3A_354 = arith.constant 0 : i32
      %dma_start3A_355 = tpu.memref_slice %arg2[%dma_start3A_353, %dma_start3A_354] : memref<20480x128xf32, #tpu.memory_space<hbm>> -> memref<20480x128xf32, #tpu.memory_space<hbm>>
      tpu.enqueue_indirect_dma source(%dma_start3A_355 : memref<20480x128xf32, #tpu.memory_space<hbm>>) target(%arg10 : memref<128x128xf32, #tpu.memory_space<vmem>>) offsets(%dma_start3A_352 : memref<128xi32, #tpu.memory_space<vmem>>) semaphore(%arg14 : memref<!tpu.dma_semaphore, #tpu.memory_space<semaphore_mem>>)
      %dma_wait3A_356 = arith.constant 20 : i32
      %dma_wait3A_357 = arith.constant 0 : i32
      %dma_wait3A_358 = tpu.memref_slice %arg7[%dma_wait3A_356, %dma_wait3A_357] : memref<32x128xi32, #tpu.memory_space<vmem>> -> memref<1x128xi32, #tpu.memory_space<vmem>>
      %dma_wait3A_359 = tpu.memref_squeeze %dma_wait3A_358 : memref<1x128xi32, #tpu.memory_space<vmem>> -> memref<128xi32, #tpu.memory_space<vmem>>
      %dma_wait3A_360 = arith.constant 0 : i32
      %dma_wait3A_361 = arith.constant 0 : i32
      %dma_wait3A_362 = tpu.memref_slice %arg2[%dma_wait3A_360, %dma_wait3A_361] : memref<20480x128xf32, #tpu.memory_space<hbm>> -> memref<20480x128xf32, #tpu.memory_space<hbm>>
      tpu.wait_indirect_dma semaphore(%arg13 : memref<!tpu.dma_semaphore, #tpu.memory_space<semaphore_mem>>) src(%dma_wait3A_362 : memref<20480x128xf32, #tpu.memory_space<hbm>>) dst(%arg9 : memref<128x128xf32, #tpu.memory_space<vmem>>)
      %run_scoped3A_363 = arith.constant 20 : i32
      "tpu.region"() ({
        %run_scoped3A_523 = tpu.sem_alloc : memref<!tpu.dma_semaphore, #tpu.memory_space<semaphore_mem>>
        %dma_start3A_524 = arith.constant 0 : i32
        %dma_start3A_525 = tpu.memref_slice %arg8[%run_scoped3A_363, %dma_start3A_524] : memref<32x128xi32, #tpu.memory_space<vmem>> -> memref<1x128xi32, #tpu.memory_space<vmem>>
        %dma_start3A_526 = tpu.memref_squeeze %dma_start3A_525 : memref<1x128xi32, #tpu.memory_space<vmem>> -> memref<128xi32, #tpu.memory_space<vmem>>
        %dma_start3A_527 = arith.constant 0 : i32
        %dma_start3A_528 = arith.constant 0 : i32
        %dma_start3A_529 = tpu.memref_slice %arg12[%dma_start3A_527, %dma_start3A_528] : memref<10248x128xf32, #tpu.memory_space<vmem_shared>> -> memref<10248x128xf32, #tpu.memory_space<vmem_shared>>
        tpu.enqueue_indirect_dma source(%arg9 : memref<128x128xf32, #tpu.memory_space<vmem>>) target(%dma_start3A_529 : memref<10248x128xf32, #tpu.memory_space<vmem_shared>>) offsets(%dma_start3A_526 : memref<128xi32, #tpu.memory_space<vmem>>) semaphore(%run_scoped3A_523 : memref<!tpu.dma_semaphore, #tpu.memory_space<semaphore_mem>>) {add = true}
        %dma_wait3A_530 = arith.constant 0 : i32
        %dma_wait3A_531 = tpu.memref_slice %arg8[%run_scoped3A_363, %dma_wait3A_530] : memref<32x128xi32, #tpu.memory_space<vmem>> -> memref<1x128xi32, #tpu.memory_space<vmem>>
        %dma_wait3A_532 = tpu.memref_squeeze %dma_wait3A_531 : memref<1x128xi32, #tpu.memory_space<vmem>> -> memref<128xi32, #tpu.memory_space<vmem>>
        %dma_wait3A_533 = arith.constant 0 : i32
        %dma_wait3A_534 = arith.constant 0 : i32
        %dma_wait3A_535 = tpu.memref_slice %arg12[%dma_wait3A_533, %dma_wait3A_534] : memref<10248x128xf32, #tpu.memory_space<vmem_shared>> -> memref<10248x128xf32, #tpu.memory_space<vmem_shared>>
        tpu.wait_indirect_dma semaphore(%run_scoped3A_523 : memref<!tpu.dma_semaphore, #tpu.memory_space<semaphore_mem>>) src(%arg9 : memref<128x128xf32, #tpu.memory_space<vmem>>) dst(%dma_wait3A_535 : memref<10248x128xf32, #tpu.memory_space<vmem_shared>>)
        tpu.yield
      }) : () -> ()
      %dma_start3A_364 = arith.constant 22 : i32
      %dma_start3A_365 = arith.constant 0 : i32
      %dma_start3A_366 = tpu.memref_slice %arg7[%dma_start3A_364, %dma_start3A_365] : memref<32x128xi32, #tpu.memory_space<vmem>> -> memref<1x128xi32, #tpu.memory_space<vmem>>
      %dma_start3A_367 = tpu.memref_squeeze %dma_start3A_366 : memref<1x128xi32, #tpu.memory_space<vmem>> -> memref<128xi32, #tpu.memory_space<vmem>>
      %dma_start3A_368 = arith.constant 0 : i32
      %dma_start3A_369 = arith.constant 0 : i32
      %dma_start3A_370 = tpu.memref_slice %arg2[%dma_start3A_368, %dma_start3A_369] : memref<20480x128xf32, #tpu.memory_space<hbm>> -> memref<20480x128xf32, #tpu.memory_space<hbm>>
      tpu.enqueue_indirect_dma source(%dma_start3A_370 : memref<20480x128xf32, #tpu.memory_space<hbm>>) target(%arg9 : memref<128x128xf32, #tpu.memory_space<vmem>>) offsets(%dma_start3A_367 : memref<128xi32, #tpu.memory_space<vmem>>) semaphore(%arg13 : memref<!tpu.dma_semaphore, #tpu.memory_space<semaphore_mem>>)
      %dma_wait3A_371 = arith.constant 21 : i32
      %dma_wait3A_372 = arith.constant 0 : i32
      %dma_wait3A_373 = tpu.memref_slice %arg7[%dma_wait3A_371, %dma_wait3A_372] : memref<32x128xi32, #tpu.memory_space<vmem>> -> memref<1x128xi32, #tpu.memory_space<vmem>>
      %dma_wait3A_374 = tpu.memref_squeeze %dma_wait3A_373 : memref<1x128xi32, #tpu.memory_space<vmem>> -> memref<128xi32, #tpu.memory_space<vmem>>
      %dma_wait3A_375 = arith.constant 0 : i32
      %dma_wait3A_376 = arith.constant 0 : i32
      %dma_wait3A_377 = tpu.memref_slice %arg2[%dma_wait3A_375, %dma_wait3A_376] : memref<20480x128xf32, #tpu.memory_space<hbm>> -> memref<20480x128xf32, #tpu.memory_space<hbm>>
      tpu.wait_indirect_dma semaphore(%arg14 : memref<!tpu.dma_semaphore, #tpu.memory_space<semaphore_mem>>) src(%dma_wait3A_377 : memref<20480x128xf32, #tpu.memory_space<hbm>>) dst(%arg10 : memref<128x128xf32, #tpu.memory_space<vmem>>)
      %run_scoped3A_378 = arith.constant 21 : i32
      "tpu.region"() ({
        %run_scoped3A_523 = tpu.sem_alloc : memref<!tpu.dma_semaphore, #tpu.memory_space<semaphore_mem>>
        %dma_start3A_524 = arith.constant 0 : i32
        %dma_start3A_525 = tpu.memref_slice %arg8[%run_scoped3A_378, %dma_start3A_524] : memref<32x128xi32, #tpu.memory_space<vmem>> -> memref<1x128xi32, #tpu.memory_space<vmem>>
        %dma_start3A_526 = tpu.memref_squeeze %dma_start3A_525 : memref<1x128xi32, #tpu.memory_space<vmem>> -> memref<128xi32, #tpu.memory_space<vmem>>
        %dma_start3A_527 = arith.constant 0 : i32
        %dma_start3A_528 = arith.constant 0 : i32
        %dma_start3A_529 = tpu.memref_slice %arg12[%dma_start3A_527, %dma_start3A_528] : memref<10248x128xf32, #tpu.memory_space<vmem_shared>> -> memref<10248x128xf32, #tpu.memory_space<vmem_shared>>
        tpu.enqueue_indirect_dma source(%arg10 : memref<128x128xf32, #tpu.memory_space<vmem>>) target(%dma_start3A_529 : memref<10248x128xf32, #tpu.memory_space<vmem_shared>>) offsets(%dma_start3A_526 : memref<128xi32, #tpu.memory_space<vmem>>) semaphore(%run_scoped3A_523 : memref<!tpu.dma_semaphore, #tpu.memory_space<semaphore_mem>>) {add = true}
        %dma_wait3A_530 = arith.constant 0 : i32
        %dma_wait3A_531 = tpu.memref_slice %arg8[%run_scoped3A_378, %dma_wait3A_530] : memref<32x128xi32, #tpu.memory_space<vmem>> -> memref<1x128xi32, #tpu.memory_space<vmem>>
        %dma_wait3A_532 = tpu.memref_squeeze %dma_wait3A_531 : memref<1x128xi32, #tpu.memory_space<vmem>> -> memref<128xi32, #tpu.memory_space<vmem>>
        %dma_wait3A_533 = arith.constant 0 : i32
        %dma_wait3A_534 = arith.constant 0 : i32
        %dma_wait3A_535 = tpu.memref_slice %arg12[%dma_wait3A_533, %dma_wait3A_534] : memref<10248x128xf32, #tpu.memory_space<vmem_shared>> -> memref<10248x128xf32, #tpu.memory_space<vmem_shared>>
        tpu.wait_indirect_dma semaphore(%run_scoped3A_523 : memref<!tpu.dma_semaphore, #tpu.memory_space<semaphore_mem>>) src(%arg10 : memref<128x128xf32, #tpu.memory_space<vmem>>) dst(%dma_wait3A_535 : memref<10248x128xf32, #tpu.memory_space<vmem_shared>>)
        tpu.yield
      }) : () -> ()
      %dma_start3A_379 = arith.constant 23 : i32
      %dma_start3A_380 = arith.constant 0 : i32
      %dma_start3A_381 = tpu.memref_slice %arg7[%dma_start3A_379, %dma_start3A_380] : memref<32x128xi32, #tpu.memory_space<vmem>> -> memref<1x128xi32, #tpu.memory_space<vmem>>
      %dma_start3A_382 = tpu.memref_squeeze %dma_start3A_381 : memref<1x128xi32, #tpu.memory_space<vmem>> -> memref<128xi32, #tpu.memory_space<vmem>>
      %dma_start3A_383 = arith.constant 0 : i32
      %dma_start3A_384 = arith.constant 0 : i32
      %dma_start3A_385 = tpu.memref_slice %arg2[%dma_start3A_383, %dma_start3A_384] : memref<20480x128xf32, #tpu.memory_space<hbm>> -> memref<20480x128xf32, #tpu.memory_space<hbm>>
      tpu.enqueue_indirect_dma source(%dma_start3A_385 : memref<20480x128xf32, #tpu.memory_space<hbm>>) target(%arg10 : memref<128x128xf32, #tpu.memory_space<vmem>>) offsets(%dma_start3A_382 : memref<128xi32, #tpu.memory_space<vmem>>) semaphore(%arg14 : memref<!tpu.dma_semaphore, #tpu.memory_space<semaphore_mem>>)
      %dma_wait3A_386 = arith.constant 22 : i32
      %dma_wait3A_387 = arith.constant 0 : i32
      %dma_wait3A_388 = tpu.memref_slice %arg7[%dma_wait3A_386, %dma_wait3A_387] : memref<32x128xi32, #tpu.memory_space<vmem>> -> memref<1x128xi32, #tpu.memory_space<vmem>>
      %dma_wait3A_389 = tpu.memref_squeeze %dma_wait3A_388 : memref<1x128xi32, #tpu.memory_space<vmem>> -> memref<128xi32, #tpu.memory_space<vmem>>
      %dma_wait3A_390 = arith.constant 0 : i32
      %dma_wait3A_391 = arith.constant 0 : i32
      %dma_wait3A_392 = tpu.memref_slice %arg2[%dma_wait3A_390, %dma_wait3A_391] : memref<20480x128xf32, #tpu.memory_space<hbm>> -> memref<20480x128xf32, #tpu.memory_space<hbm>>
      tpu.wait_indirect_dma semaphore(%arg13 : memref<!tpu.dma_semaphore, #tpu.memory_space<semaphore_mem>>) src(%dma_wait3A_392 : memref<20480x128xf32, #tpu.memory_space<hbm>>) dst(%arg9 : memref<128x128xf32, #tpu.memory_space<vmem>>)
      %run_scoped3A_393 = arith.constant 22 : i32
      "tpu.region"() ({
        %run_scoped3A_523 = tpu.sem_alloc : memref<!tpu.dma_semaphore, #tpu.memory_space<semaphore_mem>>
        %dma_start3A_524 = arith.constant 0 : i32
        %dma_start3A_525 = tpu.memref_slice %arg8[%run_scoped3A_393, %dma_start3A_524] : memref<32x128xi32, #tpu.memory_space<vmem>> -> memref<1x128xi32, #tpu.memory_space<vmem>>
        %dma_start3A_526 = tpu.memref_squeeze %dma_start3A_525 : memref<1x128xi32, #tpu.memory_space<vmem>> -> memref<128xi32, #tpu.memory_space<vmem>>
        %dma_start3A_527 = arith.constant 0 : i32
        %dma_start3A_528 = arith.constant 0 : i32
        %dma_start3A_529 = tpu.memref_slice %arg12[%dma_start3A_527, %dma_start3A_528] : memref<10248x128xf32, #tpu.memory_space<vmem_shared>> -> memref<10248x128xf32, #tpu.memory_space<vmem_shared>>
        tpu.enqueue_indirect_dma source(%arg9 : memref<128x128xf32, #tpu.memory_space<vmem>>) target(%dma_start3A_529 : memref<10248x128xf32, #tpu.memory_space<vmem_shared>>) offsets(%dma_start3A_526 : memref<128xi32, #tpu.memory_space<vmem>>) semaphore(%run_scoped3A_523 : memref<!tpu.dma_semaphore, #tpu.memory_space<semaphore_mem>>) {add = true}
        %dma_wait3A_530 = arith.constant 0 : i32
        %dma_wait3A_531 = tpu.memref_slice %arg8[%run_scoped3A_393, %dma_wait3A_530] : memref<32x128xi32, #tpu.memory_space<vmem>> -> memref<1x128xi32, #tpu.memory_space<vmem>>
        %dma_wait3A_532 = tpu.memref_squeeze %dma_wait3A_531 : memref<1x128xi32, #tpu.memory_space<vmem>> -> memref<128xi32, #tpu.memory_space<vmem>>
        %dma_wait3A_533 = arith.constant 0 : i32
        %dma_wait3A_534 = arith.constant 0 : i32
        %dma_wait3A_535 = tpu.memref_slice %arg12[%dma_wait3A_533, %dma_wait3A_534] : memref<10248x128xf32, #tpu.memory_space<vmem_shared>> -> memref<10248x128xf32, #tpu.memory_space<vmem_shared>>
        tpu.wait_indirect_dma semaphore(%run_scoped3A_523 : memref<!tpu.dma_semaphore, #tpu.memory_space<semaphore_mem>>) src(%arg9 : memref<128x128xf32, #tpu.memory_space<vmem>>) dst(%dma_wait3A_535 : memref<10248x128xf32, #tpu.memory_space<vmem_shared>>)
        tpu.yield
      }) : () -> ()
      %dma_start3A_394 = arith.constant 24 : i32
      %dma_start3A_395 = arith.constant 0 : i32
      %dma_start3A_396 = tpu.memref_slice %arg7[%dma_start3A_394, %dma_start3A_395] : memref<32x128xi32, #tpu.memory_space<vmem>> -> memref<1x128xi32, #tpu.memory_space<vmem>>
      %dma_start3A_397 = tpu.memref_squeeze %dma_start3A_396 : memref<1x128xi32, #tpu.memory_space<vmem>> -> memref<128xi32, #tpu.memory_space<vmem>>
      %dma_start3A_398 = arith.constant 0 : i32
      %dma_start3A_399 = arith.constant 0 : i32
      %dma_start3A_400 = tpu.memref_slice %arg2[%dma_start3A_398, %dma_start3A_399] : memref<20480x128xf32, #tpu.memory_space<hbm>> -> memref<20480x128xf32, #tpu.memory_space<hbm>>
      tpu.enqueue_indirect_dma source(%dma_start3A_400 : memref<20480x128xf32, #tpu.memory_space<hbm>>) target(%arg9 : memref<128x128xf32, #tpu.memory_space<vmem>>) offsets(%dma_start3A_397 : memref<128xi32, #tpu.memory_space<vmem>>) semaphore(%arg13 : memref<!tpu.dma_semaphore, #tpu.memory_space<semaphore_mem>>)
      %dma_wait3A_401 = arith.constant 23 : i32
      %dma_wait3A_402 = arith.constant 0 : i32
      %dma_wait3A_403 = tpu.memref_slice %arg7[%dma_wait3A_401, %dma_wait3A_402] : memref<32x128xi32, #tpu.memory_space<vmem>> -> memref<1x128xi32, #tpu.memory_space<vmem>>
      %dma_wait3A_404 = tpu.memref_squeeze %dma_wait3A_403 : memref<1x128xi32, #tpu.memory_space<vmem>> -> memref<128xi32, #tpu.memory_space<vmem>>
      %dma_wait3A_405 = arith.constant 0 : i32
      %dma_wait3A_406 = arith.constant 0 : i32
      %dma_wait3A_407 = tpu.memref_slice %arg2[%dma_wait3A_405, %dma_wait3A_406] : memref<20480x128xf32, #tpu.memory_space<hbm>> -> memref<20480x128xf32, #tpu.memory_space<hbm>>
      tpu.wait_indirect_dma semaphore(%arg14 : memref<!tpu.dma_semaphore, #tpu.memory_space<semaphore_mem>>) src(%dma_wait3A_407 : memref<20480x128xf32, #tpu.memory_space<hbm>>) dst(%arg10 : memref<128x128xf32, #tpu.memory_space<vmem>>)
      %run_scoped3A_408 = arith.constant 23 : i32
      "tpu.region"() ({
        %run_scoped3A_523 = tpu.sem_alloc : memref<!tpu.dma_semaphore, #tpu.memory_space<semaphore_mem>>
        %dma_start3A_524 = arith.constant 0 : i32
        %dma_start3A_525 = tpu.memref_slice %arg8[%run_scoped3A_408, %dma_start3A_524] : memref<32x128xi32, #tpu.memory_space<vmem>> -> memref<1x128xi32, #tpu.memory_space<vmem>>
        %dma_start3A_526 = tpu.memref_squeeze %dma_start3A_525 : memref<1x128xi32, #tpu.memory_space<vmem>> -> memref<128xi32, #tpu.memory_space<vmem>>
        %dma_start3A_527 = arith.constant 0 : i32
        %dma_start3A_528 = arith.constant 0 : i32
        %dma_start3A_529 = tpu.memref_slice %arg12[%dma_start3A_527, %dma_start3A_528] : memref<10248x128xf32, #tpu.memory_space<vmem_shared>> -> memref<10248x128xf32, #tpu.memory_space<vmem_shared>>
        tpu.enqueue_indirect_dma source(%arg10 : memref<128x128xf32, #tpu.memory_space<vmem>>) target(%dma_start3A_529 : memref<10248x128xf32, #tpu.memory_space<vmem_shared>>) offsets(%dma_start3A_526 : memref<128xi32, #tpu.memory_space<vmem>>) semaphore(%run_scoped3A_523 : memref<!tpu.dma_semaphore, #tpu.memory_space<semaphore_mem>>) {add = true}
        %dma_wait3A_530 = arith.constant 0 : i32
        %dma_wait3A_531 = tpu.memref_slice %arg8[%run_scoped3A_408, %dma_wait3A_530] : memref<32x128xi32, #tpu.memory_space<vmem>> -> memref<1x128xi32, #tpu.memory_space<vmem>>
        %dma_wait3A_532 = tpu.memref_squeeze %dma_wait3A_531 : memref<1x128xi32, #tpu.memory_space<vmem>> -> memref<128xi32, #tpu.memory_space<vmem>>
        %dma_wait3A_533 = arith.constant 0 : i32
        %dma_wait3A_534 = arith.constant 0 : i32
        %dma_wait3A_535 = tpu.memref_slice %arg12[%dma_wait3A_533, %dma_wait3A_534] : memref<10248x128xf32, #tpu.memory_space<vmem_shared>> -> memref<10248x128xf32, #tpu.memory_space<vmem_shared>>
        tpu.wait_indirect_dma semaphore(%run_scoped3A_523 : memref<!tpu.dma_semaphore, #tpu.memory_space<semaphore_mem>>) src(%arg10 : memref<128x128xf32, #tpu.memory_space<vmem>>) dst(%dma_wait3A_535 : memref<10248x128xf32, #tpu.memory_space<vmem_shared>>)
        tpu.yield
      }) : () -> ()
      %dma_start3A_409 = arith.constant 25 : i32
      %dma_start3A_410 = arith.constant 0 : i32
      %dma_start3A_411 = tpu.memref_slice %arg7[%dma_start3A_409, %dma_start3A_410] : memref<32x128xi32, #tpu.memory_space<vmem>> -> memref<1x128xi32, #tpu.memory_space<vmem>>
      %dma_start3A_412 = tpu.memref_squeeze %dma_start3A_411 : memref<1x128xi32, #tpu.memory_space<vmem>> -> memref<128xi32, #tpu.memory_space<vmem>>
      %dma_start3A_413 = arith.constant 0 : i32
      %dma_start3A_414 = arith.constant 0 : i32
      %dma_start3A_415 = tpu.memref_slice %arg2[%dma_start3A_413, %dma_start3A_414] : memref<20480x128xf32, #tpu.memory_space<hbm>> -> memref<20480x128xf32, #tpu.memory_space<hbm>>
      tpu.enqueue_indirect_dma source(%dma_start3A_415 : memref<20480x128xf32, #tpu.memory_space<hbm>>) target(%arg10 : memref<128x128xf32, #tpu.memory_space<vmem>>) offsets(%dma_start3A_412 : memref<128xi32, #tpu.memory_space<vmem>>) semaphore(%arg14 : memref<!tpu.dma_semaphore, #tpu.memory_space<semaphore_mem>>)
      %dma_wait3A_416 = arith.constant 24 : i32
      %dma_wait3A_417 = arith.constant 0 : i32
      %dma_wait3A_418 = tpu.memref_slice %arg7[%dma_wait3A_416, %dma_wait3A_417] : memref<32x128xi32, #tpu.memory_space<vmem>> -> memref<1x128xi32, #tpu.memory_space<vmem>>
      %dma_wait3A_419 = tpu.memref_squeeze %dma_wait3A_418 : memref<1x128xi32, #tpu.memory_space<vmem>> -> memref<128xi32, #tpu.memory_space<vmem>>
      %dma_wait3A_420 = arith.constant 0 : i32
      %dma_wait3A_421 = arith.constant 0 : i32
      %dma_wait3A_422 = tpu.memref_slice %arg2[%dma_wait3A_420, %dma_wait3A_421] : memref<20480x128xf32, #tpu.memory_space<hbm>> -> memref<20480x128xf32, #tpu.memory_space<hbm>>
      tpu.wait_indirect_dma semaphore(%arg13 : memref<!tpu.dma_semaphore, #tpu.memory_space<semaphore_mem>>) src(%dma_wait3A_422 : memref<20480x128xf32, #tpu.memory_space<hbm>>) dst(%arg9 : memref<128x128xf32, #tpu.memory_space<vmem>>)
      %run_scoped3A_423 = arith.constant 24 : i32
      "tpu.region"() ({
        %run_scoped3A_523 = tpu.sem_alloc : memref<!tpu.dma_semaphore, #tpu.memory_space<semaphore_mem>>
        %dma_start3A_524 = arith.constant 0 : i32
        %dma_start3A_525 = tpu.memref_slice %arg8[%run_scoped3A_423, %dma_start3A_524] : memref<32x128xi32, #tpu.memory_space<vmem>> -> memref<1x128xi32, #tpu.memory_space<vmem>>
        %dma_start3A_526 = tpu.memref_squeeze %dma_start3A_525 : memref<1x128xi32, #tpu.memory_space<vmem>> -> memref<128xi32, #tpu.memory_space<vmem>>
        %dma_start3A_527 = arith.constant 0 : i32
        %dma_start3A_528 = arith.constant 0 : i32
        %dma_start3A_529 = tpu.memref_slice %arg12[%dma_start3A_527, %dma_start3A_528] : memref<10248x128xf32, #tpu.memory_space<vmem_shared>> -> memref<10248x128xf32, #tpu.memory_space<vmem_shared>>
        tpu.enqueue_indirect_dma source(%arg9 : memref<128x128xf32, #tpu.memory_space<vmem>>) target(%dma_start3A_529 : memref<10248x128xf32, #tpu.memory_space<vmem_shared>>) offsets(%dma_start3A_526 : memref<128xi32, #tpu.memory_space<vmem>>) semaphore(%run_scoped3A_523 : memref<!tpu.dma_semaphore, #tpu.memory_space<semaphore_mem>>) {add = true}
        %dma_wait3A_530 = arith.constant 0 : i32
        %dma_wait3A_531 = tpu.memref_slice %arg8[%run_scoped3A_423, %dma_wait3A_530] : memref<32x128xi32, #tpu.memory_space<vmem>> -> memref<1x128xi32, #tpu.memory_space<vmem>>
        %dma_wait3A_532 = tpu.memref_squeeze %dma_wait3A_531 : memref<1x128xi32, #tpu.memory_space<vmem>> -> memref<128xi32, #tpu.memory_space<vmem>>
        %dma_wait3A_533 = arith.constant 0 : i32
        %dma_wait3A_534 = arith.constant 0 : i32
        %dma_wait3A_535 = tpu.memref_slice %arg12[%dma_wait3A_533, %dma_wait3A_534] : memref<10248x128xf32, #tpu.memory_space<vmem_shared>> -> memref<10248x128xf32, #tpu.memory_space<vmem_shared>>
        tpu.wait_indirect_dma semaphore(%run_scoped3A_523 : memref<!tpu.dma_semaphore, #tpu.memory_space<semaphore_mem>>) src(%arg9 : memref<128x128xf32, #tpu.memory_space<vmem>>) dst(%dma_wait3A_535 : memref<10248x128xf32, #tpu.memory_space<vmem_shared>>)
        tpu.yield
      }) : () -> ()
      %dma_start3A_424 = arith.constant 26 : i32
      %dma_start3A_425 = arith.constant 0 : i32
      %dma_start3A_426 = tpu.memref_slice %arg7[%dma_start3A_424, %dma_start3A_425] : memref<32x128xi32, #tpu.memory_space<vmem>> -> memref<1x128xi32, #tpu.memory_space<vmem>>
      %dma_start3A_427 = tpu.memref_squeeze %dma_start3A_426 : memref<1x128xi32, #tpu.memory_space<vmem>> -> memref<128xi32, #tpu.memory_space<vmem>>
      %dma_start3A_428 = arith.constant 0 : i32
      %dma_start3A_429 = arith.constant 0 : i32
      %dma_start3A_430 = tpu.memref_slice %arg2[%dma_start3A_428, %dma_start3A_429] : memref<20480x128xf32, #tpu.memory_space<hbm>> -> memref<20480x128xf32, #tpu.memory_space<hbm>>
      tpu.enqueue_indirect_dma source(%dma_start3A_430 : memref<20480x128xf32, #tpu.memory_space<hbm>>) target(%arg9 : memref<128x128xf32, #tpu.memory_space<vmem>>) offsets(%dma_start3A_427 : memref<128xi32, #tpu.memory_space<vmem>>) semaphore(%arg13 : memref<!tpu.dma_semaphore, #tpu.memory_space<semaphore_mem>>)
      %dma_wait3A_431 = arith.constant 25 : i32
      %dma_wait3A_432 = arith.constant 0 : i32
      %dma_wait3A_433 = tpu.memref_slice %arg7[%dma_wait3A_431, %dma_wait3A_432] : memref<32x128xi32, #tpu.memory_space<vmem>> -> memref<1x128xi32, #tpu.memory_space<vmem>>
      %dma_wait3A_434 = tpu.memref_squeeze %dma_wait3A_433 : memref<1x128xi32, #tpu.memory_space<vmem>> -> memref<128xi32, #tpu.memory_space<vmem>>
      %dma_wait3A_435 = arith.constant 0 : i32
      %dma_wait3A_436 = arith.constant 0 : i32
      %dma_wait3A_437 = tpu.memref_slice %arg2[%dma_wait3A_435, %dma_wait3A_436] : memref<20480x128xf32, #tpu.memory_space<hbm>> -> memref<20480x128xf32, #tpu.memory_space<hbm>>
      tpu.wait_indirect_dma semaphore(%arg14 : memref<!tpu.dma_semaphore, #tpu.memory_space<semaphore_mem>>) src(%dma_wait3A_437 : memref<20480x128xf32, #tpu.memory_space<hbm>>) dst(%arg10 : memref<128x128xf32, #tpu.memory_space<vmem>>)
      %run_scoped3A_438 = arith.constant 25 : i32
      "tpu.region"() ({
        %run_scoped3A_523 = tpu.sem_alloc : memref<!tpu.dma_semaphore, #tpu.memory_space<semaphore_mem>>
        %dma_start3A_524 = arith.constant 0 : i32
        %dma_start3A_525 = tpu.memref_slice %arg8[%run_scoped3A_438, %dma_start3A_524] : memref<32x128xi32, #tpu.memory_space<vmem>> -> memref<1x128xi32, #tpu.memory_space<vmem>>
        %dma_start3A_526 = tpu.memref_squeeze %dma_start3A_525 : memref<1x128xi32, #tpu.memory_space<vmem>> -> memref<128xi32, #tpu.memory_space<vmem>>
        %dma_start3A_527 = arith.constant 0 : i32
        %dma_start3A_528 = arith.constant 0 : i32
        %dma_start3A_529 = tpu.memref_slice %arg12[%dma_start3A_527, %dma_start3A_528] : memref<10248x128xf32, #tpu.memory_space<vmem_shared>> -> memref<10248x128xf32, #tpu.memory_space<vmem_shared>>
        tpu.enqueue_indirect_dma source(%arg10 : memref<128x128xf32, #tpu.memory_space<vmem>>) target(%dma_start3A_529 : memref<10248x128xf32, #tpu.memory_space<vmem_shared>>) offsets(%dma_start3A_526 : memref<128xi32, #tpu.memory_space<vmem>>) semaphore(%run_scoped3A_523 : memref<!tpu.dma_semaphore, #tpu.memory_space<semaphore_mem>>) {add = true}
        %dma_wait3A_530 = arith.constant 0 : i32
        %dma_wait3A_531 = tpu.memref_slice %arg8[%run_scoped3A_438, %dma_wait3A_530] : memref<32x128xi32, #tpu.memory_space<vmem>> -> memref<1x128xi32, #tpu.memory_space<vmem>>
        %dma_wait3A_532 = tpu.memref_squeeze %dma_wait3A_531 : memref<1x128xi32, #tpu.memory_space<vmem>> -> memref<128xi32, #tpu.memory_space<vmem>>
        %dma_wait3A_533 = arith.constant 0 : i32
        %dma_wait3A_534 = arith.constant 0 : i32
        %dma_wait3A_535 = tpu.memref_slice %arg12[%dma_wait3A_533, %dma_wait3A_534] : memref<10248x128xf32, #tpu.memory_space<vmem_shared>> -> memref<10248x128xf32, #tpu.memory_space<vmem_shared>>
        tpu.wait_indirect_dma semaphore(%run_scoped3A_523 : memref<!tpu.dma_semaphore, #tpu.memory_space<semaphore_mem>>) src(%arg10 : memref<128x128xf32, #tpu.memory_space<vmem>>) dst(%dma_wait3A_535 : memref<10248x128xf32, #tpu.memory_space<vmem_shared>>)
        tpu.yield
      }) : () -> ()
      %dma_start3A_439 = arith.constant 27 : i32
      %dma_start3A_440 = arith.constant 0 : i32
      %dma_start3A_441 = tpu.memref_slice %arg7[%dma_start3A_439, %dma_start3A_440] : memref<32x128xi32, #tpu.memory_space<vmem>> -> memref<1x128xi32, #tpu.memory_space<vmem>>
      %dma_start3A_442 = tpu.memref_squeeze %dma_start3A_441 : memref<1x128xi32, #tpu.memory_space<vmem>> -> memref<128xi32, #tpu.memory_space<vmem>>
      %dma_start3A_443 = arith.constant 0 : i32
      %dma_start3A_444 = arith.constant 0 : i32
      %dma_start3A_445 = tpu.memref_slice %arg2[%dma_start3A_443, %dma_start3A_444] : memref<20480x128xf32, #tpu.memory_space<hbm>> -> memref<20480x128xf32, #tpu.memory_space<hbm>>
      tpu.enqueue_indirect_dma source(%dma_start3A_445 : memref<20480x128xf32, #tpu.memory_space<hbm>>) target(%arg10 : memref<128x128xf32, #tpu.memory_space<vmem>>) offsets(%dma_start3A_442 : memref<128xi32, #tpu.memory_space<vmem>>) semaphore(%arg14 : memref<!tpu.dma_semaphore, #tpu.memory_space<semaphore_mem>>)
      %dma_wait3A_446 = arith.constant 26 : i32
      %dma_wait3A_447 = arith.constant 0 : i32
      %dma_wait3A_448 = tpu.memref_slice %arg7[%dma_wait3A_446, %dma_wait3A_447] : memref<32x128xi32, #tpu.memory_space<vmem>> -> memref<1x128xi32, #tpu.memory_space<vmem>>
      %dma_wait3A_449 = tpu.memref_squeeze %dma_wait3A_448 : memref<1x128xi32, #tpu.memory_space<vmem>> -> memref<128xi32, #tpu.memory_space<vmem>>
      %dma_wait3A_450 = arith.constant 0 : i32
      %dma_wait3A_451 = arith.constant 0 : i32
      %dma_wait3A_452 = tpu.memref_slice %arg2[%dma_wait3A_450, %dma_wait3A_451] : memref<20480x128xf32, #tpu.memory_space<hbm>> -> memref<20480x128xf32, #tpu.memory_space<hbm>>
      tpu.wait_indirect_dma semaphore(%arg13 : memref<!tpu.dma_semaphore, #tpu.memory_space<semaphore_mem>>) src(%dma_wait3A_452 : memref<20480x128xf32, #tpu.memory_space<hbm>>) dst(%arg9 : memref<128x128xf32, #tpu.memory_space<vmem>>)
      %run_scoped3A_453 = arith.constant 26 : i32
      "tpu.region"() ({
        %run_scoped3A_523 = tpu.sem_alloc : memref<!tpu.dma_semaphore, #tpu.memory_space<semaphore_mem>>
        %dma_start3A_524 = arith.constant 0 : i32
        %dma_start3A_525 = tpu.memref_slice %arg8[%run_scoped3A_453, %dma_start3A_524] : memref<32x128xi32, #tpu.memory_space<vmem>> -> memref<1x128xi32, #tpu.memory_space<vmem>>
        %dma_start3A_526 = tpu.memref_squeeze %dma_start3A_525 : memref<1x128xi32, #tpu.memory_space<vmem>> -> memref<128xi32, #tpu.memory_space<vmem>>
        %dma_start3A_527 = arith.constant 0 : i32
        %dma_start3A_528 = arith.constant 0 : i32
        %dma_start3A_529 = tpu.memref_slice %arg12[%dma_start3A_527, %dma_start3A_528] : memref<10248x128xf32, #tpu.memory_space<vmem_shared>> -> memref<10248x128xf32, #tpu.memory_space<vmem_shared>>
        tpu.enqueue_indirect_dma source(%arg9 : memref<128x128xf32, #tpu.memory_space<vmem>>) target(%dma_start3A_529 : memref<10248x128xf32, #tpu.memory_space<vmem_shared>>) offsets(%dma_start3A_526 : memref<128xi32, #tpu.memory_space<vmem>>) semaphore(%run_scoped3A_523 : memref<!tpu.dma_semaphore, #tpu.memory_space<semaphore_mem>>) {add = true}
        %dma_wait3A_530 = arith.constant 0 : i32
        %dma_wait3A_531 = tpu.memref_slice %arg8[%run_scoped3A_453, %dma_wait3A_530] : memref<32x128xi32, #tpu.memory_space<vmem>> -> memref<1x128xi32, #tpu.memory_space<vmem>>
        %dma_wait3A_532 = tpu.memref_squeeze %dma_wait3A_531 : memref<1x128xi32, #tpu.memory_space<vmem>> -> memref<128xi32, #tpu.memory_space<vmem>>
        %dma_wait3A_533 = arith.constant 0 : i32
        %dma_wait3A_534 = arith.constant 0 : i32
        %dma_wait3A_535 = tpu.memref_slice %arg12[%dma_wait3A_533, %dma_wait3A_534] : memref<10248x128xf32, #tpu.memory_space<vmem_shared>> -> memref<10248x128xf32, #tpu.memory_space<vmem_shared>>
        tpu.wait_indirect_dma semaphore(%run_scoped3A_523 : memref<!tpu.dma_semaphore, #tpu.memory_space<semaphore_mem>>) src(%arg9 : memref<128x128xf32, #tpu.memory_space<vmem>>) dst(%dma_wait3A_535 : memref<10248x128xf32, #tpu.memory_space<vmem_shared>>)
        tpu.yield
      }) : () -> ()
      %dma_start3A_454 = arith.constant 28 : i32
      %dma_start3A_455 = arith.constant 0 : i32
      %dma_start3A_456 = tpu.memref_slice %arg7[%dma_start3A_454, %dma_start3A_455] : memref<32x128xi32, #tpu.memory_space<vmem>> -> memref<1x128xi32, #tpu.memory_space<vmem>>
      %dma_start3A_457 = tpu.memref_squeeze %dma_start3A_456 : memref<1x128xi32, #tpu.memory_space<vmem>> -> memref<128xi32, #tpu.memory_space<vmem>>
      %dma_start3A_458 = arith.constant 0 : i32
      %dma_start3A_459 = arith.constant 0 : i32
      %dma_start3A_460 = tpu.memref_slice %arg2[%dma_start3A_458, %dma_start3A_459] : memref<20480x128xf32, #tpu.memory_space<hbm>> -> memref<20480x128xf32, #tpu.memory_space<hbm>>
      tpu.enqueue_indirect_dma source(%dma_start3A_460 : memref<20480x128xf32, #tpu.memory_space<hbm>>) target(%arg9 : memref<128x128xf32, #tpu.memory_space<vmem>>) offsets(%dma_start3A_457 : memref<128xi32, #tpu.memory_space<vmem>>) semaphore(%arg13 : memref<!tpu.dma_semaphore, #tpu.memory_space<semaphore_mem>>)
      %dma_wait3A_461 = arith.constant 27 : i32
      %dma_wait3A_462 = arith.constant 0 : i32
      %dma_wait3A_463 = tpu.memref_slice %arg7[%dma_wait3A_461, %dma_wait3A_462] : memref<32x128xi32, #tpu.memory_space<vmem>> -> memref<1x128xi32, #tpu.memory_space<vmem>>
      %dma_wait3A_464 = tpu.memref_squeeze %dma_wait3A_463 : memref<1x128xi32, #tpu.memory_space<vmem>> -> memref<128xi32, #tpu.memory_space<vmem>>
      %dma_wait3A_465 = arith.constant 0 : i32
      %dma_wait3A_466 = arith.constant 0 : i32
      %dma_wait3A_467 = tpu.memref_slice %arg2[%dma_wait3A_465, %dma_wait3A_466] : memref<20480x128xf32, #tpu.memory_space<hbm>> -> memref<20480x128xf32, #tpu.memory_space<hbm>>
      tpu.wait_indirect_dma semaphore(%arg14 : memref<!tpu.dma_semaphore, #tpu.memory_space<semaphore_mem>>) src(%dma_wait3A_467 : memref<20480x128xf32, #tpu.memory_space<hbm>>) dst(%arg10 : memref<128x128xf32, #tpu.memory_space<vmem>>)
      %run_scoped3A_468 = arith.constant 27 : i32
      "tpu.region"() ({
        %run_scoped3A_523 = tpu.sem_alloc : memref<!tpu.dma_semaphore, #tpu.memory_space<semaphore_mem>>
        %dma_start3A_524 = arith.constant 0 : i32
        %dma_start3A_525 = tpu.memref_slice %arg8[%run_scoped3A_468, %dma_start3A_524] : memref<32x128xi32, #tpu.memory_space<vmem>> -> memref<1x128xi32, #tpu.memory_space<vmem>>
        %dma_start3A_526 = tpu.memref_squeeze %dma_start3A_525 : memref<1x128xi32, #tpu.memory_space<vmem>> -> memref<128xi32, #tpu.memory_space<vmem>>
        %dma_start3A_527 = arith.constant 0 : i32
        %dma_start3A_528 = arith.constant 0 : i32
        %dma_start3A_529 = tpu.memref_slice %arg12[%dma_start3A_527, %dma_start3A_528] : memref<10248x128xf32, #tpu.memory_space<vmem_shared>> -> memref<10248x128xf32, #tpu.memory_space<vmem_shared>>
        tpu.enqueue_indirect_dma source(%arg10 : memref<128x128xf32, #tpu.memory_space<vmem>>) target(%dma_start3A_529 : memref<10248x128xf32, #tpu.memory_space<vmem_shared>>) offsets(%dma_start3A_526 : memref<128xi32, #tpu.memory_space<vmem>>) semaphore(%run_scoped3A_523 : memref<!tpu.dma_semaphore, #tpu.memory_space<semaphore_mem>>) {add = true}
        %dma_wait3A_530 = arith.constant 0 : i32
        %dma_wait3A_531 = tpu.memref_slice %arg8[%run_scoped3A_468, %dma_wait3A_530] : memref<32x128xi32, #tpu.memory_space<vmem>> -> memref<1x128xi32, #tpu.memory_space<vmem>>
        %dma_wait3A_532 = tpu.memref_squeeze %dma_wait3A_531 : memref<1x128xi32, #tpu.memory_space<vmem>> -> memref<128xi32, #tpu.memory_space<vmem>>
        %dma_wait3A_533 = arith.constant 0 : i32
        %dma_wait3A_534 = arith.constant 0 : i32
        %dma_wait3A_535 = tpu.memref_slice %arg12[%dma_wait3A_533, %dma_wait3A_534] : memref<10248x128xf32, #tpu.memory_space<vmem_shared>> -> memref<10248x128xf32, #tpu.memory_space<vmem_shared>>
        tpu.wait_indirect_dma semaphore(%run_scoped3A_523 : memref<!tpu.dma_semaphore, #tpu.memory_space<semaphore_mem>>) src(%arg10 : memref<128x128xf32, #tpu.memory_space<vmem>>) dst(%dma_wait3A_535 : memref<10248x128xf32, #tpu.memory_space<vmem_shared>>)
        tpu.yield
      }) : () -> ()
      %dma_start3A_469 = arith.constant 29 : i32
      %dma_start3A_470 = arith.constant 0 : i32
      %dma_start3A_471 = tpu.memref_slice %arg7[%dma_start3A_469, %dma_start3A_470] : memref<32x128xi32, #tpu.memory_space<vmem>> -> memref<1x128xi32, #tpu.memory_space<vmem>>
      %dma_start3A_472 = tpu.memref_squeeze %dma_start3A_471 : memref<1x128xi32, #tpu.memory_space<vmem>> -> memref<128xi32, #tpu.memory_space<vmem>>
      %dma_start3A_473 = arith.constant 0 : i32
      %dma_start3A_474 = arith.constant 0 : i32
      %dma_start3A_475 = tpu.memref_slice %arg2[%dma_start3A_473, %dma_start3A_474] : memref<20480x128xf32, #tpu.memory_space<hbm>> -> memref<20480x128xf32, #tpu.memory_space<hbm>>
      tpu.enqueue_indirect_dma source(%dma_start3A_475 : memref<20480x128xf32, #tpu.memory_space<hbm>>) target(%arg10 : memref<128x128xf32, #tpu.memory_space<vmem>>) offsets(%dma_start3A_472 : memref<128xi32, #tpu.memory_space<vmem>>) semaphore(%arg14 : memref<!tpu.dma_semaphore, #tpu.memory_space<semaphore_mem>>)
      %dma_wait3A_476 = arith.constant 28 : i32
      %dma_wait3A_477 = arith.constant 0 : i32
      %dma_wait3A_478 = tpu.memref_slice %arg7[%dma_wait3A_476, %dma_wait3A_477] : memref<32x128xi32, #tpu.memory_space<vmem>> -> memref<1x128xi32, #tpu.memory_space<vmem>>
      %dma_wait3A_479 = tpu.memref_squeeze %dma_wait3A_478 : memref<1x128xi32, #tpu.memory_space<vmem>> -> memref<128xi32, #tpu.memory_space<vmem>>
      %dma_wait3A_480 = arith.constant 0 : i32
      %dma_wait3A_481 = arith.constant 0 : i32
      %dma_wait3A_482 = tpu.memref_slice %arg2[%dma_wait3A_480, %dma_wait3A_481] : memref<20480x128xf32, #tpu.memory_space<hbm>> -> memref<20480x128xf32, #tpu.memory_space<hbm>>
      tpu.wait_indirect_dma semaphore(%arg13 : memref<!tpu.dma_semaphore, #tpu.memory_space<semaphore_mem>>) src(%dma_wait3A_482 : memref<20480x128xf32, #tpu.memory_space<hbm>>) dst(%arg9 : memref<128x128xf32, #tpu.memory_space<vmem>>)
      %run_scoped3A_483 = arith.constant 28 : i32
      "tpu.region"() ({
        %run_scoped3A_523 = tpu.sem_alloc : memref<!tpu.dma_semaphore, #tpu.memory_space<semaphore_mem>>
        %dma_start3A_524 = arith.constant 0 : i32
        %dma_start3A_525 = tpu.memref_slice %arg8[%run_scoped3A_483, %dma_start3A_524] : memref<32x128xi32, #tpu.memory_space<vmem>> -> memref<1x128xi32, #tpu.memory_space<vmem>>
        %dma_start3A_526 = tpu.memref_squeeze %dma_start3A_525 : memref<1x128xi32, #tpu.memory_space<vmem>> -> memref<128xi32, #tpu.memory_space<vmem>>
        %dma_start3A_527 = arith.constant 0 : i32
        %dma_start3A_528 = arith.constant 0 : i32
        %dma_start3A_529 = tpu.memref_slice %arg12[%dma_start3A_527, %dma_start3A_528] : memref<10248x128xf32, #tpu.memory_space<vmem_shared>> -> memref<10248x128xf32, #tpu.memory_space<vmem_shared>>
        tpu.enqueue_indirect_dma source(%arg9 : memref<128x128xf32, #tpu.memory_space<vmem>>) target(%dma_start3A_529 : memref<10248x128xf32, #tpu.memory_space<vmem_shared>>) offsets(%dma_start3A_526 : memref<128xi32, #tpu.memory_space<vmem>>) semaphore(%run_scoped3A_523 : memref<!tpu.dma_semaphore, #tpu.memory_space<semaphore_mem>>) {add = true}
        %dma_wait3A_530 = arith.constant 0 : i32
        %dma_wait3A_531 = tpu.memref_slice %arg8[%run_scoped3A_483, %dma_wait3A_530] : memref<32x128xi32, #tpu.memory_space<vmem>> -> memref<1x128xi32, #tpu.memory_space<vmem>>
        %dma_wait3A_532 = tpu.memref_squeeze %dma_wait3A_531 : memref<1x128xi32, #tpu.memory_space<vmem>> -> memref<128xi32, #tpu.memory_space<vmem>>
        %dma_wait3A_533 = arith.constant 0 : i32
        %dma_wait3A_534 = arith.constant 0 : i32
        %dma_wait3A_535 = tpu.memref_slice %arg12[%dma_wait3A_533, %dma_wait3A_534] : memref<10248x128xf32, #tpu.memory_space<vmem_shared>> -> memref<10248x128xf32, #tpu.memory_space<vmem_shared>>
        tpu.wait_indirect_dma semaphore(%run_scoped3A_523 : memref<!tpu.dma_semaphore, #tpu.memory_space<semaphore_mem>>) src(%arg9 : memref<128x128xf32, #tpu.memory_space<vmem>>) dst(%dma_wait3A_535 : memref<10248x128xf32, #tpu.memory_space<vmem_shared>>)
        tpu.yield
      }) : () -> ()
      %dma_start3A_484 = arith.constant 30 : i32
      %dma_start3A_485 = arith.constant 0 : i32
      %dma_start3A_486 = tpu.memref_slice %arg7[%dma_start3A_484, %dma_start3A_485] : memref<32x128xi32, #tpu.memory_space<vmem>> -> memref<1x128xi32, #tpu.memory_space<vmem>>
      %dma_start3A_487 = tpu.memref_squeeze %dma_start3A_486 : memref<1x128xi32, #tpu.memory_space<vmem>> -> memref<128xi32, #tpu.memory_space<vmem>>
      %dma_start3A_488 = arith.constant 0 : i32
      %dma_start3A_489 = arith.constant 0 : i32
      %dma_start3A_490 = tpu.memref_slice %arg2[%dma_start3A_488, %dma_start3A_489] : memref<20480x128xf32, #tpu.memory_space<hbm>> -> memref<20480x128xf32, #tpu.memory_space<hbm>>
      tpu.enqueue_indirect_dma source(%dma_start3A_490 : memref<20480x128xf32, #tpu.memory_space<hbm>>) target(%arg9 : memref<128x128xf32, #tpu.memory_space<vmem>>) offsets(%dma_start3A_487 : memref<128xi32, #tpu.memory_space<vmem>>) semaphore(%arg13 : memref<!tpu.dma_semaphore, #tpu.memory_space<semaphore_mem>>)
      %dma_wait3A_491 = arith.constant 29 : i32
      %dma_wait3A_492 = arith.constant 0 : i32
      %dma_wait3A_493 = tpu.memref_slice %arg7[%dma_wait3A_491, %dma_wait3A_492] : memref<32x128xi32, #tpu.memory_space<vmem>> -> memref<1x128xi32, #tpu.memory_space<vmem>>
      %dma_wait3A_494 = tpu.memref_squeeze %dma_wait3A_493 : memref<1x128xi32, #tpu.memory_space<vmem>> -> memref<128xi32, #tpu.memory_space<vmem>>
      %dma_wait3A_495 = arith.constant 0 : i32
      %dma_wait3A_496 = arith.constant 0 : i32
      %dma_wait3A_497 = tpu.memref_slice %arg2[%dma_wait3A_495, %dma_wait3A_496] : memref<20480x128xf32, #tpu.memory_space<hbm>> -> memref<20480x128xf32, #tpu.memory_space<hbm>>
      tpu.wait_indirect_dma semaphore(%arg14 : memref<!tpu.dma_semaphore, #tpu.memory_space<semaphore_mem>>) src(%dma_wait3A_497 : memref<20480x128xf32, #tpu.memory_space<hbm>>) dst(%arg10 : memref<128x128xf32, #tpu.memory_space<vmem>>)
      %run_scoped3A_498 = arith.constant 29 : i32
      "tpu.region"() ({
        %run_scoped3A_523 = tpu.sem_alloc : memref<!tpu.dma_semaphore, #tpu.memory_space<semaphore_mem>>
        %dma_start3A_524 = arith.constant 0 : i32
        %dma_start3A_525 = tpu.memref_slice %arg8[%run_scoped3A_498, %dma_start3A_524] : memref<32x128xi32, #tpu.memory_space<vmem>> -> memref<1x128xi32, #tpu.memory_space<vmem>>
        %dma_start3A_526 = tpu.memref_squeeze %dma_start3A_525 : memref<1x128xi32, #tpu.memory_space<vmem>> -> memref<128xi32, #tpu.memory_space<vmem>>
        %dma_start3A_527 = arith.constant 0 : i32
        %dma_start3A_528 = arith.constant 0 : i32
        %dma_start3A_529 = tpu.memref_slice %arg12[%dma_start3A_527, %dma_start3A_528] : memref<10248x128xf32, #tpu.memory_space<vmem_shared>> -> memref<10248x128xf32, #tpu.memory_space<vmem_shared>>
        tpu.enqueue_indirect_dma source(%arg10 : memref<128x128xf32, #tpu.memory_space<vmem>>) target(%dma_start3A_529 : memref<10248x128xf32, #tpu.memory_space<vmem_shared>>) offsets(%dma_start3A_526 : memref<128xi32, #tpu.memory_space<vmem>>) semaphore(%run_scoped3A_523 : memref<!tpu.dma_semaphore, #tpu.memory_space<semaphore_mem>>) {add = true}
        %dma_wait3A_530 = arith.constant 0 : i32
        %dma_wait3A_531 = tpu.memref_slice %arg8[%run_scoped3A_498, %dma_wait3A_530] : memref<32x128xi32, #tpu.memory_space<vmem>> -> memref<1x128xi32, #tpu.memory_space<vmem>>
        %dma_wait3A_532 = tpu.memref_squeeze %dma_wait3A_531 : memref<1x128xi32, #tpu.memory_space<vmem>> -> memref<128xi32, #tpu.memory_space<vmem>>
        %dma_wait3A_533 = arith.constant 0 : i32
        %dma_wait3A_534 = arith.constant 0 : i32
        %dma_wait3A_535 = tpu.memref_slice %arg12[%dma_wait3A_533, %dma_wait3A_534] : memref<10248x128xf32, #tpu.memory_space<vmem_shared>> -> memref<10248x128xf32, #tpu.memory_space<vmem_shared>>
        tpu.wait_indirect_dma semaphore(%run_scoped3A_523 : memref<!tpu.dma_semaphore, #tpu.memory_space<semaphore_mem>>) src(%arg10 : memref<128x128xf32, #tpu.memory_space<vmem>>) dst(%dma_wait3A_535 : memref<10248x128xf32, #tpu.memory_space<vmem_shared>>)
        tpu.yield
      }) : () -> ()
      %dma_start3A_499 = arith.constant 31 : i32
      %dma_start3A_500 = arith.constant 0 : i32
      %dma_start3A_501 = tpu.memref_slice %arg7[%dma_start3A_499, %dma_start3A_500] : memref<32x128xi32, #tpu.memory_space<vmem>> -> memref<1x128xi32, #tpu.memory_space<vmem>>
      %dma_start3A_502 = tpu.memref_squeeze %dma_start3A_501 : memref<1x128xi32, #tpu.memory_space<vmem>> -> memref<128xi32, #tpu.memory_space<vmem>>
      %dma_start3A_503 = arith.constant 0 : i32
      %dma_start3A_504 = arith.constant 0 : i32
      %dma_start3A_505 = tpu.memref_slice %arg2[%dma_start3A_503, %dma_start3A_504] : memref<20480x128xf32, #tpu.memory_space<hbm>> -> memref<20480x128xf32, #tpu.memory_space<hbm>>
      tpu.enqueue_indirect_dma source(%dma_start3A_505 : memref<20480x128xf32, #tpu.memory_space<hbm>>) target(%arg10 : memref<128x128xf32, #tpu.memory_space<vmem>>) offsets(%dma_start3A_502 : memref<128xi32, #tpu.memory_space<vmem>>) semaphore(%arg14 : memref<!tpu.dma_semaphore, #tpu.memory_space<semaphore_mem>>)
      %dma_wait3A_506 = arith.constant 30 : i32
      %dma_wait3A_507 = arith.constant 0 : i32
      %dma_wait3A_508 = tpu.memref_slice %arg7[%dma_wait3A_506, %dma_wait3A_507] : memref<32x128xi32, #tpu.memory_space<vmem>> -> memref<1x128xi32, #tpu.memory_space<vmem>>
      %dma_wait3A_509 = tpu.memref_squeeze %dma_wait3A_508 : memref<1x128xi32, #tpu.memory_space<vmem>> -> memref<128xi32, #tpu.memory_space<vmem>>
      %dma_wait3A_510 = arith.constant 0 : i32
      %dma_wait3A_511 = arith.constant 0 : i32
      %dma_wait3A_512 = tpu.memref_slice %arg2[%dma_wait3A_510, %dma_wait3A_511] : memref<20480x128xf32, #tpu.memory_space<hbm>> -> memref<20480x128xf32, #tpu.memory_space<hbm>>
      tpu.wait_indirect_dma semaphore(%arg13 : memref<!tpu.dma_semaphore, #tpu.memory_space<semaphore_mem>>) src(%dma_wait3A_512 : memref<20480x128xf32, #tpu.memory_space<hbm>>) dst(%arg9 : memref<128x128xf32, #tpu.memory_space<vmem>>)
      %run_scoped3A_513 = arith.constant 30 : i32
      "tpu.region"() ({
        %run_scoped3A_523 = tpu.sem_alloc : memref<!tpu.dma_semaphore, #tpu.memory_space<semaphore_mem>>
        %dma_start3A_524 = arith.constant 0 : i32
        %dma_start3A_525 = tpu.memref_slice %arg8[%run_scoped3A_513, %dma_start3A_524] : memref<32x128xi32, #tpu.memory_space<vmem>> -> memref<1x128xi32, #tpu.memory_space<vmem>>
        %dma_start3A_526 = tpu.memref_squeeze %dma_start3A_525 : memref<1x128xi32, #tpu.memory_space<vmem>> -> memref<128xi32, #tpu.memory_space<vmem>>
        %dma_start3A_527 = arith.constant 0 : i32
        %dma_start3A_528 = arith.constant 0 : i32
        %dma_start3A_529 = tpu.memref_slice %arg12[%dma_start3A_527, %dma_start3A_528] : memref<10248x128xf32, #tpu.memory_space<vmem_shared>> -> memref<10248x128xf32, #tpu.memory_space<vmem_shared>>
        tpu.enqueue_indirect_dma source(%arg9 : memref<128x128xf32, #tpu.memory_space<vmem>>) target(%dma_start3A_529 : memref<10248x128xf32, #tpu.memory_space<vmem_shared>>) offsets(%dma_start3A_526 : memref<128xi32, #tpu.memory_space<vmem>>) semaphore(%run_scoped3A_523 : memref<!tpu.dma_semaphore, #tpu.memory_space<semaphore_mem>>) {add = true}
        %dma_wait3A_530 = arith.constant 0 : i32
        %dma_wait3A_531 = tpu.memref_slice %arg8[%run_scoped3A_513, %dma_wait3A_530] : memref<32x128xi32, #tpu.memory_space<vmem>> -> memref<1x128xi32, #tpu.memory_space<vmem>>
        %dma_wait3A_532 = tpu.memref_squeeze %dma_wait3A_531 : memref<1x128xi32, #tpu.memory_space<vmem>> -> memref<128xi32, #tpu.memory_space<vmem>>
        %dma_wait3A_533 = arith.constant 0 : i32
        %dma_wait3A_534 = arith.constant 0 : i32
        %dma_wait3A_535 = tpu.memref_slice %arg12[%dma_wait3A_533, %dma_wait3A_534] : memref<10248x128xf32, #tpu.memory_space<vmem_shared>> -> memref<10248x128xf32, #tpu.memory_space<vmem_shared>>
        tpu.wait_indirect_dma semaphore(%run_scoped3A_523 : memref<!tpu.dma_semaphore, #tpu.memory_space<semaphore_mem>>) src(%arg9 : memref<128x128xf32, #tpu.memory_space<vmem>>) dst(%dma_wait3A_535 : memref<10248x128xf32, #tpu.memory_space<vmem_shared>>)
        tpu.yield
      }) : () -> ()
      %dma_wait3A_514 = arith.constant 31 : i32
      %dma_wait3A_515 = arith.constant 0 : i32
      %dma_wait3A_516 = tpu.memref_slice %arg7[%dma_wait3A_514, %dma_wait3A_515] : memref<32x128xi32, #tpu.memory_space<vmem>> -> memref<1x128xi32, #tpu.memory_space<vmem>>
      %dma_wait3A_517 = tpu.memref_squeeze %dma_wait3A_516 : memref<1x128xi32, #tpu.memory_space<vmem>> -> memref<128xi32, #tpu.memory_space<vmem>>
      %dma_wait3A_518 = arith.constant 0 : i32
      %dma_wait3A_519 = arith.constant 0 : i32
      %dma_wait3A_520 = tpu.memref_slice %arg2[%dma_wait3A_518, %dma_wait3A_519] : memref<20480x128xf32, #tpu.memory_space<hbm>> -> memref<20480x128xf32, #tpu.memory_space<hbm>>
      tpu.wait_indirect_dma semaphore(%arg14 : memref<!tpu.dma_semaphore, #tpu.memory_space<semaphore_mem>>) src(%dma_wait3A_520 : memref<20480x128xf32, #tpu.memory_space<hbm>>) dst(%arg10 : memref<128x128xf32, #tpu.memory_space<vmem>>)
      %run_scoped3A_521 = arith.constant 31 : i32
      "tpu.region"() ({
        %run_scoped3A_523 = tpu.sem_alloc : memref<!tpu.dma_semaphore, #tpu.memory_space<semaphore_mem>>
        %dma_start3A_524 = arith.constant 0 : i32
        %dma_start3A_525 = tpu.memref_slice %arg8[%run_scoped3A_521, %dma_start3A_524] : memref<32x128xi32, #tpu.memory_space<vmem>> -> memref<1x128xi32, #tpu.memory_space<vmem>>
        %dma_start3A_526 = tpu.memref_squeeze %dma_start3A_525 : memref<1x128xi32, #tpu.memory_space<vmem>> -> memref<128xi32, #tpu.memory_space<vmem>>
        %dma_start3A_527 = arith.constant 0 : i32
        %dma_start3A_528 = arith.constant 0 : i32
        %dma_start3A_529 = tpu.memref_slice %arg12[%dma_start3A_527, %dma_start3A_528] : memref<10248x128xf32, #tpu.memory_space<vmem_shared>> -> memref<10248x128xf32, #tpu.memory_space<vmem_shared>>
        tpu.enqueue_indirect_dma source(%arg10 : memref<128x128xf32, #tpu.memory_space<vmem>>) target(%dma_start3A_529 : memref<10248x128xf32, #tpu.memory_space<vmem_shared>>) offsets(%dma_start3A_526 : memref<128xi32, #tpu.memory_space<vmem>>) semaphore(%run_scoped3A_523 : memref<!tpu.dma_semaphore, #tpu.memory_space<semaphore_mem>>) {add = true}
        %dma_wait3A_530 = arith.constant 0 : i32
        %dma_wait3A_531 = tpu.memref_slice %arg8[%run_scoped3A_521, %dma_wait3A_530] : memref<32x128xi32, #tpu.memory_space<vmem>> -> memref<1x128xi32, #tpu.memory_space<vmem>>
        %dma_wait3A_532 = tpu.memref_squeeze %dma_wait3A_531 : memref<1x128xi32, #tpu.memory_space<vmem>> -> memref<128xi32, #tpu.memory_space<vmem>>
        %dma_wait3A_533 = arith.constant 0 : i32
        %dma_wait3A_534 = arith.constant 0 : i32
        %dma_wait3A_535 = tpu.memref_slice %arg12[%dma_wait3A_533, %dma_wait3A_534] : memref<10248x128xf32, #tpu.memory_space<vmem_shared>> -> memref<10248x128xf32, #tpu.memory_space<vmem_shared>>
        tpu.wait_indirect_dma semaphore(%run_scoped3A_523 : memref<!tpu.dma_semaphore, #tpu.memory_space<semaphore_mem>>) src(%arg10 : memref<128x128xf32, #tpu.memory_space<vmem>>) dst(%dma_wait3A_535 : memref<10248x128xf32, #tpu.memory_space<vmem_shared>>)
        tpu.yield
      }) : () -> ()
      %scan3A_522 = arith.constant 0 : i32
      scf.yield %scan3A_522 : i32
    }
    %scan3A_23 = arith.constant 5 : i32
    %barrier3A_24 = arith.constant 0 : index
    tpu.barrier barrier_id(%barrier3A_24)
    %scan3A_25 = arith.constant 0 : i32
    %scan3A_26 = arith.constant 0 : i32
    %scan3A_27 = arith.constant 4 : i32
    %scan3A_28 = arith.addi %scan3A_26, %scan3A_27 : i32
    %scan3A_29 = arith.constant 1 : i32
    %scan3A_30 = scf.for %scan3A_32 = %scan3A_26 to %scan3A_28 step %scan3A_29 iter_args(%scan3A_33 = %scan3A_25) -> (i32)  : i32 {
      %mul3A_34 = arith.constant 4 : i32
      %mul3A_35 = arith.muli %arg1, %mul3A_34 : i32
      %add3A = arith.addi %mul3A_35, %scan3A_32 : i32
      "tpu.region"() ({
        %run_scoped3A = tpu.sem_alloc : memref<!tpu.dma_semaphore, #tpu.memory_space<semaphore_mem>>
        %dma_start3A_50 = arith.constant 0 : i32
        %dma_start3A_51 = tpu.memref_slice %arg5[%add3A, %dma_start3A_50] : memref<64x128xi32, #tpu.memory_space<hbm>> -> memref<1x128xi32, #tpu.memory_space<hbm>>
        %dma_start3A_52 = tpu.memref_squeeze %dma_start3A_51 : memref<1x128xi32, #tpu.memory_space<hbm>> -> memref<128xi32, #tpu.memory_space<hbm>>
        %dma_start3A_53 = arith.constant 0 : i32
        %dma_start3A_54 = tpu.memref_slice %arg5[%add3A, %dma_start3A_53] : memref<64x128xi32, #tpu.memory_space<hbm>> -> memref<1x128xi32, #tpu.memory_space<hbm>>
        %dma_start3A_55 = tpu.memref_squeeze %dma_start3A_54 : memref<1x128xi32, #tpu.memory_space<hbm>> -> memref<128xi32, #tpu.memory_space<hbm>>
        tpu.enqueue_dma source(%dma_start3A_55 : memref<128xi32, #tpu.memory_space<hbm>>) target(%arg11 : memref<128xi32, #tpu.memory_space<vmem>>) target_semaphore(%run_scoped3A : memref<!tpu.dma_semaphore, #tpu.memory_space<semaphore_mem>>)
        %dma_wait3A_56 = arith.constant 0 : i32
        %dma_wait3A_57 = tpu.memref_slice %arg5[%add3A, %dma_wait3A_56] : memref<64x128xi32, #tpu.memory_space<hbm>> -> memref<1x128xi32, #tpu.memory_space<hbm>>
        %dma_wait3A_58 = tpu.memref_squeeze %dma_wait3A_57 : memref<1x128xi32, #tpu.memory_space<hbm>> -> memref<128xi32, #tpu.memory_space<hbm>>
        %dma_wait3A_59 = arith.constant 0 : i32
        %dma_wait3A_60 = tpu.memref_slice %arg5[%add3A, %dma_wait3A_59] : memref<64x128xi32, #tpu.memory_space<hbm>> -> memref<1x128xi32, #tpu.memory_space<hbm>>
        %dma_wait3A_61 = tpu.memref_squeeze %dma_wait3A_60 : memref<1x128xi32, #tpu.memory_space<hbm>> -> memref<128xi32, #tpu.memory_space<hbm>>
        tpu.wait_dma2 semaphore(%run_scoped3A : memref<!tpu.dma_semaphore, #tpu.memory_space<semaphore_mem>>) src(%dma_wait3A_61 : memref<128xi32, #tpu.memory_space<hbm>>) dst(%arg11 : memref<128xi32, #tpu.memory_space<vmem>>)
        tpu.yield
      }) : () -> ()
      %scan3A_36 = arith.constant 0 : i32
      %scan3A_37 = arith.constant 0 : i32
      %scan3A_38 = arith.constant 8 : i32
      %scan3A_39 = arith.addi %scan3A_37, %scan3A_38 : i32
      %scan3A_40 = arith.constant 1 : i32
      %scan3A_41 = scf.for %scan3A_50 = %scan3A_37 to %scan3A_39 step %scan3A_40 iter_args(%scan3A_51 = %scan3A_36) -> (i32)  : i32 {
        %mul3A_52 = arith.constant 16 : i32
        %mul3A_53 = arith.muli %scan3A_50, %mul3A_52 : i32
        %get3A = arith.index_cast %mul3A_53 : i32 to index
        %get3A_54 = tpu.vector_load %arg11[%get3A] {strides = array<i32>} : memref<128xi32, #tpu.memory_space<vmem>>, vector<16xi32>,
        %get3A_55 = vector.shape_cast %get3A_54 : vector<16xi32> to vector<16xi32>
        %sub3A = vector.broadcast %mul3A_0 : i32 to vector<16xi32>
        %sub3A_56 = arith.subi %get3A_55, %sub3A : vector<16xi32>
        %ge3A = arith.constant 0 : i32
        %ge3A_57 = vector.broadcast %ge3A : i32 to vector<16xi32>
        %ge3A_58 = arith.cmpi sge, %sub3A_56, %ge3A_57 : vector<16xi32>
        %lt3A = arith.constant 10240 : i32
        %lt3A_59 = vector.broadcast %lt3A : i32 to vector<16xi32>
        %lt3A_60 = arith.cmpi slt, %sub3A_56, %lt3A_59 : vector<16xi32>
        %and3A = arith.andi %ge3A_58, %lt3A_60 : vector<16xi1>
        %jit3A = arith.constant 10240 : i32
        %broadcast_in_dim3A_61 = vector.broadcast %jit3A : i32 to vector<16xi32>
        %select_n3A = arith.select %and3A, %sub3A_56, %broadcast_in_dim3A_61 : vector<16xi1>, vector<16xi32>
        %mul3A_62 = arith.constant 16 : i32
        %mul3A_63 = arith.muli %scan3A_50, %mul3A_62 : i32
        %swap3A = arith.index_cast %mul3A_63 : i32 to index
        %swap3A_64 = tpu.vector_load %arg11[%swap3A] {strides = array<i32>} : memref<128xi32, #tpu.memory_space<vmem>>, vector<16xi32>,
        %swap3A_65 = vector.shape_cast %swap3A_64 : vector<16xi32> to vector<16xi32>
        %swap3A_66 = vector.shape_cast %select_n3A : vector<16xi32> to vector<16xi32>
        tpu.vector_store %arg11[%swap3A], %swap3A_66 {strides = array<i32>} : memref<128xi32, #tpu.memory_space<vmem>>, vector<16xi32>,
        %scan3A_67 = arith.constant 0 : i32
        scf.yield %scan3A_67 : i32
      }
      %scan3A_42 = arith.constant 8 : i32
      %dma_start3A = arith.constant 0 : i32
      %dma_start3A_43 = arith.constant 0 : i32
      %dma_start3A_44 = tpu.memref_slice %arg12[%dma_start3A, %dma_start3A_43] : memref<10248x128xf32, #tpu.memory_space<vmem_shared>> -> memref<10248x128xf32, #tpu.memory_space<vmem_shared>>
      tpu.enqueue_indirect_dma source(%dma_start3A_44 : memref<10248x128xf32, #tpu.memory_space<vmem_shared>>) target(%arg10 : memref<128x128xf32, #tpu.memory_space<vmem>>) offsets(%arg11 : memref<128xi32, #tpu.memory_space<vmem>>) semaphore(%arg14 : memref<!tpu.dma_semaphore, #tpu.memory_space<semaphore_mem>>)
      %dma_wait3A = arith.constant 0 : i32
      %dma_wait3A_45 = arith.constant 0 : i32
      %dma_wait3A_46 = tpu.memref_slice %arg12[%dma_wait3A, %dma_wait3A_45] : memref<10248x128xf32, #tpu.memory_space<vmem_shared>> -> memref<10248x128xf32, #tpu.memory_space<vmem_shared>>
      tpu.wait_indirect_dma semaphore(%arg14 : memref<!tpu.dma_semaphore, #tpu.memory_space<semaphore_mem>>) src(%dma_wait3A_46 : memref<10248x128xf32, #tpu.memory_space<vmem_shared>>) dst(%arg10 : memref<128x128xf32, #tpu.memory_space<vmem>>)
      %mul3A_47 = arith.constant 128 : i32
      %mul3A_48 = arith.muli %add3A, %mul3A_47 : i32
      "tpu.region"() ({
        %run_scoped3A = tpu.sem_alloc : memref<!tpu.dma_semaphore, #tpu.memory_space<semaphore_mem>>
        %dma_start3A_50 = arith.constant 0 : i32
        %dma_start3A_51 = tpu.memref_slice %arg6[%arg0, %mul3A_48, %dma_start3A_50] : memref<2x8192x128xf32, #tpu.memory_space<hbm>> -> memref<1x128x128xf32, #tpu.memory_space<hbm>>
        %dma_start3A_52 = tpu.memref_squeeze %dma_start3A_51 : memref<1x128x128xf32, #tpu.memory_space<hbm>> -> memref<128x128xf32, #tpu.memory_space<hbm>>
        %dma_start3A_53 = arith.constant 0 : i32
        %dma_start3A_54 = tpu.memref_slice %arg6[%arg0, %mul3A_48, %dma_start3A_53] : memref<2x8192x128xf32, #tpu.memory_space<hbm>> -> memref<1x128x128xf32, #tpu.memory_space<hbm>>
        %dma_start3A_55 = tpu.memref_squeeze %dma_start3A_54 : memref<1x128x128xf32, #tpu.memory_space<hbm>> -> memref<128x128xf32, #tpu.memory_space<hbm>>
        tpu.enqueue_dma source(%arg10 : memref<128x128xf32, #tpu.memory_space<vmem>>) target(%dma_start3A_55 : memref<128x128xf32, #tpu.memory_space<hbm>>) target_semaphore(%run_scoped3A : memref<!tpu.dma_semaphore, #tpu.memory_space<semaphore_mem>>)
        %dma_wait3A_56 = arith.constant 0 : i32
        %dma_wait3A_57 = tpu.memref_slice %arg6[%arg0, %mul3A_48, %dma_wait3A_56] : memref<2x8192x128xf32, #tpu.memory_space<hbm>> -> memref<1x128x128xf32, #tpu.memory_space<hbm>>
        %dma_wait3A_58 = tpu.memref_squeeze %dma_wait3A_57 : memref<1x128x128xf32, #tpu.memory_space<hbm>> -> memref<128x128xf32, #tpu.memory_space<hbm>>
        %dma_wait3A_59 = arith.constant 0 : i32
        %dma_wait3A_60 = tpu.memref_slice %arg6[%arg0, %mul3A_48, %dma_wait3A_59] : memref<2x8192x128xf32, #tpu.memory_space<hbm>> -> memref<1x128x128xf32, #tpu.memory_space<hbm>>
        %dma_wait3A_61 = tpu.memref_squeeze %dma_wait3A_60 : memref<1x128x128xf32, #tpu.memory_space<hbm>> -> memref<128x128xf32, #tpu.memory_space<hbm>>
        tpu.wait_dma2 semaphore(%run_scoped3A : memref<!tpu.dma_semaphore, #tpu.memory_space<semaphore_mem>>) src(%arg10 : memref<128x128xf32, #tpu.memory_space<vmem>>) dst(%dma_wait3A_61 : memref<128x128xf32, #tpu.memory_space<hbm>>)
        tpu.yield
      }) : () -> ()
      %scan3A_49 = arith.constant 0 : i32
      scf.yield %scan3A_49 : i32
    }
    %scan3A_31 = arith.constant 4 : i32
    return
  }
}

module attributes {stable_mosaic.version = 14 : i64} {
  func.func @body(%arg0: i32, %arg1: memref<2048x128xf32, #tpu.memory_space<vmem>>, %arg2: memref<2048x128xf32, #tpu.memory_space<vmem>>, %arg3: memref<2048x128xf32, #tpu.memory_space<vmem>>, %arg4: memref<2048x128xf32, #tpu.memory_space<vmem>>) attributes {dimension_semantics = [#tpu.dimension_semantics<arbitrary>], iteration_bounds = array<i64: 10>, scalar_prefetch = 0 : i64, scratch_operands = 0 : i64, tpu.core_type = #tpu.core_type<tc>, window_params = [{transform_indices = @transform_0, window_bounds = array<i64: 2048, 128>}, {transform_indices = @transform_1, window_bounds = array<i64: 2048, 128>}, {transform_indices = @transform_2, window_bounds = array<i64: 2048, 128>}, {transform_indices = @transform_3, window_bounds = array<i64: 2048, 128>}]} {
    %get3A = arith.constant 0 : index
    %get3A_0 = arith.constant 0 : index
    %get3A_1 = vector.load %arg1[%get3A, %get3A_0] : memref<2048x128xf32, #tpu.memory_space<vmem>>, vector<2048x128xf32>
    %slice3A = vector.extract_strided_slice %get3A_1 {offsets = [0, 0], sizes = [2048, 1], strides = [1, 1]} : vector<2048x128xf32> to vector<2048x1xf32>
    %squeeze3A = vector.shape_cast %slice3A : vector<2048x1xf32> to vector<2048xf32>
    %max3A = arith.constant 1.000000e+00 : f32
    %max3A_2 = vector.broadcast %max3A : f32 to vector<2048xf32>
    %max3A_3 = arith.maximumf %squeeze3A, %max3A_2 : vector<2048xf32>
    %rsqrt3A = math.rsqrt %max3A_3 : vector<2048xf32>
    %broadcast_in_dim3A = vector.shape_cast %rsqrt3A : vector<2048xf32> to vector<2048x1xf32>
    %broadcast_in_dim3A_4 = vector.shape_cast %broadcast_in_dim3A : vector<2048x1xf32> to vector<2048x1xf32>
    %broadcast_in_dim3A_5 = vector.broadcast %broadcast_in_dim3A_4 : vector<2048x1xf32> to vector<2048x128xf32>
    %swap3A = arith.constant 0 : index
    %swap3A_6 = arith.constant 0 : index
    %swap3A_7 = vector.load %arg4[%swap3A, %swap3A_6] : memref<2048x128xf32, #tpu.memory_space<vmem>>, vector<2048x128xf32>
    tpu.vector_store %arg4[%swap3A, %swap3A_6], %broadcast_in_dim3A_5 {strides = array<i32>} : memref<2048x128xf32, #tpu.memory_space<vmem>>, vector<2048x128xf32>,
    %get3A_8 = arith.constant 0 : index
    %get3A_9 = arith.constant 0 : index
    %get3A_10 = vector.load %arg2[%get3A_8, %get3A_9] : memref<2048x128xf32, #tpu.memory_space<vmem>>, vector<2048x128xf32>
    %broadcast_in_dim3A_11 = vector.shape_cast %rsqrt3A : vector<2048xf32> to vector<2048x1xf32>
    %mul3A = vector.broadcast %broadcast_in_dim3A_11 : vector<2048x1xf32> to vector<2048x128xf32>
    %mul3A_12 = arith.mulf %get3A_10, %mul3A : vector<2048x128xf32>
    %swap3A_13 = arith.constant 0 : index
    %swap3A_14 = arith.constant 0 : index
    %swap3A_15 = vector.load %arg3[%swap3A_13, %swap3A_14] : memref<2048x128xf32, #tpu.memory_space<vmem>>, vector<2048x128xf32>
    tpu.vector_store %arg3[%swap3A_13, %swap3A_14], %mul3A_12 {strides = array<i32>} : memref<2048x128xf32, #tpu.memory_space<vmem>>, vector<2048x128xf32>,
    return
  }
  func.func @transform_0(%arg0: i32) -> (i32, i32) {
    %c0_i32 = arith.constant 0 : i32
    %c0_i32_0 = arith.constant 0 : i32
    return %arg0, %c0_i32 : i32, i32
  }
  func.func @transform_1(%arg0: i32) -> (i32, i32) {
    %c0_i32 = arith.constant 0 : i32
    %c0_i32_0 = arith.constant 0 : i32
    return %arg0, %c0_i32 : i32, i32
  }
  func.func @transform_2(%arg0: i32) -> (i32, i32) {
    %c0_i32 = arith.constant 0 : i32
    %c0_i32_0 = arith.constant 0 : i32
    return %arg0, %c0_i32 : i32, i32
  }
  func.func @transform_3(%arg0: i32) -> (i32, i32) {
    %c0_i32 = arith.constant 0 : i32
    %c0_i32_0 = arith.constant 0 : i32
    return %arg0, %c0_i32 : i32, i32
  }
}

module attributes {stable_mosaic.version = 14 : i64} {
  func.func @body(%arg0: memref<2x8192x128xf32, #tpu.memory_space<vmem>>, %arg1: memref<8192x128xf32, #tpu.memory_space<vmem>>, %arg2: memref<8192x1xi32, #tpu.memory_space<vmem>>, %arg3: memref<128x128xf32, #tpu.memory_space<vmem>>, %arg4: memref<1x128xf32, #tpu.memory_space<vmem>>, %arg5: memref<256x64xf32, #tpu.memory_space<vmem>>, %arg6: memref<1x64xf32, #tpu.memory_space<vmem>>, %arg7: memref<64x1xf32, #tpu.memory_space<vmem>>, %arg8: memref<1x1xf32, #tpu.memory_space<vmem>>, %arg9: memref<4096x1xf32, #tpu.memory_space<vmem>>) attributes {dimension_semantics = [], scalar_prefetch = 0 : i64, scratch_operands = 0 : i64, tpu.core_type = #tpu.core_type<tc>} {
    %get3A = arith.constant 0 : index
    %get3A_0 = arith.constant 0 : index
    %get3A_1 = vector.load %arg1[%get3A, %get3A_0] : memref<8192x128xf32, #tpu.memory_space<vmem>>, vector<8192x128xf32>
    %slice3A = vector.extract_strided_slice %get3A_1 {offsets = [0, 0], sizes = [8192, 1], strides = [1, 1]} : vector<8192x128xf32> to vector<8192x1xf32>
    %get3A_2 = arith.constant 0 : index
    %get3A_3 = arith.constant 0 : index
    %get3A_4 = vector.load %arg2[%get3A_2, %get3A_3] : memref<8192x1xi32, #tpu.memory_space<vmem>>, vector<8192x1xi32>
    %lt3A = arith.constant 10240 : i32
    %lt3A_5 = vector.broadcast %lt3A : i32 to vector<8192x1xi32>
    %lt3A_6 = arith.cmpi slt, %get3A_4, %lt3A_5 : vector<8192x1xi32>
    %get3A_7 = arith.constant 0 : index
    %get3A_8 = arith.constant 0 : index
    %get3A_9 = arith.constant 0 : index
    %get3A_10 = vector.load %arg0[%get3A_7, %get3A_8, %get3A_9] : memref<2x8192x128xf32, #tpu.memory_space<vmem>>, vector<1x8192x128xf32>
    %get3A_11 = vector.shape_cast %get3A_10 : vector<1x8192x128xf32> to vector<8192x128xf32>
    %get3A_12 = arith.constant 1 : index
    %get3A_13 = arith.constant 0 : index
    %get3A_14 = arith.constant 0 : index
    %get3A_15 = vector.load %arg0[%get3A_12, %get3A_13, %get3A_14] : memref<2x8192x128xf32, #tpu.memory_space<vmem>>, vector<1x8192x128xf32>
    %get3A_16 = vector.shape_cast %get3A_15 : vector<1x8192x128xf32> to vector<8192x128xf32>
    %broadcast_in_dim3A = vector.shape_cast %lt3A_6 : vector<8192x1xi1> to vector<8192x1xi1>
    %broadcast_in_dim3A_17 = vector.broadcast %broadcast_in_dim3A : vector<8192x1xi1> to vector<8192x128xi1>
    %select_n3A = arith.select %broadcast_in_dim3A_17, %get3A_11, %get3A_16 : vector<8192x128xi1>, vector<8192x128xf32>
    %mul3A = vector.broadcast %slice3A : vector<8192x1xf32> to vector<8192x128xf32>
    %mul3A_18 = arith.mulf %select_n3A, %mul3A : vector<8192x128xf32>
    %get3A_19 = arith.constant 0 : index
    %get3A_20 = arith.constant 0 : index
    %get3A_21 = vector.load %arg3[%get3A_19, %get3A_20] : memref<128x128xf32, #tpu.memory_space<vmem>>, vector<128x128xf32>
    %dot_general3A = arith.constant dense<0.000000e+00> : vector<8192x128xf32>
    %dot_general3A_22 = tpu.matmul %mul3A_18, %get3A_21, %dot_general3A {dimension_numbers = #tpu.dot_dimension_numbers<[1], [0], [0], [1], [0, 0, 1, 1], [], []>, transpose_lhs_hint = false} : vector<8192x128xf32>, vector<128x128xf32>, vector<8192x128xf32> -> vector<8192x128xf32>
    %get3A_23 = arith.constant 0 : index
    %get3A_24 = arith.constant 0 : index
    %get3A_25 = vector.load %arg4[%get3A_23, %get3A_24] : memref<1x128xf32, #tpu.memory_space<vmem>>, vector<1x128xf32>
    %add3A = vector.broadcast %get3A_25 : vector<1x128xf32> to vector<8192x128xf32>
    %add3A_26 = arith.addf %dot_general3A_22, %add3A : vector<8192x128xf32>
    %max3A = arith.constant 0.000000e+00 : f32
    %max3A_27 = vector.broadcast %max3A : f32 to vector<8192x128xf32>
    %max3A_28 = arith.maximumf %add3A_26, %max3A_27 : vector<8192x128xf32>
    %slice3A_29 = vector.extract_strided_slice %max3A_28 {offsets = [0, 0], sizes = [4096, 128], strides = [1, 1]} : vector<8192x128xf32> to vector<4096x128xf32>
    %slice3A_30 = vector.extract_strided_slice %max3A_28 {offsets = [4096, 0], sizes = [4096, 128], strides = [1, 1]} : vector<8192x128xf32> to vector<4096x128xf32>
    %get3A_31 = arith.constant 0 : index
    %get3A_32 = arith.constant 0 : index
    %get3A_33 = vector.load %arg5[%get3A_31, %get3A_32] : memref<256x64xf32, #tpu.memory_space<vmem>>, vector<128x64xf32>
    %dot_general3A_34 = arith.constant dense<0.000000e+00> : vector<4096x64xf32>
    %dot_general3A_35 = tpu.matmul %slice3A_29, %get3A_33, %dot_general3A_34 {dimension_numbers = #tpu.dot_dimension_numbers<[1], [0], [0], [1], [0, 0, 1, 1], [], []>, transpose_lhs_hint = false} : vector<4096x128xf32>, vector<128x64xf32>, vector<4096x64xf32> -> vector<4096x64xf32>
    %get3A_36 = arith.constant 128 : index
    %get3A_37 = arith.constant 0 : index
    %get3A_38 = vector.load %arg5[%get3A_36, %get3A_37] : memref<256x64xf32, #tpu.memory_space<vmem>>, vector<128x64xf32>
    %dot_general3A_39 = arith.constant dense<0.000000e+00> : vector<4096x64xf32>
    %dot_general3A_40 = tpu.matmul %slice3A_30, %get3A_38, %dot_general3A_39 {dimension_numbers = #tpu.dot_dimension_numbers<[1], [0], [0], [1], [0, 0, 1, 1], [], []>, transpose_lhs_hint = false} : vector<4096x128xf32>, vector<128x64xf32>, vector<4096x64xf32> -> vector<4096x64xf32>
    %add3A_41 = arith.addf %dot_general3A_35, %dot_general3A_40 : vector<4096x64xf32>
    %get3A_42 = arith.constant 0 : index
    %get3A_43 = arith.constant 0 : index
    %get3A_44 = vector.load %arg6[%get3A_42, %get3A_43] : memref<1x64xf32, #tpu.memory_space<vmem>>, vector<1x64xf32>
    %add3A_45 = vector.broadcast %get3A_44 : vector<1x64xf32> to vector<4096x64xf32>
    %add3A_46 = arith.addf %add3A_41, %add3A_45 : vector<4096x64xf32>
    %max3A_47 = arith.constant 0.000000e+00 : f32
    %max3A_48 = vector.broadcast %max3A_47 : f32 to vector<4096x64xf32>
    %max3A_49 = arith.maximumf %add3A_46, %max3A_48 : vector<4096x64xf32>
    %get3A_50 = arith.constant 0 : index
    %get3A_51 = arith.constant 0 : index
    %get3A_52 = vector.load %arg7[%get3A_50, %get3A_51] : memref<64x1xf32, #tpu.memory_space<vmem>>, vector<64x1xf32>
    %dot_general3A_53 = arith.constant dense<0.000000e+00> : vector<4096x1xf32>
    %dot_general3A_54 = tpu.matmul %max3A_49, %get3A_52, %dot_general3A_53 {dimension_numbers = #tpu.dot_dimension_numbers<[1], [0], [0], [1], [0, 0, 1, 1], [], []>, transpose_lhs_hint = false} : vector<4096x64xf32>, vector<64x1xf32>, vector<4096x1xf32> -> vector<4096x1xf32>
    %get3A_55 = arith.constant 0 : index
    %get3A_56 = arith.constant 0 : index
    %get3A_57 = vector.load %arg8[%get3A_55, %get3A_56] : memref<1x1xf32, #tpu.memory_space<vmem>>, vector<1x1xf32>
    %add3A_58 = vector.broadcast %get3A_57 : vector<1x1xf32> to vector<4096x1xf32>
    %add3A_59 = arith.addf %dot_general3A_54, %add3A_58 : vector<4096x1xf32>
    %swap3A = arith.constant 0 : index
    %swap3A_60 = arith.constant 0 : index
    %swap3A_61 = vector.load %arg9[%swap3A, %swap3A_60] : memref<4096x1xf32, #tpu.memory_space<vmem>>, vector<4096x1xf32>
    tpu.vector_store %arg9[%swap3A, %swap3A_60], %add3A_59 {strides = array<i32>} : memref<4096x1xf32, #tpu.memory_space<vmem>>, vector<4096x1xf32>,
    return
  }
}

</mosaic_0001>

<sc_bundles>
// kernel: kernel.10.cloned.1.call-start
scs
__scs_entry_jumppad:
0x0: {  	(pc) =	sbr.rel $0x88, $3  }
0x1: {  	(tag) =	ssettag $0x0;
	lr =	simm.s32 $0x1  }
0x2: {  	[smem:$0x3F96] =	sst lr;
	_ =	strace $0xD0000000  }
0x3: {  	_ = 	snop  }
0x4: {  	_ = 	snop  }
0x5: {  	_ = 	snop  }
0x6: {  	_ = 	snop  }
0x7: {  	_ = 	snop  }
__scs_overlays_trampoline_lowered:
0x8: {  	[smem:$0x3FA5] =	sst s0  }
0x9: {  	[smem:$0x3FA6] =	sst s1  }
0xa: {  	[smem:$0x3FA7] =	sst s2  }
0xb: {  	[smem:$0x3FA8] =	sst s3  }
0xc: {  	[smem:$0x3FA9] =	sst s4  }
0xd: {  	[smem:$0x3FAA] =	sst s5  }
0xe: {  	[smem:$0x3FAB] =	sst s6  }
0xf: {  	[smem:$0x3FAC] =	sst s7  }
0x10: {  	[smem:$0x3FAD] =	sst s8  }
0x11: {  	[smem:$0x3FAE] =	sst s9;
	s0 =	simm.s32 @!p0 $0x0  }
0x12: {  	s1 =	sld [smem:$0x3F94];
	s0 =	simm.s32 @p0 $0x1  }
0x13: {  	[smem:$0x3FAF] =	sst s0;
	s0 =	simm.s32 @!p1 $0x0  }
0x14: {  	s2 =	sld [smem:$0x3F93];
	s0 =	simm.s32 @p1 $0x1  }
0x15: {  	[smem:$0x3FB0] =	sst s0;
	s0 =	simm.s32 @!p2 $0x0  }
0x16: {  	s3 =	sld [smem:$0x3FDB];
	s0 =	simm.s32 @p2 $0x1  }
0x17: {  	s4 =	simm.s32 $0x1BF5;
	[smem:$0x3FB2] =	sst s0  }
0x18: {  	s0 =	sld [smem:$0x3F95];
	_ =	swait.ge [sflag:s4], $0x0  }
0x19: {  	s7 =	sld [smem:$0x3F96]  }
0x1a: {  	s8 =	sadd.s32 $0xFFFFE003, lr  }
0x1b: {  	s9 =	sadd.s32 $0xFFFFFEF7, lr;
	s5 =	simm.s32 $0xFFFFFFFF;
	p2 =	slt.u32 s8, $0xFFFFF086  }
0x1c: {  	p1 =	slt.u32 s9, $0xF7A;
	s5 =	simm.s32 @!p2 $0x0  }
0x1d: {  	s5 =	simm.s32 @p1 $0x1;
	p0 =	seq.s32 s7, s2  }
0x1e: {  	s7 =	smul.u32 @!p0 $0xF7A, s2;
	p2 =	seq.s32 @!p0 s5, $0x0  }
0x1f: {  	s9 =	smul.u32 $0xF7A, s1;
	s8 =	simm.s32 @!p0 $0x1BF5;
	p2 =	por !p2, p0  }
0x20: {  	[sflag:s8] =	ssyncset.s32 @!p0 $0xFFFFF086;
	s6 =	sadd.s32 @!p0 s3, s7;
	s7 =	simm.s32 @!p0 $0x108  }
0x21: {  	s3 =	sadd.s32 s3, s9;
	s6 =	sadd.s32 @!p0 $0x88, s6;
	s7 =	simm.s32 @p2 $0x1082  }
0x22: {  	[simem:s7], [sflag:s8] =	dma.local @!p0 [hbm:s6], $0xF7A  }
0x23: {  	s9 =	sor.u32 $0xD0000000, s2;
	s6 =	simm.s32 $0x108;
	_ =	swait.ge @!p0 [sflag:s8], $0x0  }
0x24: {  	s3 =	sadd.s32 $0x88, s3;
	s6 =	simm.s32 @!p1 $0x1082;
	[sflag:s4] =	ssyncset.s32 $0xFFFFF086  }
0x25: {  	[simem:s6], [sflag:s4] =	dma.local [hbm:s3], $0xF7A  }
0x26: {  	[smem:$0x3F96] =	sst s1;
	(tag) =	ssettag s2;
	_ =	strace s9  }
0x27: {  	s1 =	sld [smem:$0x3FA6]  }
0x28: {  	s2 =	sld [smem:$0x3FA7]  }
0x29: {  	s4 =	sld [smem:$0x3FA9]  }
0x2a: {  	p0 =	seq.s32 s5, $0x0;
	s5 =	sld [smem:$0x3FAA]  }
0x2b: {  	s6 =	sld [smem:$0x3FAB]  }
0x2c: {  	s7 =	sld [smem:$0x3FAC]  }
0x2d: {  	s3 =	simm.s32 $0x108;
	s8 =	sld [smem:$0x3FAD]  }
0x2e: {  	s3 =	simm.s32 @!p0 $0x1082;
	s9 =	sld [smem:$0x3FAE]  }
0x2f: {  	lr =	sadd.s32 s0, s3;
	s0 =	sld [smem:$0x3FA5]  }
0x30: {  	s3 =	sld [smem:$0x3FA8]  }
0x31: {  	[smem:$0x3FB1] =	sst s10  }
0x32: {  	s10 =	sld [smem:$0x3FAF];
	_ =	sdelay $0x3  }
0x33: {  	p0 =	seq.s32 s10, $0x1;
	s10 =	sld [smem:$0x3FB1];
	_ =	sdelay $0x3  }
0x34: {  	[smem:$0x3FB1] =	sst s10  }
0x35: {  	s10 =	sld [smem:$0x3FB0];
	_ =	sdelay $0x3  }
0x36: {  	p1 =	seq.s32 s10, $0x1;
	s10 =	sld [smem:$0x3FB1];
	_ =	sdelay $0x3  }
0x37: {  	[smem:$0x3FB1] =	sst s10  }
0x38: {  	s10 =	sld [smem:$0x3FB2]  }
0x39: {  	_ = 	snop;
	(pc) =	sbr.ind lr, $3  }
0x3a: {  	_ = 	snop  }
0x3b: {  	_ = 	snop  }
0x3c: {  	p2 =	seq.s32 s10, $0x1;
	s10 =	sld [smem:$0x3FB1]  }
0x3d: {  	_ =	shalt  }
0x3e: {  	_ =	shalt  }
0x3f: {  	_ =	shalt  }
0x40: {  	_ =	shalt  }
0x41: {  	_ =	shalt  }
0x42: {  	_ =	shalt  }
0x43: {  	_ =	shalt  }
0x44: {  	_ =	shalt  }
0x45: {  	_ =	shalt  }
0x46: {  	_ =	shalt  }
0x47: {  	_ =	shalt  }
0x48: {  	_ =	shalt  }
0x49: {  	_ =	shalt  }
0x4a: {  	_ =	shalt  }
0x4b: {  	_ =	shalt  }
0x4c: {  	_ =	shalt  }
0x4d: {  	_ =	shalt  }
0x4e: {  	_ =	shalt  }
0x4f: {  	_ =	shalt  }
0x50: {  	_ =	shalt  }
0x51: {  	_ =	shalt  }
0x52: {  	_ =	shalt  }
0x53: {  	_ =	shalt  }
0x54: {  	_ =	shalt  }
0x55: {  	_ =	shalt  }
0x56: {  	_ =	shalt  }
0x57: {  	_ =	shalt  }
0x58: {  	_ =	shalt  }
0x59: {  	_ =	shalt  }
0x5a: {  	_ =	shalt  }
0x5b: {  	_ =	shalt  }
0x5c: {  	_ =	shalt  }
0x5d: {  	_ =	shalt  }
0x5e: {  	_ =	shalt  }
0x5f: {  	_ =	shalt  }
0x60: {  	_ =	shalt  }
0x61: {  	_ =	shalt  }
0x62: {  	_ =	shalt  }
0x63: {  	_ =	shalt  }
0x64: {  	_ =	shalt  }
0x65: {  	_ =	shalt  }
0x66: {  	_ =	shalt  }
0x67: {  	_ =	shalt  }
0x68: {  	_ =	shalt  }
0x69: {  	_ =	shalt  }
0x6a: {  	_ =	shalt  }
0x6b: {  	_ =	shalt  }
0x6c: {  	_ =	shalt  }
0x6d: {  	_ =	shalt  }
0x6e: {  	_ =	shalt  }
0x6f: {  	_ =	shalt  }
0x70: {  	_ =	shalt  }
0x71: {  	_ =	shalt  }
0x72: {  	_ =	shalt  }
0x73: {  	_ =	shalt  }
0x74: {  	_ =	shalt  }
0x75: {  	_ =	shalt  }
0x76: {  	_ =	shalt  }
0x77: {  	_ =	shalt  }
0x78: {  	_ =	shalt  }
0x79: {  	_ =	shalt  }
0x7a: {  	_ =	shalt  }
0x7b: {  	_ =	shalt  }
0x7c: {  	_ =	shalt  }
0x7d: {  	_ =	shalt  }
0x7e: {  	_ =	shalt  }
0x7f: {  	_ =	shalt  }
0x80: {  	_ =	shalt  }
0x81: {  	_ =	shalt  }
0x82: {  	_ =	shalt  }
0x83: {  	_ =	shalt  }
0x84: {  	_ =	shalt  }
0x85: {  	_ =	shalt  }
0x86: {  	_ =	shalt  }
0x87: {  	_ =	shalt  }
.Lfunc_end0:
.L_simem_size_0:
called_computation.1_lowered:
.L_overlay_start_0:
0x88: {  	s2 =	sld [smem:$0x3FD9]  }
0x89: {  	s3 =	sld [smem:$0x3FFE];
	_ =	sdelay $0x1  }
0x8a: {  	s1 =	srdreg.scid  }
0x8b: {  	s0 =	sand.u32 $0x1, s1  }
0x8c: {  	s16 =	sshll.u32 s0, $0xA;
	s2 =	sadd.s32 s3, s2  }
0x8d: {  	s2 =	sadd.s32 s2, s16  }
0x8e: {  	[smem:$0x3FBD] =	sst s2  }
0x8f: {  	_ = 	snop  }
0x90: {  	(tm) =	ssettm $0x1  }
0x91: {  	s17 =	sld [smem:$0x3FFB];
	_ =	sdelay $0x3  }
0x92: {  	_ =	strace s17  }
0x93: {  	s2 =	sld [smem:$0x3FFC];
	_ =	sdelay $0x3  }
0x94: {  	_ =	strace s2  }
0x95: {  	s2 =	sld [smem:$0x3FFD];
	_ =	sdelay $0x3  }
0x96: {  	_ =	strace s2  }
0x97: {  	_ =	strace $0x8FFFFFFF  }
0x98: {  	s18 =	sld [smem:$0x3FDB];
	_ =	sdelay $0x1  }
0x99: {  	s19 =	simm.s32 $_scs_section_size  }
0x9a: {  	s4 =	simm.s32 $_size__tile_overlayer_lowered;
	s5 =	simm.s32 $_tile_overlayer_lowered  }
0x9b: {  	s22 =	simm.s32 $0x1BFF;
	s21 =	sshll.u32 s5, $0x1;
	s2 =	sadd.s32 s19, s18  }
0x9c: {  	s6 =	simm.s32 $0x0;
	s20 =	sshll.u32 s4, $0x1;
	s4 =	sadd.s32 s21, s2  }
0x9d: {  	[timem:s6], [sflag:s22] =	dma.local [hbm:s4], s20  }
0x9e: {  	_ =	swait.ge [sflag:s22], s20  }
0x9f: {  	s3 =	ssub.s32 $0x0, s20;
	[sflag:s22] =	ssyncset.done $0x0  }
0xa0: {  	[sflag:s22] =	ssyncadd.s32 s3;
	_ =	sdelay $0x1  }
0xa1: {  	s23 =	simm.s32 $0x1B8B  }
0xa2: {  	_ =	swait.ge [sflag:s23], $0x1  }
0xa3: {  	[sflag:s23] =	ssyncset.done $0x0  }
0xa4: {  	s25 =	simm.s32 $0x1B8E;
	s24 =	sld [smem:$0x3FFE];
	[sflag:s23] =	ssyncadd.s32 $0xFFFFFFFF  }
0xa5: {  	s26 =	simm.s32 $execute0_lowered;
	[smem:$0x3FD2] =	sst s25  }
0xa6: {  	s4 =	sshll.u32 s26, $0x1;
	_ =	strace $0x80000049;
	[dreg:$0x1] =	wrdreg $0xFFFFFFFF  }
0xa7: {  	s28 =	simm.s32 $_size_execute0_lowered;
	s2 =	sadd.s32 s2, s4;
	[dreg:$0x0] =	wrdreg $0x0  }
0xa8: {  	s4 =	sshll.u32 s28, $0x1;
	[dreg:$0x2] =	wrdreg s2  }
0xa9: {  	[dreg:$0x3] =	wrdreg s4  }
0xaa: {  	[dreg:$0x4] =	wrdreg $0xC0  }
0xab: {  	_ =	task [dreg:s6], $0x5FFFF  }
0xac: {  	[dreg:$0x1] =	wrdreg $0xFFFFFFFF  }
0xad: {  	[dreg:$0x0] =	wrdreg $0x60  }
0xae: {  	[dreg:$0x2] =	wrdreg s24  }
0xaf: {  	[dreg:$0x3] =	wrdreg $0xA0800  }
0xb0: {  	[dreg:$0x4] =	wrdreg $0x9  }
0xb1: {  	_ =	task.clear_ibuf [dreg:s6], $0x5FFFF;
	_ =	strace $0x90000049  }
0xb2: {  	s29 =	simm.s32 $0x9;
	_ =	strace $0x8000004B  }
0xb3: {  	_ =	swait.ge [sflag:s29], $0x1  }
0xb4: {  	[sflag:s29] =	ssyncadd.s32 $0xFFFFFFFF  }
0xb5: {  	_ =	strace $0x9000004B  }
0xb6: {  	_ =	sfence  }
0xb7: {  	s30 =	sld [smem:$0x0];
	_ =	sdelay $0x2  }
0xb8: {  	s31 =	sshll.u32 s1, $0xD;
	s1 =	sshrl.u32 s1, $0x2  }
0xb9: {  	s3 =	sand.u32 $0x4000, s31;
	s1 =	sadd.s32 s1, s30  }
0xba: {  	s0 =	sor.u32 s3, s0;
	s1 =	sshll.u32 s1, $0x11  }
0xbb: {  	s0 =	sor.u32 s1, s0  }
0xbc: {  	s0 =	sadd.s32 $0x8F2B, s0  }
0xbd: {  	[sflag:s0] =	ssyncadd.remote.s32 $0x1  }
0xbe: {  	_ =	sfence.sel $0xFFFF  }
0xbf: {  	[dreg:$0x0] =	wrdreg $0xFFFFFFFF;
	(pc) =	sbr.abs _section_cstart, $3  }
0xc0: {  	[dreg:$0x1] =	wrdreg $0xFFFFFFFF  }
0xc1: {  	_ =	task.clear_ibuf [dreg:s6], $0x2FFFF;
	_ =	strace $0x9FFFFFFF  }
0xc2: {  	(tm) =	ssettm $0x7FFFFFFF  }
0xc3: {  	_ =	shalt  }
tec
execute0_lowered:
.L_overlay_start_1:
0x0: {  	(tag) =	ssettag $0x1  }
0x1: {  	s0 =	rddreg [dreg:$0x0]  }
0x2: {  	s1 =	rddreg [dreg:$0x1]  }
0x3: {  	s2 =	simm.s32 $0x0;
	s8 =	stileid.u32;
	s5 =	srdreg.scid  }
0x4: {  	s14 =	simm.s32 $0x3;
	s15 =	simm.s32 $0x1000;
	s16 =	simm.s32 $0x2000  }
0x5: {  	s17 =	simm.s32 $0x1;
	s19 =	simm.s32 $0x2;
	s28 =	simm.s32 $0x1D80  }
0x6: {  	s29 =	simm.s32 $0xE80;
	s30 =	simm.s32 $0x1E00;
	s31 =	simm.s32 $0xF00  }
0x7: {  	s18 =	simm.s32 $0x1F80;
	s21 =	simm.s32 $0x0;
	[smem:$0x7FF] =	sst s2  }
0x8: {  	s3 =	sadd.s32 $0x2A00, s0;
	s4 =	sadd.s32 $0x66E00, s0;
	s6 =	sshll.u32 s8, $0x6  }
0x9: {  	s7 =	sand.u32 $0x1, s5;
	s5 =	sadd.s32 $0x5CE00, s0;
	s12 =	sshll.u32 s8, $0xD  }
0xa: {  	s13 =	sand.u32 $0x1, s8;
	p0 =	sne.s32 s8, $0x0;
	_ =	strace $0x8000004A  }
0xb: {  	s6 =	sand.u32 $0x380, s6;
	s9 =	ssub.s32 $0x2, s7;
	s24 =	smul.u32 $0x2800, s7  }
0xc: {  	s23 =	sshll.u32 s7, $0x11;
	s7 =	smul.u32 $0x5000, s8;
	s25 =	sshll.u32 s13, $0x6  }
0xd: {  	s13 =	simm.s32 $0x6000;
	s10 =	sadd.s32 s6, s0;
	s11 =	sshrl.u32 s9, $0x1  }
0xe: {  	s0 =	sadd.s32 s23, s0;
	s6 =	smul.u32 $0x280, s8;
	s8 =	simm.s32 $0xF80  }
0xf: {  	s11 =	ssub.s32 s9, s11;
	s0 =	sadd.s32 s12, s0;
	s26 =	sadd.s32 s25, s10  }
0x10: {  	s12 =	simm.s32 $0xA000;
	s9 =	simm.s32 $0x1F00;
	s11 =	smax.u32 s11, $0x1  }
0x11: {  	s0 =	sadd.s32 $0xC0E00, s0;
	s10 =	sadd.s32 $0x5CA00, s26;
	[dreg:$0x3] =	wrdreg s11  }
0x12: {  	v1 =	vimm.f32 $0.0e+00;
	v2 =	vlaneseq.u32;
	v0 =	vmov s24;
	[dreg:$0x4] =	wrdreg s0;
	s11 =	simm.s32 $0x80;
	s0 =	simm.s32 $0x1E80  }
.LBB2_1:
0x13: {  	[dreg:$0x5] =	wrdreg s21;
	s20 =	simm.s32 $0x0;
	s21 =	simm.s32 $0x0  }
.LBB2_2:
0x14: {  	p1 =	sne.s32 s21, $0xFFC0  }
.Ltmp0:
0x15: {  	_ = 	snop;
	(pc) =	sbr.rel @p1 .LBB2_2-.Ltmp0, $4  }
0x16: {  	s22 =	sand.u32 $0xFE00, s21  }
0x17: {  	s23 =	sand.u32 $0x70, s20;
	s22 =	sshrl.u32 s22, $0x2  }
0x18: {  	s22 =	sor.u32 s23, s22  }
0x19: {  	s20 =	sadd.s32 $0x10, s20;
	s21 =	sadd.s32 $0x40, s21;
	[tilespmem:s22+$0x6000] =	vst v1  }
0x1a: {  	s20 =	sadd.s32 $0x0, s6  }
0x1b: {  	v3 =	vor.u32 s20, v2;
	s21 =	sadd.s32 $0x70, s20  }
0x1c: {  	s22 =	sadd.s32 $0x60, s20;
	[tilespmem:$0xA000] =	vst v3;
	v3 =	vor.u32 s21, v2  }
0x1d: {  	s25 =	sadd.s32 $0x30, s20;
	v4 =	vor.u32 s22, v2;
	[tilespmem:$0xA070] =	vst v3  }
0x1e: {  	s23 =	sadd.s32 $0x50, s20;
	v5 =	vor.u32 s25, v2;
	[tilespmem:$0xA060] =	vst v4  }
0x1f: {  	s24 =	sadd.s32 $0x40, s20;
	v3 =	vor.u32 s23, v2;
	[tilespmem:$0xA030] =	vst v5  }
0x20: {  	s26 =	sadd.s32 $0x20, s20;
	v4 =	vor.u32 s24, v2;
	[tilespmem:$0xA050] =	vst v3  }
0x21: {  	s21 =	sadd.s32 $0x10, s20;
	s20 =	simm.s32 $0x80;
	[tilespmem:$0xA040] =	vst v4;
	v3 =	vor.u32 s26, v2  }
.LBB2_4:
0x22: {  	p1 =	sne.s32 s20, $0x200;
	v4 =	vor.u32 s21, v2;
	[tilespmem:$0xA020] =	vst v3  }
0x23: {  	[tilespmem:$0xA010] =	vst v4;
	[spmem:s1] =	stream.indirect.scatter [tilespmem:s13], [sflag:$0x3], $0x80, s12, s11, $0xb8  }
0x24: {  	_ =	swait.ge [sflag:s14], $0x4000  }
0x25: {  	s21 =	sadd.s32 s20, s6;
	[sflag:s14] =	ssyncset.done $0x0  }
0x26: {  	v3 =	vor.u32 s21, v2;
	s22 =	sadd.s32 $0x70, s21;
	[sflag:s14] =	ssyncadd.s32 $0xFFFFC000  }
0x27: {  	s23 =	sadd.s32 $0x60, s21;
	[tilespmem:$0xA000] =	vst v3;
	v3 =	vor.u32 s22, v2  }
.Ltmp1:
0x28: {  	v4 =	vor.u32 s23, v2;
	s22 =	sadd.s32 $0x50, s21;
	[tilespmem:$0xA070] =	vst v3;
	(pc) =	sbr.rel @p1 .LBB2_4-.Ltmp1, $4  }
0x29: {  	s23 =	sadd.s32 $0x40, s21;
	v3 =	vor.u32 s22, v2;
	[tilespmem:$0xA060] =	vst v4  }
0x2a: {  	s22 =	sadd.s32 $0x30, s21;
	v4 =	vor.u32 s23, v2;
	[tilespmem:$0xA050] =	vst v3  }
0x2b: {  	s23 =	sadd.s32 $0x20, s21;
	v5 =	vor.u32 s22, v2;
	[tilespmem:$0xA040] =	vst v4  }
0x2c: {  	s20 =	sadd.s32 $0x80, s20;
	s21 =	sadd.s32 $0x10, s21;
	v3 =	vor.u32 s23, v2;
	[tilespmem:$0xA030] =	vst v5  }
0x2d: {  	v4 =	vor.u32 s21, v2;
	[tilespmem:$0xA020] =	vst v3  }
0x2e: {  	[tilespmem:$0xA010] =	vst v4  }
0x2f: {  	[spmem:s1] =	stream.indirect.scatter [tilespmem:s13], [sflag:$0x3], $0x80, s12, s11, $0xb8;
	[tilespmem:$0x1E0C0] =	vst v63  }
0x30: {  	_ =	swait.ge [sflag:s14], $0x4000  }
0x31: {  	v3 =	vlaneseq.u32 @!p0;
	[sflag:s14] =	ssyncset.done $0x0  }
0x32: {  	v4 =	vadd.s32 @!p0 $0x2788, v3;
	[sflag:s14] =	ssyncadd.s32 $0xFFFFC000  }
0x33: {  	[tilespmem:$0xA000] =	vst @!p0 v4;
	v4 =	vadd.s32 @!p0 $0x2798, v3  }
0x34: {  	[tilespmem:$0xA010] =	vst @!p0 v4;
	v4 =	vadd.s32 @!p0 $0x27A8, v3  }
0x35: {  	[tilespmem:$0xA020] =	vst @!p0 v4;
	v4 =	vadd.s32 @!p0 $0x27B8, v3  }
0x36: {  	[tilespmem:$0xA030] =	vst @!p0 v4;
	v4 =	vadd.s32 @!p0 $0x27C8, v3  }
0x37: {  	[tilespmem:$0xA040] =	vst @!p0 v4;
	v4 =	vadd.s32 @!p0 $0x27D8, v3  }
0x38: {  	[tilespmem:$0xA050] =	vst @!p0 v4;
	v4 =	vadd.s32 @!p0 $0x27E8, v3  }
0x39: {  	v3 =	vadd.s32 @!p0 $0x27F8, v3;
	[tilespmem:$0xA060] =	vst @!p0 v4  }
0x3a: {  	s20 =	simm.s32 @!p0 $0x80;
	s21 =	simm.s32 @!p0 $0xA000;
	s22 =	simm.s32 @!p0 $0x6000;
	[tilespmem:$0xA070] =	vst @!p0 v3  }
0x3b: {  	[spmem:s1] =	stream.indirect.scatter @!p0 [tilespmem:s22], [sflag:$0x3], $0x80, s21, s20, $0xb8;
	[tilespmem:$0x1E0C0] =	vst v63  }
0x3c: {  	s20 =	simm.s32 @!p0 $0x3  }
0x3d: {  	_ =	swait.ge @!p0 [sflag:s20], $0x4000  }
0x3e: {  	[sflag:s20] =	ssyncset.done @!p0 $0x0  }
0x3f: {  	[sflag:s20] =	ssyncadd.s32 @!p0 $0xFFFFC000  }
0x40: {  	s21 =	simm.s32 $0x0;
	s20 =	simm.s32 $0x0;
	[bflag:$0x0] =	sbarrier.arrive $0xFFFF  }
.LBB2_6:
0x41: {  	s22 =	sshll.u32 s21, $0xC  }
0x42: {  	s22 =	sadd.s32 s7, s22  }
0x43: {  	s22 =	sshrl.u32 s22, $0x3  }
0x44: {  	s23 =	sadd.s32 s4, s22  }
0x45: {  	[tilespmem:s20], [sflag:$0x3] =	stream.linear.gather [hbm4b:s23+s20], $0x1000, $0x38;
	[tilespmem:$0x1E0C0] =	vst v63  }
0x46: {  	_ =	swait.ge [sflag:s14], $0x1000  }
0x47: {  	[sflag:s14] =	ssyncset.done $0x0  }
0x48: {  	s22 =	sadd.s32 s5, s22;
	[sflag:s14] =	ssyncadd.s32 $0xFFFFF000  }
0x49: {  	[tilespmem:s15], [sflag:$0x3] =	stream.linear.gather [hbm4b:s22+s20], $0x1000, $0x38;
	[tilespmem:$0x1E0C0] =	vst v63  }
0x4a: {  	s24 =	sand.u32 $0x3E00, s20;
	_ =	swait.ge [sflag:s14], $0x1000  }
0x4b: {  	s25 =	sand.u32 $0x70, s20;
	s22 =	sshrl.u32 s24, $0x2;
	[sflag:s14] =	ssyncset.done $0x0  }
0x4c: {  	s22 =	sor.u32 s25, s22;
	[sflag:s14] =	ssyncadd.s32 $0xFFFFF000  }
0x4d: {  	v3 =	vld [tilespmem:s22+$0x1000];
	_ =	sdelay $0x3  }
0x4e: {  	s26 =	simm.s32 $0x40  }
0x4f: {  	s23 =	simm.s32 $0x80;
	s24 =	simm.s32 $0x10;
	s25 =	sand.u32 $0x3E00, s26;
	v3 =	vsub.s32 v3, v0  }
.LBB2_7:
0x50: {  	p1 =	sne.s32 s23, $0x3FC0;
	s26 =	sand.u32 $0x70, s24;
	s25 =	sshrl.u32 s25, $0x2;
	v3 =	vmin.u32 v3, $0x2800  }
0x51: {  	[tilespmem:s22+$0x1000] =	vst v3;
	s22 =	sor.u32 s26, s25  }
0x52: {  	v3 =	vld [tilespmem:s22+$0x1000]  }
.Ltmp2:
0x53: {  	(pc) =	sbr.rel @p1 .LBB2_7-.Ltmp2, $2  }
0x54: {  	_ =	sdelay $0x2  }
0x55: {  	s24 =	sadd.s32 $0x10, s24;
	s25 =	sand.u32 $0x3E00, s23;
	s23 =	sadd.s32 $0x40, s23;
	v3 =	vsub.s32 v3, v0  }
0x56: {  	s23 =	sand.u32 $0x70, s24;
	s25 =	sshrl.u32 s25, $0x2;
	v3 =	vmin.u32 v3, $0x2800  }
0x57: {  	s23 =	sor.u32 s23, s25;
	[tilespmem:s22+$0x1000] =	vst v3  }
0x58: {  	v3 =	vld [tilespmem:s23+$0x1000];
	_ =	sdelay $0x4  }
0x59: {  	v3 =	vsub.s32 v3, v0  }
0x5a: {  	v3 =	vmin.u32 v3, $0x2800  }
0x5b: {  	[tilespmem:s23+$0x1000] =	vst v3  }
0x5c: {  	[tilespmem:s16], [sflag:$0x1] =	stream.indirect.gather [hbm4b:s3+s11], $0x80, s2, s11, $0xb8;
	[tilespmem:$0x1E0C0] =	vst v63  }
0x5d: {  	_ = 	snop  }
0x5e: {  	[tilespmem:s13], [sflag:$0x2] =	stream.indirect.gather [hbm4b:s3+s11], $0x80, s11, s11, $0xb8;
	[tilespmem:$0x1E0C0] =	vst v63  }
0x5f: {  	_ =	swait.ge [sflag:s17], $0x4000  }
0x60: {  	[sflag:s17] =	ssyncset.done $0x0  }
0x61: {  	[sflag:s17] =	ssyncadd.s32 $0xFFFFC000  }
0x62: {  	[spmem:s1] =	stream.indirect.scatter.add.f32 [tilespmem:s16], [sflag:$0x3], $0x80, s15, s11, $0xb8;
	[tilespmem:$0x1E0C0] =	vst v63  }
0x63: {  	_ =	swait.ge [sflag:s14], $0x4000  }
0x64: {  	[sflag:s14] =	ssyncset.done $0x0  }
0x65: {  	s26 =	simm.s32 $0x100;
	[sflag:s14] =	ssyncadd.s32 $0xFFFFC000  }
0x66: {  	[tilespmem:s16], [sflag:$0x1] =	stream.indirect.gather [hbm4b:s3+s11], $0x80, s26, s11, $0xb8;
	[tilespmem:$0x1E0C0] =	vst v63  }
0x67: {  	_ =	swait.ge [sflag:s19], $0x4000  }
0x68: {  	[sflag:s19] =	ssyncset.done $0x0  }
0x69: {  	s23 =	simm.s32 $0x1080;
	[sflag:s19] =	ssyncadd.s32 $0xFFFFC000  }
0x6a: {  	[spmem:s1] =	stream.indirect.scatter.add.f32 [tilespmem:s13], [sflag:$0x3], $0x80, s23, s11, $0xb8;
	[tilespmem:$0x1E0C0] =	vst v63  }
0x6b: {  	_ =	swait.ge [sflag:s14], $0x4000  }
0x6c: {  	[sflag:s14] =	ssyncset.done $0x0  }
0x6d: {  	s24 =	simm.s32 $0x180;
	[sflag:s14] =	ssyncadd.s32 $0xFFFFC000  }
0x6e: {  	[tilespmem:s13], [sflag:$0x2] =	stream.indirect.gather [hbm4b:s3+s11], $0x80, s24, s11, $0xb8;
	[tilespmem:$0x1E0C0] =	vst v63  }
0x6f: {  	_ =	swait.ge [sflag:s17], $0x4000  }
0x70: {  	[sflag:s17] =	ssyncset.done $0x0  }
0x71: {  	s25 =	simm.s32 $0x1100;
	[sflag:s17] =	ssyncadd.s32 $0xFFFFC000  }
0x72: {  	[spmem:s1] =	stream.indirect.scatter.add.f32 [tilespmem:s16], [sflag:$0x3], $0x80, s25, s11, $0xb8;
	[tilespmem:$0x1E0C0] =	vst v63  }
0x73: {  	_ =	swait.ge [sflag:s14], $0x4000  }
0x74: {  	[sflag:s14] =	ssyncset.done $0x0  }
0x75: {  	s26 =	simm.s32 $0x200;
	[sflag:s14] =	ssyncadd.s32 $0xFFFFC000  }
0x76: {  	[tilespmem:s16], [sflag:$0x1] =	stream.indirect.gather [hbm4b:s3+s11], $0x80, s26, s11, $0xb8;
	[tilespmem:$0x1E0C0] =	vst v63  }
0x77: {  	_ =	swait.ge [sflag:s19], $0x4000  }
0x78: {  	[sflag:s19] =	ssyncset.done $0x0  }
0x79: {  	s23 =	simm.s32 $0x1180;
	[sflag:s19] =	ssyncadd.s32 $0xFFFFC000  }
0x7a: {  	[spmem:s1] =	stream.indirect.scatter.add.f32 [tilespmem:s13], [sflag:$0x3], $0x80, s23, s11, $0xb8;
	[tilespmem:$0x1E0C0] =	vst v63  }
0x7b: {  	_ =	swait.ge [sflag:s14], $0x4000  }
0x7c: {  	[sflag:s14] =	ssyncset.done $0x0  }
0x7d: {  	s24 =	simm.s32 $0x280;
	[sflag:s14] =	ssyncadd.s32 $0xFFFFC000  }
0x7e: {  	[tilespmem:s13], [sflag:$0x2] =	stream.indirect.gather [hbm4b:s3+s11], $0x80, s24, s11, $0xb8;
	[tilespmem:$0x1E0C0] =	vst v63  }
0x7f: {  	_ =	swait.ge [sflag:s17], $0x4000  }
0x80: {  	[sflag:s17] =	ssyncset.done $0x0  }
0x81: {  	s25 =	simm.s32 $0x1200;
	[sflag:s17] =	ssyncadd.s32 $0xFFFFC000  }
0x82: {  	[spmem:s1] =	stream.indirect.scatter.add.f32 [tilespmem:s16], [sflag:$0x3], $0x80, s25, s11, $0xb8;
	[tilespmem:$0x1E0C0] =	vst v63  }
0x83: {  	_ =	swait.ge [sflag:s14], $0x4000  }
0x84: {  	[sflag:s14] =	ssyncset.done $0x0  }
0x85: {  	s26 =	simm.s32 $0x300;
	[sflag:s14] =	ssyncadd.s32 $0xFFFFC000  }
0x86: {  	[tilespmem:s16], [sflag:$0x1] =	stream.indirect.gather [hbm4b:s3+s11], $0x80, s26, s11, $0xb8;
	[tilespmem:$0x1E0C0] =	vst v63  }
0x87: {  	_ =	swait.ge [sflag:s19], $0x4000  }
0x88: {  	[sflag:s19] =	ssyncset.done $0x0  }
0x89: {  	s23 =	simm.s32 $0x1280;
	[sflag:s19] =	ssyncadd.s32 $0xFFFFC000  }
0x8a: {  	[spmem:s1] =	stream.indirect.scatter.add.f32 [tilespmem:s13], [sflag:$0x3], $0x80, s23, s11, $0xb8;
	[tilespmem:$0x1E0C0] =	vst v63  }
0x8b: {  	_ =	swait.ge [sflag:s14], $0x4000  }
0x8c: {  	[sflag:s14] =	ssyncset.done $0x0  }
0x8d: {  	s24 =	simm.s32 $0x380;
	[sflag:s14] =	ssyncadd.s32 $0xFFFFC000  }
0x8e: {  	[tilespmem:s13], [sflag:$0x2] =	stream.indirect.gather [hbm4b:s3+s11], $0x80, s24, s11, $0xb8;
	[tilespmem:$0x1E0C0] =	vst v63  }
0x8f: {  	_ =	swait.ge [sflag:s17], $0x4000  }
0x90: {  	[sflag:s17] =	ssyncset.done $0x0  }
0x91: {  	s25 =	simm.s32 $0x1300;
	[sflag:s17] =	ssyncadd.s32 $0xFFFFC000  }
0x92: {  	[spmem:s1] =	stream.indirect.scatter.add.f32 [tilespmem:s16], [sflag:$0x3], $0x80, s25, s11, $0xb8;
	[tilespmem:$0x1E0C0] =	vst v63  }
0x93: {  	_ =	swait.ge [sflag:s14], $0x4000  }
0x94: {  	[sflag:s14] =	ssyncset.done $0x0  }
0x95: {  	s26 =	simm.s32 $0x400;
	[sflag:s14] =	ssyncadd.s32 $0xFFFFC000  }
0x96: {  	[tilespmem:s16], [sflag:$0x1] =	stream.indirect.gather [hbm4b:s3+s11], $0x80, s26, s11, $0xb8;
	[tilespmem:$0x1E0C0] =	vst v63  }
0x97: {  	_ =	swait.ge [sflag:s19], $0x4000  }
0x98: {  	[sflag:s19] =	ssyncset.done $0x0  }
0x99: {  	s23 =	simm.s32 $0x1380;
	[sflag:s19] =	ssyncadd.s32 $0xFFFFC000  }
0x9a: {  	[spmem:s1] =	stream.indirect.scatter.add.f32 [tilespmem:s13], [sflag:$0x3], $0x80, s23, s11, $0xb8;
	[tilespmem:$0x1E0C0] =	vst v63  }
0x9b: {  	_ =	swait.ge [sflag:s14], $0x4000  }
0x9c: {  	[sflag:s14] =	ssyncset.done $0x0  }
0x9d: {  	s24 =	simm.s32 $0x480;
	[sflag:s14] =	ssyncadd.s32 $0xFFFFC000  }
0x9e: {  	[tilespmem:s13], [sflag:$0x2] =	stream.indirect.gather [hbm4b:s3+s11], $0x80, s24, s11, $0xb8;
	[tilespmem:$0x1E0C0] =	vst v63  }
0x9f: {  	_ =	swait.ge [sflag:s17], $0x4000  }
0xa0: {  	[sflag:s17] =	ssyncset.done $0x0  }
0xa1: {  	s25 =	simm.s32 $0x1400;
	[sflag:s17] =	ssyncadd.s32 $0xFFFFC000  }
0xa2: {  	[spmem:s1] =	stream.indirect.scatter.add.f32 [tilespmem:s16], [sflag:$0x3], $0x80, s25, s11, $0xb8;
	[tilespmem:$0x1E0C0] =	vst v63  }
0xa3: {  	_ =	swait.ge [sflag:s14], $0x4000  }
0xa4: {  	[sflag:s14] =	ssyncset.done $0x0  }
0xa5: {  	s26 =	simm.s32 $0x500;
	[sflag:s14] =	ssyncadd.s32 $0xFFFFC000  }
0xa6: {  	[tilespmem:s16], [sflag:$0x1] =	stream.indirect.gather [hbm4b:s3+s11], $0x80, s26, s11, $0xb8;
	[tilespmem:$0x1E0C0] =	vst v63  }
0xa7: {  	_ =	swait.ge [sflag:s19], $0x4000  }
0xa8: {  	[sflag:s19] =	ssyncset.done $0x0  }
0xa9: {  	s23 =	simm.s32 $0x1480;
	[sflag:s19] =	ssyncadd.s32 $0xFFFFC000  }
0xaa: {  	[spmem:s1] =	stream.indirect.scatter.add.f32 [tilespmem:s13], [sflag:$0x3], $0x80, s23, s11, $0xb8;
	[tilespmem:$0x1E0C0] =	vst v63  }
0xab: {  	_ =	swait.ge [sflag:s14], $0x4000  }
0xac: {  	[sflag:s14] =	ssyncset.done $0x0  }
0xad: {  	s24 =	simm.s32 $0x580;
	[sflag:s14] =	ssyncadd.s32 $0xFFFFC000  }
0xae: {  	[tilespmem:s13], [sflag:$0x2] =	stream.indirect.gather [hbm4b:s3+s11], $0x80, s24, s11, $0xb8;
	[tilespmem:$0x1E0C0] =	vst v63  }
0xaf: {  	_ =	swait.ge [sflag:s17], $0x4000  }
0xb0: {  	[sflag:s17] =	ssyncset.done $0x0  }
0xb1: {  	s25 =	simm.s32 $0x1500;
	[sflag:s17] =	ssyncadd.s32 $0xFFFFC000  }
0xb2: {  	[spmem:s1] =	stream.indirect.scatter.add.f32 [tilespmem:s16], [sflag:$0x3], $0x80, s25, s11, $0xb8;
	[tilespmem:$0x1E0C0] =	vst v63  }
0xb3: {  	_ =	swait.ge [sflag:s14], $0x4000  }
0xb4: {  	[sflag:s14] =	ssyncset.done $0x0  }
0xb5: {  	s26 =	simm.s32 $0x600;
	[sflag:s14] =	ssyncadd.s32 $0xFFFFC000  }
0xb6: {  	[tilespmem:s16], [sflag:$0x1] =	stream.indirect.gather [hbm4b:s3+s11], $0x80, s26, s11, $0xb8;
	[tilespmem:$0x1E0C0] =	vst v63  }
0xb7: {  	_ =	swait.ge [sflag:s19], $0x4000  }
0xb8: {  	[sflag:s19] =	ssyncset.done $0x0  }
0xb9: {  	s23 =	simm.s32 $0x1580;
	[sflag:s19] =	ssyncadd.s32 $0xFFFFC000  }
0xba: {  	[spmem:s1] =	stream.indirect.scatter.add.f32 [tilespmem:s13], [sflag:$0x3], $0x80, s23, s11, $0xb8;
	[tilespmem:$0x1E0C0] =	vst v63  }
0xbb: {  	_ =	swait.ge [sflag:s14], $0x4000  }
0xbc: {  	[sflag:s14] =	ssyncset.done $0x0  }
0xbd: {  	s24 =	simm.s32 $0x680;
	[sflag:s14] =	ssyncadd.s32 $0xFFFFC000  }
0xbe: {  	[tilespmem:s13], [sflag:$0x2] =	stream.indirect.gather [hbm4b:s3+s11], $0x80, s24, s11, $0xb8;
	[tilespmem:$0x1E0C0] =	vst v63  }
0xbf: {  	_ =	swait.ge [sflag:s17], $0x4000  }
0xc0: {  	[sflag:s17] =	ssyncset.done $0x0  }
0xc1: {  	s25 =	simm.s32 $0x1600;
	[sflag:s17] =	ssyncadd.s32 $0xFFFFC000  }
0xc2: {  	[spmem:s1] =	stream.indirect.scatter.add.f32 [tilespmem:s16], [sflag:$0x3], $0x80, s25, s11, $0xb8;
	[tilespmem:$0x1E0C0] =	vst v63  }
0xc3: {  	_ =	swait.ge [sflag:s14], $0x4000  }
0xc4: {  	[sflag:s14] =	ssyncset.done $0x0  }
0xc5: {  	s26 =	simm.s32 $0x700;
	[sflag:s14] =	ssyncadd.s32 $0xFFFFC000  }
0xc6: {  	[tilespmem:s16], [sflag:$0x1] =	stream.indirect.gather [hbm4b:s3+s11], $0x80, s26, s11, $0xb8;
	[tilespmem:$0x1E0C0] =	vst v63  }
0xc7: {  	_ =	swait.ge [sflag:s19], $0x4000  }
0xc8: {  	[sflag:s19] =	ssyncset.done $0x0  }
0xc9: {  	s23 =	simm.s32 $0x1680;
	[sflag:s19] =	ssyncadd.s32 $0xFFFFC000  }
0xca: {  	[spmem:s1] =	stream.indirect.scatter.add.f32 [tilespmem:s13], [sflag:$0x3], $0x80, s23, s11, $0xb8;
	[tilespmem:$0x1E0C0] =	vst v63  }
0xcb: {  	_ =	swait.ge [sflag:s14], $0x4000  }
0xcc: {  	[sflag:s14] =	ssyncset.done $0x0  }
0xcd: {  	s24 =	simm.s32 $0x780;
	[sflag:s14] =	ssyncadd.s32 $0xFFFFC000  }
0xce: {  	[tilespmem:s13], [sflag:$0x2] =	stream.indirect.gather [hbm4b:s3+s11], $0x80, s24, s11, $0xb8;
	[tilespmem:$0x1E0C0] =	vst v63  }
0xcf: {  	_ =	swait.ge [sflag:s17], $0x4000  }
0xd0: {  	[sflag:s17] =	ssyncset.done $0x0  }
0xd1: {  	s25 =	simm.s32 $0x1700;
	[sflag:s17] =	ssyncadd.s32 $0xFFFFC000  }
0xd2: {  	[spmem:s1] =	stream.indirect.scatter.add.f32 [tilespmem:s16], [sflag:$0x3], $0x80, s25, s11, $0xb8;
	[tilespmem:$0x1E0C0] =	vst v63  }
0xd3: {  	_ =	swait.ge [sflag:s14], $0x4000  }
0xd4: {  	[sflag:s14] =	ssyncset.done $0x0  }
0xd5: {  	s26 =	simm.s32 $0x800;
	[sflag:s14] =	ssyncadd.s32 $0xFFFFC000  }
0xd6: {  	[tilespmem:s16], [sflag:$0x1] =	stream.indirect.gather [hbm4b:s3+s11], $0x80, s26, s11, $0xb8;
	[tilespmem:$0x1E0C0] =	vst v63  }
0xd7: {  	_ =	swait.ge [sflag:s19], $0x4000  }
0xd8: {  	[sflag:s19] =	ssyncset.done $0x0  }
0xd9: {  	s23 =	simm.s32 $0x1780;
	[sflag:s19] =	ssyncadd.s32 $0xFFFFC000  }
0xda: {  	[spmem:s1] =	stream.indirect.scatter.add.f32 [tilespmem:s13], [sflag:$0x3], $0x80, s23, s11, $0xb8;
	[tilespmem:$0x1E0C0] =	vst v63  }
0xdb: {  	_ =	swait.ge [sflag:s14], $0x4000  }
0xdc: {  	[sflag:s14] =	ssyncset.done $0x0  }
0xdd: {  	s24 =	simm.s32 $0x880;
	[sflag:s14] =	ssyncadd.s32 $0xFFFFC000  }
0xde: {  	[tilespmem:s13], [sflag:$0x2] =	stream.indirect.gather [hbm4b:s3+s11], $0x80, s24, s11, $0xb8;
	[tilespmem:$0x1E0C0] =	vst v63  }
0xdf: {  	_ =	swait.ge [sflag:s17], $0x4000  }
0xe0: {  	[sflag:s17] =	ssyncset.done $0x0  }
0xe1: {  	s25 =	simm.s32 $0x1800;
	[sflag:s17] =	ssyncadd.s32 $0xFFFFC000  }
0xe2: {  	[spmem:s1] =	stream.indirect.scatter.add.f32 [tilespmem:s16], [sflag:$0x3], $0x80, s25, s11, $0xb8;
	[tilespmem:$0x1E0C0] =	vst v63  }
0xe3: {  	_ =	swait.ge [sflag:s14], $0x4000  }
0xe4: {  	[sflag:s14] =	ssyncset.done $0x0  }
0xe5: {  	s26 =	simm.s32 $0x900;
	[sflag:s14] =	ssyncadd.s32 $0xFFFFC000  }
0xe6: {  	[tilespmem:s16], [sflag:$0x1] =	stream.indirect.gather [hbm4b:s3+s11], $0x80, s26, s11, $0xb8;
	[tilespmem:$0x1E0C0] =	vst v63  }
0xe7: {  	_ =	swait.ge [sflag:s19], $0x4000  }
0xe8: {  	[sflag:s19] =	ssyncset.done $0x0  }
0xe9: {  	s23 =	simm.s32 $0x1880;
	[sflag:s19] =	ssyncadd.s32 $0xFFFFC000  }
0xea: {  	[spmem:s1] =	stream.indirect.scatter.add.f32 [tilespmem:s13], [sflag:$0x3], $0x80, s23, s11, $0xb8;
	[tilespmem:$0x1E0C0] =	vst v63  }
0xeb: {  	_ =	swait.ge [sflag:s14], $0x4000  }
0xec: {  	[sflag:s14] =	ssyncset.done $0x0  }
0xed: {  	s24 =	simm.s32 $0x980;
	[sflag:s14] =	ssyncadd.s32 $0xFFFFC000  }
0xee: {  	[tilespmem:s13], [sflag:$0x2] =	stream.indirect.gather [hbm4b:s3+s11], $0x80, s24, s11, $0xb8;
	[tilespmem:$0x1E0C0] =	vst v63  }
0xef: {  	_ =	swait.ge [sflag:s17], $0x4000  }
0xf0: {  	[sflag:s17] =	ssyncset.done $0x0  }
0xf1: {  	s25 =	simm.s32 $0x1900;
	[sflag:s17] =	ssyncadd.s32 $0xFFFFC000  }
0xf2: {  	[spmem:s1] =	stream.indirect.scatter.add.f32 [tilespmem:s16], [sflag:$0x3], $0x80, s25, s11, $0xb8;
	[tilespmem:$0x1E0C0] =	vst v63  }
0xf3: {  	_ =	swait.ge [sflag:s14], $0x4000  }
0xf4: {  	[sflag:s14] =	ssyncset.done $0x0  }
0xf5: {  	s26 =	simm.s32 $0xA00;
	[sflag:s14] =	ssyncadd.s32 $0xFFFFC000  }
0xf6: {  	[tilespmem:s16], [sflag:$0x1] =	stream.indirect.gather [hbm4b:s3+s11], $0x80, s26, s11, $0xb8;
	[tilespmem:$0x1E0C0] =	vst v63  }
0xf7: {  	_ =	swait.ge [sflag:s19], $0x4000  }
0xf8: {  	[sflag:s19] =	ssyncset.done $0x0  }
0xf9: {  	s23 =	simm.s32 $0x1980;
	[sflag:s19] =	ssyncadd.s32 $0xFFFFC000  }
0xfa: {  	[spmem:s1] =	stream.indirect.scatter.add.f32 [tilespmem:s13], [sflag:$0x3], $0x80, s23, s11, $0xb8;
	[tilespmem:$0x1E0C0] =	vst v63  }
0xfb: {  	_ =	swait.ge [sflag:s14], $0x4000  }
0xfc: {  	[sflag:s14] =	ssyncset.done $0x0  }
0xfd: {  	s24 =	simm.s32 $0xA80;
	[sflag:s14] =	ssyncadd.s32 $0xFFFFC000  }
0xfe: {  	[tilespmem:s13], [sflag:$0x2] =	stream.indirect.gather [hbm4b:s3+s11], $0x80, s24, s11, $0xb8;
	[tilespmem:$0x1E0C0] =	vst v63  }
0xff: {  	_ =	swait.ge [sflag:s17], $0x4000  }
0x100: {  	[sflag:s17] =	ssyncset.done $0x0  }
0x101: {  	s25 =	simm.s32 $0x1A00;
	[sflag:s17] =	ssyncadd.s32 $0xFFFFC000  }
0x102: {  	[spmem:s1] =	stream.indirect.scatter.add.f32 [tilespmem:s16], [sflag:$0x3], $0x80, s25, s11, $0xb8;
	[tilespmem:$0x1E0C0] =	vst v63  }
0x103: {  	_ =	swait.ge [sflag:s14], $0x4000  }
0x104: {  	[sflag:s14] =	ssyncset.done $0x0  }
0x105: {  	s26 =	simm.s32 $0xB00;
	[sflag:s14] =	ssyncadd.s32 $0xFFFFC000  }
0x106: {  	[tilespmem:s16], [sflag:$0x1] =	stream.indirect.gather [hbm4b:s3+s11], $0x80, s26, s11, $0xb8;
	[tilespmem:$0x1E0C0] =	vst v63  }
0x107: {  	_ =	swait.ge [sflag:s19], $0x4000  }
0x108: {  	[sflag:s19] =	ssyncset.done $0x0  }
0x109: {  	s23 =	simm.s32 $0x1A80;
	[sflag:s19] =	ssyncadd.s32 $0xFFFFC000  }
0x10a: {  	[spmem:s1] =	stream.indirect.scatter.add.f32 [tilespmem:s13], [sflag:$0x3], $0x80, s23, s11, $0xb8;
	[tilespmem:$0x1E0C0] =	vst v63  }
0x10b: {  	_ =	swait.ge [sflag:s14], $0x4000  }
0x10c: {  	[sflag:s14] =	ssyncset.done $0x0  }
0x10d: {  	s24 =	simm.s32 $0xB80;
	[sflag:s14] =	ssyncadd.s32 $0xFFFFC000  }
0x10e: {  	[tilespmem:s13], [sflag:$0x2] =	stream.indirect.gather [hbm4b:s3+s11], $0x80, s24, s11, $0xb8;
	[tilespmem:$0x1E0C0] =	vst v63  }
0x10f: {  	_ =	swait.ge [sflag:s17], $0x4000  }
0x110: {  	[sflag:s17] =	ssyncset.done $0x0  }
0x111: {  	s25 =	simm.s32 $0x1B00;
	[sflag:s17] =	ssyncadd.s32 $0xFFFFC000  }
0x112: {  	[spmem:s1] =	stream.indirect.scatter.add.f32 [tilespmem:s16], [sflag:$0x3], $0x80, s25, s11, $0xb8;
	[tilespmem:$0x1E0C0] =	vst v63  }
0x113: {  	_ =	swait.ge [sflag:s14], $0x4000  }
0x114: {  	[sflag:s14] =	ssyncset.done $0x0  }
0x115: {  	s26 =	simm.s32 $0xC00;
	[sflag:s14] =	ssyncadd.s32 $0xFFFFC000  }
0x116: {  	[tilespmem:s16], [sflag:$0x1] =	stream.indirect.gather [hbm4b:s3+s11], $0x80, s26, s11, $0xb8;
	[tilespmem:$0x1E0C0] =	vst v63  }
0x117: {  	_ =	swait.ge [sflag:s19], $0x4000  }
0x118: {  	[sflag:s19] =	ssyncset.done $0x0  }
0x119: {  	s23 =	simm.s32 $0x1B80;
	[sflag:s19] =	ssyncadd.s32 $0xFFFFC000  }
0x11a: {  	[spmem:s1] =	stream.indirect.scatter.add.f32 [tilespmem:s13], [sflag:$0x3], $0x80, s23, s11, $0xb8;
	[tilespmem:$0x1E0C0] =	vst v63  }
0x11b: {  	_ =	swait.ge [sflag:s14], $0x4000  }
0x11c: {  	[sflag:s14] =	ssyncset.done $0x0  }
0x11d: {  	s24 =	simm.s32 $0xC80;
	[sflag:s14] =	ssyncadd.s32 $0xFFFFC000  }
0x11e: {  	[tilespmem:s13], [sflag:$0x2] =	stream.indirect.gather [hbm4b:s3+s11], $0x80, s24, s11, $0xb8;
	[tilespmem:$0x1E0C0] =	vst v63  }
0x11f: {  	_ =	swait.ge [sflag:s17], $0x4000  }
0x120: {  	[sflag:s17] =	ssyncset.done $0x0  }
0x121: {  	s25 =	simm.s32 $0x1C00;
	[sflag:s17] =	ssyncadd.s32 $0xFFFFC000  }
0x122: {  	[spmem:s1] =	stream.indirect.scatter.add.f32 [tilespmem:s16], [sflag:$0x3], $0x80, s25, s11, $0xb8;
	[tilespmem:$0x1E0C0] =	vst v63  }
0x123: {  	_ =	swait.ge [sflag:s14], $0x4000  }
0x124: {  	[sflag:s14] =	ssyncset.done $0x0  }
0x125: {  	s26 =	simm.s32 $0xD00;
	[sflag:s14] =	ssyncadd.s32 $0xFFFFC000  }
0x126: {  	[tilespmem:s16], [sflag:$0x1] =	stream.indirect.gather [hbm4b:s3+s11], $0x80, s26, s11, $0xb8;
	[tilespmem:$0x1E0C0] =	vst v63  }
0x127: {  	_ =	swait.ge [sflag:s19], $0x4000  }
0x128: {  	[sflag:s19] =	ssyncset.done $0x0  }
0x129: {  	s23 =	simm.s32 $0x1C80;
	[sflag:s19] =	ssyncadd.s32 $0xFFFFC000  }
0x12a: {  	[spmem:s1] =	stream.indirect.scatter.add.f32 [tilespmem:s13], [sflag:$0x3], $0x80, s23, s11, $0xb8;
	[tilespmem:$0x1E0C0] =	vst v63  }
0x12b: {  	_ =	swait.ge [sflag:s14], $0x4000  }
0x12c: {  	[sflag:s14] =	ssyncset.done $0x0  }
0x12d: {  	s24 =	simm.s32 $0xD80;
	[sflag:s14] =	ssyncadd.s32 $0xFFFFC000  }
0x12e: {  	[tilespmem:s13], [sflag:$0x2] =	stream.indirect.gather [hbm4b:s3+s11], $0x80, s24, s11, $0xb8;
	[tilespmem:$0x1E0C0] =	vst v63  }
0x12f: {  	_ =	swait.ge [sflag:s17], $0x4000  }
0x130: {  	[sflag:s17] =	ssyncset.done $0x0  }
0x131: {  	s25 =	simm.s32 $0x1D00;
	[sflag:s17] =	ssyncadd.s32 $0xFFFFC000  }
0x132: {  	[spmem:s1] =	stream.indirect.scatter.add.f32 [tilespmem:s16], [sflag:$0x3], $0x80, s25, s11, $0xb8;
	[tilespmem:$0x1E0C0] =	vst v63  }
0x133: {  	_ =	swait.ge [sflag:s14], $0x4000  }
0x134: {  	[sflag:s14] =	ssyncset.done $0x0  }
0x135: {  	s26 =	simm.s32 $0xE00;
	[sflag:s14] =	ssyncadd.s32 $0xFFFFC000  }
0x136: {  	[tilespmem:s16], [sflag:$0x1] =	stream.indirect.gather [hbm4b:s3+s11], $0x80, s26, s11, $0xb8;
	[tilespmem:$0x1E0C0] =	vst v63  }
0x137: {  	_ =	swait.ge [sflag:s19], $0x4000  }
0x138: {  	[sflag:s19] =	ssyncset.done $0x0  }
0x139: {  	[sflag:s19] =	ssyncadd.s32 $0xFFFFC000  }
0x13a: {  	[spmem:s1] =	stream.indirect.scatter.add.f32 [tilespmem:s13], [sflag:$0x3], $0x80, s28, s11, $0xb8;
	[tilespmem:$0x1E0C0] =	vst v63  }
0x13b: {  	_ =	swait.ge [sflag:s14], $0x4000  }
0x13c: {  	[sflag:s14] =	ssyncset.done $0x0  }
0x13d: {  	[sflag:s14] =	ssyncadd.s32 $0xFFFFC000  }
0x13e: {  	[tilespmem:s13], [sflag:$0x2] =	stream.indirect.gather [hbm4b:s3+s11], $0x80, s29, s11, $0xb8;
	[tilespmem:$0x1E0C0] =	vst v63  }
0x13f: {  	_ =	swait.ge [sflag:s17], $0x4000  }
0x140: {  	[sflag:s17] =	ssyncset.done $0x0  }
0x141: {  	[sflag:s17] =	ssyncadd.s32 $0xFFFFC000  }
0x142: {  	[spmem:s1] =	stream.indirect.scatter.add.f32 [tilespmem:s16], [sflag:$0x3], $0x80, s30, s11, $0xb8;
	[tilespmem:$0x1E0C0] =	vst v63  }
0x143: {  	_ =	swait.ge [sflag:s14], $0x4000  }
0x144: {  	[sflag:s14] =	ssyncset.done $0x0  }
0x145: {  	[sflag:s14] =	ssyncadd.s32 $0xFFFFC000  }
0x146: {  	[tilespmem:s16], [sflag:$0x1] =	stream.indirect.gather [hbm4b:s3+s11], $0x80, s31, s11, $0xb8;
	[tilespmem:$0x1E0C0] =	vst v63  }
0x147: {  	_ =	swait.ge [sflag:s19], $0x4000  }
0x148: {  	[sflag:s19] =	ssyncset.done $0x0  }
0x149: {  	[sflag:s19] =	ssyncadd.s32 $0xFFFFC000  }
0x14a: {  	[spmem:s1] =	stream.indirect.scatter.add.f32 [tilespmem:s13], [sflag:$0x3], $0x80, s0, s11, $0xb8;
	[tilespmem:$0x1E0C0] =	vst v63  }
0x14b: {  	_ =	swait.ge [sflag:s14], $0x4000  }
0x14c: {  	[sflag:s14] =	ssyncset.done $0x0  }
0x14d: {  	[sflag:s14] =	ssyncadd.s32 $0xFFFFC000  }
0x14e: {  	[tilespmem:s13], [sflag:$0x2] =	stream.indirect.gather [hbm4b:s3+s11], $0x80, s8, s11, $0xb8;
	[tilespmem:$0x1E0C0] =	vst v63  }
0x14f: {  	_ =	swait.ge [sflag:s17], $0x4000  }
0x150: {  	[sflag:s17] =	ssyncset.done $0x0  }
0x151: {  	[sflag:s17] =	ssyncadd.s32 $0xFFFFC000  }
0x152: {  	[spmem:s1] =	stream.indirect.scatter.add.f32 [tilespmem:s16], [sflag:$0x3], $0x80, s9, s11, $0xb8;
	[tilespmem:$0x1E0C0] =	vst v63  }
0x153: {  	_ =	swait.ge [sflag:s14], $0x4000  }
0x154: {  	[sflag:s14] =	ssyncset.done $0x0  }
0x155: {  	[sflag:s14] =	ssyncadd.s32 $0xFFFFC000  }
0x156: {  	s21 =	sadd.s32 $0x1, s21;
	_ =	swait.ge [sflag:s19], $0x4000  }
0x157: {  	p1 =	sne.s32 s21, $0x5;
	[sflag:s19] =	ssyncset.done $0x0  }
.Ltmp3:
0x158: {  	[sflag:s19] =	ssyncadd.s32 $0xFFFFC000;
	(pc) =	sbr.rel @p1 .LBB2_6-.Ltmp3, $4  }
0x159: {  	[spmem:s1] =	stream.indirect.scatter.add.f32 [tilespmem:s13], [sflag:$0x3], $0x80, s18, s11, $0xb8;
	[tilespmem:$0x1E0C0] =	vst v63  }
0x15a: {  	_ =	swait.ge [sflag:s14], $0x4000  }
0x15b: {  	[sflag:s14] =	ssyncset.done $0x0  }
0x15c: {  	[sflag:s14] =	ssyncadd.s32 $0xFFFFC000  }
0x15d: {  	[bflag:$0x0] =	sbarrier.arrive $0xFFFF;
	s20 =	sadd.s32 $0x0, s10  }
0x15e: {  	[tilespmem:s12], [sflag:$0x3] =	stream.linear.gather [hbm4b:s20+s2], $0x80, $0x38;
	[tilespmem:$0x1E0C0] =	vst v63  }
0x15f: {  	_ =	swait.ge [sflag:s14], $0x80  }
0x160: {  	[sflag:s14] =	ssyncset.done $0x0  }
0x161: {  	[sflag:s14] =	ssyncadd.s32 $0xFFFFFF80  }
0x162: {  	v3 =	vld [tilespmem:$0xA050]  }
0x163: {  	v4 =	vld [tilespmem:$0xA030]  }
0x164: {  	v5 =	vld [tilespmem:$0xA020]  }
0x165: {  	v6 =	vld [tilespmem:$0xA010]  }
0x166: {  	v7 =	vld [tilespmem:$0xA040]  }
0x167: {  	v8 =	vld [tilespmem:$0xA000];
	v3 =	vsub.s32 v3, v0  }
0x168: {  	v9 =	vld [tilespmem:$0xA060];
	v4 =	vsub.s32 v4, v0;
	v3 =	vmin.u32 v3, $0x2800  }
0x169: {  	v10 =	vld [tilespmem:$0xA070];
	v5 =	vsub.s32 v5, v0;
	v4 =	vmin.u32 v4, $0x2800;
	[tilespmem:$0xA050] =	vst v3  }
0x16a: {  	v5 =	vmin.u32 v5, $0x2800;
	v3 =	vsub.s32 v6, v0;
	[tilespmem:$0xA030] =	vst v4  }
0x16b: {  	[tilespmem:$0xA020] =	vst v5;
	v4 =	vsub.s32 v7, v0;
	v3 =	vmin.u32 v3, $0x2800  }
0x16c: {  	v5 =	vsub.s32 v8, v0;
	[tilespmem:$0xA010] =	vst v3;
	v3 =	vmin.u32 v4, $0x2800  }
0x16d: {  	s21 =	rddreg [dreg:$0x4];
	v4 =	vmin.u32 v5, $0x2800;
	[tilespmem:$0xA040] =	vst v3;
	v3 =	vsub.s32 v9, v0  }
0x16e: {  	s20 =	simm.s32 $0x10;
	s22 =	smov.u32 s21;
	[tilespmem:$0xA000] =	vst v4;
	v4 =	vsub.s32 v10, v0;
	v3 =	vmin.u32 v3, $0x2800  }
.LBB2_10:
0x16f: {  	p1 =	sne.s32 s20, $0x30  }
0x170: {  	[tilespmem:$0xA060] =	vst v3;
	v3 =	vmin.u32 v4, $0x2800;
	s22 =	sadd.s32 $0x800, s22;
	s23 =	smov.u32 s20;
	s20 =	sadd.s32 $0x10, s20  }
0x171: {  	[tilespmem:$0xA070] =	vst v3  }
0x172: {  	[tilespmem:s13], [sflag:$0x2] =	stream.indirect.gather [spmem:s1], $0x80, s12, s11, $0xb8;
	[tilespmem:$0x1E0C0] =	vst v63  }
0x173: {  	_ =	swait.ge [sflag:s19], $0x4000  }
0x174: {  	[sflag:s19] =	ssyncset.done $0x0  }
0x175: {  	[sflag:s19] =	ssyncadd.s32 $0xFFFFC000  }
0x176: {  	[hbm4b:s21+s2] =	stream.linear.scatter [tilespmem:s13], [sflag:$0x3], $0x4000, $0x38;
	[tilespmem:$0x1E0C0] =	vst v63  }
0x177: {  	s23 =	sadd.s32 s23, s10;
	s21 =	smov.u32 s22;
	_ =	swait.ge [sflag:s14], $0x4000  }
0x178: {  	[sflag:s14] =	ssyncset.done $0x0  }
0x179: {  	[sflag:s14] =	ssyncadd.s32 $0xFFFFC000  }
0x17a: {  	[tilespmem:s12], [sflag:$0x3] =	stream.linear.gather [hbm4b:s23+s2], $0x80, $0x38;
	[tilespmem:$0x1E0C0] =	vst v63  }
0x17b: {  	_ =	swait.ge [sflag:s14], $0x80  }
0x17c: {  	[sflag:s14] =	ssyncset.done $0x0  }
0x17d: {  	[sflag:s14] =	ssyncadd.s32 $0xFFFFFF80  }
0x17e: {  	v3 =	vld [tilespmem:$0xA050]  }
0x17f: {  	v4 =	vld [tilespmem:$0xA030]  }
0x180: {  	v5 =	vld [tilespmem:$0xA020]  }
0x181: {  	v6 =	vld [tilespmem:$0xA010]  }
0x182: {  	v7 =	vld [tilespmem:$0xA040]  }
0x183: {  	v8 =	vld [tilespmem:$0xA000];
	v3 =	vsub.s32 v3, v0  }
0x184: {  	v4 =	vsub.s32 v4, v0;
	v3 =	vmin.u32 v3, $0x2800;
	v9 =	vld [tilespmem:$0xA060]  }
0x185: {  	v5 =	vsub.s32 v5, v0;
	v4 =	vmin.u32 v4, $0x2800;
	[tilespmem:$0xA050] =	vst v3;
	v10 =	vld [tilespmem:$0xA070]  }
.Ltmp4:
0x186: {  	v3 =	vsub.s32 v6, v0;
	v5 =	vmin.u32 v5, $0x2800;
	[tilespmem:$0xA030] =	vst v4;
	(pc) =	sbr.rel @p1 .LBB2_10-.Ltmp4, $4  }
0x187: {  	v3 =	vmin.u32 v3, $0x2800;
	[tilespmem:$0xA020] =	vst v5;
	v4 =	vsub.s32 v7, v0  }
0x188: {  	v5 =	vsub.s32 v8, v0;
	[tilespmem:$0xA010] =	vst v3;
	v3 =	vmin.u32 v4, $0x2800  }
0x189: {  	v4 =	vmin.u32 v5, $0x2800;
	[tilespmem:$0xA040] =	vst v3;
	v3 =	vsub.s32 v9, v0  }
0x18a: {  	[tilespmem:$0xA000] =	vst v4;
	v3 =	vmin.u32 v3, $0x2800;
	v4 =	vsub.s32 v10, v0  }
0x18b: {  	[tilespmem:$0xA060] =	vst v3;
	v3 =	vmin.u32 v4, $0x2800  }
0x18c: {  	[tilespmem:$0xA070] =	vst v3  }
0x18d: {  	[tilespmem:s13], [sflag:$0x2] =	stream.indirect.gather [spmem:s1], $0x80, s12, s11, $0xb8;
	[tilespmem:$0x1E0C0] =	vst v63  }
0x18e: {  	_ =	swait.ge [sflag:s19], $0x4000  }
0x18f: {  	[sflag:s19] =	ssyncset.done $0x0  }
0x190: {  	[sflag:s19] =	ssyncadd.s32 $0xFFFFC000  }
0x191: {  	[hbm4b:s21+s2] =	stream.linear.scatter [tilespmem:s13], [sflag:$0x3], $0x4000, $0x38;
	[tilespmem:$0x1E0C0] =	vst v63  }
0x192: {  	_ =	swait.ge [sflag:s14], $0x4000  }
0x193: {  	s26 =	rddreg [dreg:$0x5]  }
0x194: {  	s20 =	rddreg [dreg:$0x3];
	s21 =	sadd.s32 $0x1, s26  }
0x195: {  	p1 =	sne.s32 s21, s20  }
.Ltmp5:
0x196: {  	_ = 	snop;
	(pc) =	sbr.rel @p1 .LBB2_1-.Ltmp5, $3  }
0x197: {  	_ =	sdelay $0x1  }
0x198: {  	[sflag:s14] =	ssyncset.done $0x0  }
0x199: {  	[sflag:s14] =	ssyncadd.s32 $0xFFFFC000  }
0x19a: {  	_ =	sfence.sel $0x180000  }
0x19b: {  	[bflag:$0x0] =	sbarrier.arrive $0xFFFF  }
0x19c: {  	_ =	strace $0x9000004A  }
0x19d: {  	[bflag:$0x2] =	sbarrier.arrive $0xFFFF  }
0x19e: {  	s0 =	rddreg [dreg:$0x2]  }
0x19f: {  	s0 =	sadd.s32 @!p0 $0x100000, s0  }
0x1a0: {  	[sflag:s0] =	ssyncadd.tile.s32 @!p0 $0x1;
	_ =	shalt  }
.Lfunc_end2:
_tile_overlayer_lowered:
.L_overlay_start_2:
0x1a1: {  	(tag) =	ssettag $0x2  }
0x1a2: {  	s0 =	rddreg [dreg:$0x0];
	s2 =	stileid.u32  }
0x1a3: {  	s1 =	rddreg [dreg:$0x1];
	p0 =	sne.s32 s2, $0x0  }
0x1a4: {  	s3 =	rddreg [dreg:$0x2];
	[bflag:$0x3] =	sbarrier.arrive $0xFFFF;
	s2 =	simm.s32 @!p0 $0x1C03  }
0x1a5: {  	[timem:s3], [sflag:s2] =	dma.local @!p0 [hbm:s0], s1  }
0x1a6: {  	s0 =	simm.s32 @!p0 $0x3  }
0x1a7: {  	_ =	swait.ge @!p0 [sflag:s0], s1  }
0x1a8: {  	s1 =	ssub.s32 @!p0 $0x0, s1;
	[sflag:s0] =	ssyncset.done @!p0 $0x0  }
0x1a9: {  	[sflag:s0] =	ssyncadd.s32 @!p0 s1  }
0x1aa: {  	[bflag:$0x3] =	sbarrier.arrive $0xFFFF  }
0x1ab: {  	_ =	shalt  }

// kernel: kernel.13.cloned.1.call-start
scs
__scs_entry_jumppad:
0x0: {  	(pc) =	sbr.rel $0x88, $3  }
0x1: {  	(tag) =	ssettag $0x0;
	lr =	simm.s32 $0x1  }
0x2: {  	[smem:$0x3F96] =	sst lr;
	_ =	strace $0xD0000000  }
0x3: {  	_ = 	snop  }
0x4: {  	_ = 	snop  }
0x5: {  	_ = 	snop  }
0x6: {  	_ = 	snop  }
0x7: {  	_ = 	snop  }
__scs_overlays_trampoline_lowered:
0x8: {  	[smem:$0x3FA5] =	sst s0  }
0x9: {  	[smem:$0x3FA6] =	sst s1  }
0xa: {  	[smem:$0x3FA7] =	sst s2  }
0xb: {  	[smem:$0x3FA8] =	sst s3  }
0xc: {  	[smem:$0x3FA9] =	sst s4  }
0xd: {  	[smem:$0x3FAA] =	sst s5  }
0xe: {  	[smem:$0x3FAB] =	sst s6  }
0xf: {  	[smem:$0x3FAC] =	sst s7  }
0x10: {  	[smem:$0x3FAD] =	sst s8  }
0x11: {  	[smem:$0x3FAE] =	sst s9;
	s0 =	simm.s32 @!p0 $0x0  }
0x12: {  	s1 =	sld [smem:$0x3F94];
	s0 =	simm.s32 @p0 $0x1  }
0x13: {  	[smem:$0x3FAF] =	sst s0;
	s0 =	simm.s32 @!p1 $0x0  }
0x14: {  	s2 =	sld [smem:$0x3F93];
	s0 =	simm.s32 @p1 $0x1  }
0x15: {  	[smem:$0x3FB0] =	sst s0;
	s0 =	simm.s32 @!p2 $0x0  }
0x16: {  	s3 =	sld [smem:$0x3FDB];
	s0 =	simm.s32 @p2 $0x1  }
0x17: {  	s4 =	simm.s32 $0x1BF5;
	[smem:$0x3FB2] =	sst s0  }
0x18: {  	s0 =	sld [smem:$0x3F95];
	_ =	swait.ge [sflag:s4], $0x0  }
0x19: {  	s7 =	sld [smem:$0x3F96]  }
0x1a: {  	s8 =	sadd.s32 $0xFFFFE003, lr  }
0x1b: {  	s9 =	sadd.s32 $0xFFFFFEF7, lr;
	s5 =	simm.s32 $0xFFFFFFFF;
	p2 =	slt.u32 s8, $0xFFFFF086  }
0x1c: {  	p1 =	slt.u32 s9, $0xF7A;
	s5 =	simm.s32 @!p2 $0x0  }
0x1d: {  	s5 =	simm.s32 @p1 $0x1;
	p0 =	seq.s32 s7, s2  }
0x1e: {  	s7 =	smul.u32 @!p0 $0xF7A, s2;
	p2 =	seq.s32 @!p0 s5, $0x0  }
0x1f: {  	s9 =	smul.u32 $0xF7A, s1;
	s8 =	simm.s32 @!p0 $0x1BF5;
	p2 =	por !p2, p0  }
0x20: {  	[sflag:s8] =	ssyncset.s32 @!p0 $0xFFFFF086;
	s6 =	sadd.s32 @!p0 s3, s7;
	s7 =	simm.s32 @!p0 $0x108  }
0x21: {  	s3 =	sadd.s32 s3, s9;
	s6 =	sadd.s32 @!p0 $0x88, s6;
	s7 =	simm.s32 @p2 $0x1082  }
0x22: {  	[simem:s7], [sflag:s8] =	dma.local @!p0 [hbm:s6], $0xF7A  }
0x23: {  	s9 =	sor.u32 $0xD0000000, s2;
	s6 =	simm.s32 $0x108;
	_ =	swait.ge @!p0 [sflag:s8], $0x0  }
0x24: {  	s3 =	sadd.s32 $0x88, s3;
	s6 =	simm.s32 @!p1 $0x1082;
	[sflag:s4] =	ssyncset.s32 $0xFFFFF086  }
0x25: {  	[simem:s6], [sflag:s4] =	dma.local [hbm:s3], $0xF7A  }
0x26: {  	[smem:$0x3F96] =	sst s1;
	(tag) =	ssettag s2;
	_ =	strace s9  }
0x27: {  	s1 =	sld [smem:$0x3FA6]  }
0x28: {  	s2 =	sld [smem:$0x3FA7]  }
0x29: {  	s4 =	sld [smem:$0x3FA9]  }
0x2a: {  	p0 =	seq.s32 s5, $0x0;
	s5 =	sld [smem:$0x3FAA]  }
0x2b: {  	s6 =	sld [smem:$0x3FAB]  }
0x2c: {  	s7 =	sld [smem:$0x3FAC]  }
0x2d: {  	s3 =	simm.s32 $0x108;
	s8 =	sld [smem:$0x3FAD]  }
0x2e: {  	s3 =	simm.s32 @!p0 $0x1082;
	s9 =	sld [smem:$0x3FAE]  }
0x2f: {  	lr =	sadd.s32 s0, s3;
	s0 =	sld [smem:$0x3FA5]  }
0x30: {  	s3 =	sld [smem:$0x3FA8]  }
0x31: {  	[smem:$0x3FB1] =	sst s10  }
0x32: {  	s10 =	sld [smem:$0x3FAF];
	_ =	sdelay $0x3  }
0x33: {  	p0 =	seq.s32 s10, $0x1;
	s10 =	sld [smem:$0x3FB1];
	_ =	sdelay $0x3  }
0x34: {  	[smem:$0x3FB1] =	sst s10  }
0x35: {  	s10 =	sld [smem:$0x3FB0];
	_ =	sdelay $0x3  }
0x36: {  	p1 =	seq.s32 s10, $0x1;
	s10 =	sld [smem:$0x3FB1];
	_ =	sdelay $0x3  }
0x37: {  	[smem:$0x3FB1] =	sst s10  }
0x38: {  	s10 =	sld [smem:$0x3FB2]  }
0x39: {  	_ = 	snop;
	(pc) =	sbr.ind lr, $3  }
0x3a: {  	_ = 	snop  }
0x3b: {  	_ = 	snop  }
0x3c: {  	p2 =	seq.s32 s10, $0x1;
	s10 =	sld [smem:$0x3FB1]  }
0x3d: {  	_ =	shalt  }
0x3e: {  	_ =	shalt  }
0x3f: {  	_ =	shalt  }
0x40: {  	_ =	shalt  }
0x41: {  	_ =	shalt  }
0x42: {  	_ =	shalt  }
0x43: {  	_ =	shalt  }
0x44: {  	_ =	shalt  }
0x45: {  	_ =	shalt  }
0x46: {  	_ =	shalt  }
0x47: {  	_ =	shalt  }
0x48: {  	_ =	shalt  }
0x49: {  	_ =	shalt  }
0x4a: {  	_ =	shalt  }
0x4b: {  	_ =	shalt  }
0x4c: {  	_ =	shalt  }
0x4d: {  	_ =	shalt  }
0x4e: {  	_ =	shalt  }
0x4f: {  	_ =	shalt  }
0x50: {  	_ =	shalt  }
0x51: {  	_ =	shalt  }
0x52: {  	_ =	shalt  }
0x53: {  	_ =	shalt  }
0x54: {  	_ =	shalt  }
0x55: {  	_ =	shalt  }
0x56: {  	_ =	shalt  }
0x57: {  	_ =	shalt  }
0x58: {  	_ =	shalt  }
0x59: {  	_ =	shalt  }
0x5a: {  	_ =	shalt  }
0x5b: {  	_ =	shalt  }
0x5c: {  	_ =	shalt  }
0x5d: {  	_ =	shalt  }
0x5e: {  	_ =	shalt  }
0x5f: {  	_ =	shalt  }
0x60: {  	_ =	shalt  }
0x61: {  	_ =	shalt  }
0x62: {  	_ =	shalt  }
0x63: {  	_ =	shalt  }
0x64: {  	_ =	shalt  }
0x65: {  	_ =	shalt  }
0x66: {  	_ =	shalt  }
0x67: {  	_ =	shalt  }
0x68: {  	_ =	shalt  }
0x69: {  	_ =	shalt  }
0x6a: {  	_ =	shalt  }
0x6b: {  	_ =	shalt  }
0x6c: {  	_ =	shalt  }
0x6d: {  	_ =	shalt  }
0x6e: {  	_ =	shalt  }
0x6f: {  	_ =	shalt  }
0x70: {  	_ =	shalt  }
0x71: {  	_ =	shalt  }
0x72: {  	_ =	shalt  }
0x73: {  	_ =	shalt  }
0x74: {  	_ =	shalt  }
0x75: {  	_ =	shalt  }
0x76: {  	_ =	shalt  }
0x77: {  	_ =	shalt  }
0x78: {  	_ =	shalt  }
0x79: {  	_ =	shalt  }
0x7a: {  	_ =	shalt  }
0x7b: {  	_ =	shalt  }
0x7c: {  	_ =	shalt  }
0x7d: {  	_ =	shalt  }
0x7e: {  	_ =	shalt  }
0x7f: {  	_ =	shalt  }
0x80: {  	_ =	shalt  }
0x81: {  	_ =	shalt  }
0x82: {  	_ =	shalt  }
0x83: {  	_ =	shalt  }
0x84: {  	_ =	shalt  }
0x85: {  	_ =	shalt  }
0x86: {  	_ =	shalt  }
0x87: {  	_ =	shalt  }
.Lfunc_end0:
.L_simem_size_0:
called_computation.2_lowered:
.L_overlay_start_0:
0x88: {  	s2 =	sld [smem:$0x3FD9]  }
0x89: {  	s3 =	sld [smem:$0x3FFE];
	_ =	sdelay $0x1  }
0x8a: {  	s1 =	srdreg.scid  }
0x8b: {  	s0 =	sand.u32 $0x1, s1  }
0x8c: {  	s17 =	sshll.u32 s0, $0xA;
	s2 =	sadd.s32 s3, s2  }
0x8d: {  	s2 =	sadd.s32 s2, s17  }
0x8e: {  	[smem:$0x3FBD] =	sst s2  }
0x8f: {  	_ = 	snop  }
0x90: {  	(tm) =	ssettm $0x1  }
0x91: {  	s18 =	sld [smem:$0x3FFB];
	_ =	sdelay $0x3  }
0x92: {  	_ =	strace s18  }
0x93: {  	s2 =	sld [smem:$0x3FFC];
	_ =	sdelay $0x3  }
0x94: {  	_ =	strace s2  }
0x95: {  	s2 =	sld [smem:$0x3FFD];
	_ =	sdelay $0x3  }
0x96: {  	_ =	strace s2  }
0x97: {  	_ =	strace $0x8FFFFFFF  }
0x98: {  	s19 =	sld [smem:$0x3FDB];
	_ =	sdelay $0x1  }
0x99: {  	s20 =	simm.s32 $_scs_section_size  }
0x9a: {  	s4 =	simm.s32 $_size__tile_overlayer_lowered;
	s5 =	simm.s32 $_tile_overlayer_lowered  }
0x9b: {  	s6 =	simm.s32 $0x1BFF;
	s21 =	sshll.u32 s5, $0x1;
	s3 =	sadd.s32 s20, s19  }
0x9c: {  	s22 =	simm.s32 $0x0;
	s4 =	sshll.u32 s4, $0x1;
	s5 =	sadd.s32 s21, s3  }
0x9d: {  	[timem:s22], [sflag:s6] =	dma.local [hbm:s5], s4  }
0x9e: {  	_ =	swait.ge [sflag:s6], s4  }
0x9f: {  	s4 =	ssub.s32 $0x0, s4;
	[sflag:s6] =	ssyncset.done $0x0  }
0xa0: {  	[sflag:s6] =	ssyncadd.s32 s4;
	_ =	sdelay $0x1  }
0xa1: {  	s23 =	simm.s32 $0x1B8B  }
0xa2: {  	_ =	swait.ge [sflag:s23], $0x1  }
0xa3: {  	[sflag:s23] =	ssyncset.done $0x0  }
0xa4: {  	[sflag:s23] =	ssyncadd.s32 $0xFFFFFFFF  }
0xa5: {  	s4 =	sld [smem:$0x0]  }
0xa6: {  	s5 =	sand.u32 $0xFFFFFFFE, s1  }
0xa7: {  	p0 =	sne.s32 s1, s5  }
0xa8: {  	s5 =	sshll.u32 @p0 s5, $0xE  }
0xa9: {  	s5 =	sadd.s32 @p0 $0x11B8D, s5;
	s6 =	sshll.u32 @p0 s4, $0x11  }
0xaa: {  	s5 =	sor.u32 @p0 s6, s5  }
0xab: {  	[sflag:s5] =	ssyncadd.remote.s32 @p0 $0x1;
	_ =	sdelay $0x1  }
0xac: {  	s5 =	simm.s32 @p0 $0x1B8D  }
0xad: {  	_ =	swait.eq @p0 [sflag:s5], $0x1  }
0xae: {  	[sflag:s5] =	ssyncadd.s32 @p0 $0xFFFFFFFF  }
0xaf: {  	s6 =	sshll.u32 @!p0 s1, $0xE  }
0xb0: {  	s6 =	sor.u32 @!p0 $0x4000, s6;
	s5 =	simm.s32 @!p0 $0x1B8D  }
0xb1: {  	s4 =	sshll.u32 @!p0 s4, $0x11;
	s6 =	sadd.s32 @!p0 $0x11B8D, s6;
	_ =	swait.eq @!p0 [sflag:s5], $0x1  }
0xb2: {  	s4 =	sor.u32 @!p0 s4, s6;
	[sflag:s5] =	ssyncadd.s32 @!p0 $0xFFFFFFFF  }
0xb3: {  	s25 =	simm.s32 $0x1B8E;
	s24 =	sld [smem:$0x3FFE];
	[sflag:s4] =	ssyncadd.remote.s32 @!p0 $0x1  }
0xb4: {  	s26 =	simm.s32 $execute0_lowered;
	[smem:$0x3FD2] =	sst s25  }
0xb5: {  	s5 =	sshll.u32 s26, $0x1;
	_ =	strace $0x8000004C;
	[dreg:$0x1] =	wrdreg $0xFFFFFFFF  }
0xb6: {  	s28 =	simm.s32 $_size_execute0_lowered;
	s3 =	sadd.s32 s3, s5;
	[dreg:$0x0] =	wrdreg $0x0  }
0xb7: {  	s5 =	sshll.u32 s28, $0x1;
	[dreg:$0x2] =	wrdreg s3  }
0xb8: {  	[dreg:$0x3] =	wrdreg s5  }
0xb9: {  	[dreg:$0x4] =	wrdreg $0xC0  }
0xba: {  	_ =	task [dreg:s22], $0x5FFFF  }
0xbb: {  	[dreg:$0x1] =	wrdreg $0xFFFFFFFF  }
0xbc: {  	[dreg:$0x0] =	wrdreg $0x60  }
0xbd: {  	[dreg:$0x2] =	wrdreg s24  }
0xbe: {  	[dreg:$0x3] =	wrdreg $0xA  }
0xbf: {  	_ =	task.clear_ibuf [dreg:s22], $0x4FFFF;
	_ =	strace $0x9000004C  }
0xc0: {  	s29 =	simm.s32 $0xA;
	_ =	strace $0x8000004E  }
0xc1: {  	_ =	swait.ge [sflag:s29], $0x1  }
0xc2: {  	[sflag:s29] =	ssyncadd.s32 $0xFFFFFFFF  }
0xc3: {  	_ =	strace $0x9000004E  }
0xc4: {  	_ =	sfence  }
0xc5: {  	s30 =	sld [smem:$0x0];
	_ =	sdelay $0x2  }
0xc6: {  	s31 =	sshll.u32 s1, $0xD;
	s1 =	sshrl.u32 s1, $0x2  }
0xc7: {  	s4 =	sand.u32 $0x4000, s31;
	s1 =	sadd.s32 s1, s30  }
0xc8: {  	s0 =	sor.u32 s4, s0;
	s1 =	sshll.u32 s1, $0x11  }
0xc9: {  	s0 =	sor.u32 s1, s0  }
0xca: {  	s0 =	sadd.s32 $0x8F2B, s0  }
0xcb: {  	[sflag:s0] =	ssyncadd.remote.s32 $0x1  }
0xcc: {  	_ =	sfence.sel $0xFFFF  }
0xcd: {  	[dreg:$0x0] =	wrdreg $0xFFFFFFFF;
	(pc) =	sbr.abs _section_cstart, $3  }
0xce: {  	[dreg:$0x1] =	wrdreg $0xFFFFFFFF  }
0xcf: {  	_ =	task.clear_ibuf [dreg:s22], $0x2FFFF;
	_ =	strace $0x9FFFFFFF  }
0xd0: {  	(tm) =	ssettm $0x7FFFFFFF  }
0xd1: {  	_ =	shalt  }
tec
execute0_lowered:
.L_overlay_start_1:
0x0: {  	(tag) =	ssettag $0x1  }
0x1: {  	s1 =	srdreg.scid  }
0x2: {  	s8 =	rddreg [dreg:$0x0];
	s0 =	stileid.u32;
	s10 =	sand.u32 $0x1, s1  }
0x3: {  	s2 =	sshll.u32 s0, $0x6;
	s3 =	sshll.u32 s0, $0x2;
	s4 =	sshll.u32 s10, $0x1  }
0x4: {  	s1 =	rddreg [dreg:$0x1];
	s5 =	sand.u32 $0x380, s2;
	s9 =	sor.u32 s4, s3  }
0x5: {  	s2 =	simm.s32 $0x0;
	s26 =	sadd.s32 s5, s8;
	s4 =	sshll.u32 s9, $0x4  }
0x6: {  	[smem:$0x7FF] =	sst s2;
	s11 =	sadd.s32 $0x5CA00, s26;
	s28 =	sand.u32 $0x60, s4  }
0x7: {  	s3 =	simm.s32 $0x2;
	_ =	strace $0x8000004D;
	s4 =	sadd.s32 s28, s11  }
0x8: {  	[tilespmem:s2], [sflag:$0x2] =	stream.linear.gather [hbm4b:s4+s2], $0x80, $0x38;
	[tilespmem:$0x4080] =	vst v63  }
0x9: {  	_ =	swait.ge [sflag:s3], $0x80  }
0xa: {  	s6 =	simm.s32 $0x80;
	[sflag:s3] =	ssyncset.done $0x0  }
0xb: {  	s7 =	simm.s32 $0x1;
	s5 =	sadd.s32 $0x70E00, s8;
	[sflag:s3] =	ssyncadd.s32 $0xFFFFFF80  }
0xc: {  	[tilespmem:s6], [sflag:$0x1] =	stream.indirect.gather [hbm4b:s5+s6], $0x80, s2, s6, $0xb8;
	[tilespmem:$0x4080] =	vst v63  }
0xd: {  	_ =	swait.ge [sflag:s7], $0x4000  }
0xe: {  	s12 =	sadd.s32 $0x100E00, s8;
	s29 =	sshll.u32 s9, $0xB;
	[sflag:s7] =	ssyncset.done $0x0  }
0xf: {  	s13 =	sor.u32 $0x1, s9;
	s8 =	sadd.s32 s12, s29;
	[sflag:s7] =	ssyncadd.s32 $0xFFFFC000  }
0x10: {  	[hbm4b:s8+s2] =	stream.linear.scatter [tilespmem:s6], [sflag:$0x2], $0x4000, $0x38;
	[tilespmem:$0x4080] =	vst v63  }
0x11: {  	s9 =	sshll.u32 s13, $0x4;
	_ =	swait.ge [sflag:s3], $0x4000  }
0x12: {  	s9 =	sand.u32 $0x70, s9;
	[sflag:s3] =	ssyncset.done $0x0  }
0x13: {  	s10 =	ssub.s32 $0x2, s10;
	s9 =	sadd.s32 s9, s11;
	[sflag:s3] =	ssyncadd.s32 $0xFFFFC000  }
0x14: {  	[tilespmem:s2], [sflag:$0x2] =	stream.linear.gather [hbm4b:s9+s2], $0x80, $0x38;
	[tilespmem:$0x4080] =	vst v63  }
0x15: {  	s30 =	sshrl.u32 s10, $0x1;
	_ =	swait.ge [sflag:s3], $0x80  }
0x16: {  	s11 =	ssub.s32 s10, s30;
	[sflag:s3] =	ssyncset.done $0x0  }
0x17: {  	s11 =	smax.u32 s11, $0x1;
	[sflag:s3] =	ssyncadd.s32 $0xFFFFFF80  }
0x18: {  	[tilespmem:s6], [sflag:$0x1] =	stream.indirect.gather [hbm4b:s5+s6], $0x80, s2, s6, $0xb8;
	[tilespmem:$0x4080] =	vst v63  }
0x19: {  	p0 =	sne.s32 s11, $0x1;
	_ =	swait.ge [sflag:s7], $0x4000  }
.Ltmp0:
0x1a: {  	s31 =	sshll.u32 s13, $0xB;
	[sflag:s7] =	ssyncset.done $0x0;
	(pc) =	sbr.rel @!p0 .LBB2_2-.Ltmp0, $4  }
0x1b: {  	s10 =	sadd.s32 s12, s31;
	[sflag:s7] =	ssyncadd.s32 $0xFFFFC000  }
0x1c: {  	[hbm4b:s10+s2] =	stream.linear.scatter [tilespmem:s6], [sflag:$0x2], $0x4000, $0x38;
	[tilespmem:$0x4080] =	vst v63  }
0x1d: {  	_ =	swait.ge [sflag:s3], $0x4000  }
0x1e: {  	s11 =	sadd.s32 $0xFFFFFFFF, s11;
	[sflag:s3] =	ssyncset.done $0x0  }
.LBB2_1:
0x1f: {  	p0 =	sne.s32 s11, $0x1;
	s11 =	sadd.s32 $0xFFFFFFFF, s11;
	[sflag:s3] =	ssyncadd.s32 $0xFFFFC000  }
0x20: {  	[tilespmem:s2], [sflag:$0x2] =	stream.linear.gather [hbm4b:s4+s2], $0x80, $0x38;
	[tilespmem:$0x4080] =	vst v63  }
0x21: {  	_ =	swait.ge [sflag:s3], $0x80  }
0x22: {  	[sflag:s3] =	ssyncset.done $0x0  }
0x23: {  	[sflag:s3] =	ssyncadd.s32 $0xFFFFFF80  }
0x24: {  	[tilespmem:s6], [sflag:$0x1] =	stream.indirect.gather [hbm4b:s5+s6], $0x80, s2, s6, $0xb8;
	[tilespmem:$0x4080] =	vst v63  }
0x25: {  	_ =	swait.ge [sflag:s7], $0x4000  }
0x26: {  	[sflag:s7] =	ssyncset.done $0x0  }
0x27: {  	[sflag:s7] =	ssyncadd.s32 $0xFFFFC000  }
0x28: {  	[hbm4b:s8+s2] =	stream.linear.scatter [tilespmem:s6], [sflag:$0x2], $0x4000, $0x38;
	[tilespmem:$0x4080] =	vst v63  }
0x29: {  	_ =	swait.ge [sflag:s3], $0x4000  }
0x2a: {  	[sflag:s3] =	ssyncset.done $0x0  }
0x2b: {  	[sflag:s3] =	ssyncadd.s32 $0xFFFFC000  }
0x2c: {  	[tilespmem:s2], [sflag:$0x2] =	stream.linear.gather [hbm4b:s9+s2], $0x80, $0x38;
	[tilespmem:$0x4080] =	vst v63  }
0x2d: {  	_ =	swait.ge [sflag:s3], $0x80  }
0x2e: {  	[sflag:s3] =	ssyncset.done $0x0  }
0x2f: {  	[sflag:s3] =	ssyncadd.s32 $0xFFFFFF80  }
0x30: {  	[tilespmem:s6], [sflag:$0x1] =	stream.indirect.gather [hbm4b:s5+s6], $0x80, s2, s6, $0xb8;
	[tilespmem:$0x4080] =	vst v63  }
0x31: {  	_ =	swait.ge [sflag:s7], $0x4000  }
.Ltmp1:
0x32: {  	[sflag:s7] =	ssyncset.done $0x0;
	(pc) =	sbr.rel @p0 .LBB2_1-.Ltmp1, $4  }
0x33: {  	[sflag:s7] =	ssyncadd.s32 $0xFFFFC000  }
0x34: {  	[hbm4b:s10+s2] =	stream.linear.scatter [tilespmem:s6], [sflag:$0x2], $0x4000, $0x38;
	[tilespmem:$0x4080] =	vst v63  }
0x35: {  	_ =	swait.ge [sflag:s3], $0x4000  }
0x36: {  	[sflag:s3] =	ssyncset.done $0x0  }
.LBB2_2:
0x37: {  	[sflag:s3] =	ssyncadd.s32 $0xFFFFC000  }
0x38: {  	_ =	sfence.sel $0x180000  }
0x39: {  	[bflag:$0x0] =	sbarrier.arrive $0xFFFF  }
0x3a: {  	p0 =	sne.s32 s0, $0x0;
	_ =	strace $0x9000004D  }
0x3b: {  	s0 =	sadd.s32 @!p0 $0x100000, s1;
	[bflag:$0x2] =	sbarrier.arrive $0xFFFF  }
0x3c: {  	[sflag:s0] =	ssyncadd.tile.s32 @!p0 $0x1;
	_ =	shalt  }
.Lfunc_end2:
_tile_overlayer_lowered:
.L_overlay_start_2:
0x3d: {  	(tag) =	ssettag $0x2  }
0x3e: {  	s0 =	rddreg [dreg:$0x0];
	s2 =	stileid.u32  }
0x3f: {  	s1 =	rddreg [dreg:$0x1];
	p0 =	sne.s32 s2, $0x0  }
0x40: {  	s3 =	rddreg [dreg:$0x2];
	[bflag:$0x3] =	sbarrier.arrive $0xFFFF;
	s2 =	simm.s32 @!p0 $0x1C02  }
0x41: {  	[timem:s3], [sflag:s2] =	dma.local @!p0 [hbm:s0], s1  }
0x42: {  	s0 =	simm.s32 @!p0 $0x2  }
0x43: {  	_ =	swait.ge @!p0 [sflag:s0], s1  }
0x44: {  	s1 =	ssub.s32 @!p0 $0x0, s1;
	[sflag:s0] =	ssyncset.done @!p0 $0x0  }
0x45: {  	[sflag:s0] =	ssyncadd.s32 @!p0 s1  }
0x46: {  	[bflag:$0x3] =	sbarrier.arrive $0xFFFF  }
0x47: {  	_ =	shalt  }

// kernel: kernel.7.cloned.1.call-start
scs
__scs_entry_jumppad:
0x0: {  	(pc) =	sbr.rel $0x88, $3  }
0x1: {  	(tag) =	ssettag $0x0;
	lr =	simm.s32 $0x1  }
0x2: {  	[smem:$0x3F96] =	sst lr;
	_ =	strace $0xD0000000  }
0x3: {  	_ = 	snop  }
0x4: {  	_ = 	snop  }
0x5: {  	_ = 	snop  }
0x6: {  	_ = 	snop  }
0x7: {  	_ = 	snop  }
__scs_overlays_trampoline_lowered:
0x8: {  	[smem:$0x3FA5] =	sst s0  }
0x9: {  	[smem:$0x3FA6] =	sst s1  }
0xa: {  	[smem:$0x3FA7] =	sst s2  }
0xb: {  	[smem:$0x3FA8] =	sst s3  }
0xc: {  	[smem:$0x3FA9] =	sst s4  }
0xd: {  	[smem:$0x3FAA] =	sst s5  }
0xe: {  	[smem:$0x3FAB] =	sst s6  }
0xf: {  	[smem:$0x3FAC] =	sst s7  }
0x10: {  	[smem:$0x3FAD] =	sst s8  }
0x11: {  	[smem:$0x3FAE] =	sst s9;
	s0 =	simm.s32 @!p0 $0x0  }
0x12: {  	s1 =	sld [smem:$0x3F94];
	s0 =	simm.s32 @p0 $0x1  }
0x13: {  	[smem:$0x3FAF] =	sst s0;
	s0 =	simm.s32 @!p1 $0x0  }
0x14: {  	s2 =	sld [smem:$0x3F93];
	s0 =	simm.s32 @p1 $0x1  }
0x15: {  	[smem:$0x3FB0] =	sst s0;
	s0 =	simm.s32 @!p2 $0x0  }
0x16: {  	s3 =	sld [smem:$0x3FDB];
	s0 =	simm.s32 @p2 $0x1  }
0x17: {  	s4 =	simm.s32 $0x1BF5;
	[smem:$0x3FB2] =	sst s0  }
0x18: {  	s0 =	sld [smem:$0x3F95];
	_ =	swait.ge [sflag:s4], $0x0  }
0x19: {  	s7 =	sld [smem:$0x3F96]  }
0x1a: {  	s8 =	sadd.s32 $0xFFFFE003, lr  }
0x1b: {  	s9 =	sadd.s32 $0xFFFFFEF7, lr;
	s5 =	simm.s32 $0xFFFFFFFF;
	p2 =	slt.u32 s8, $0xFFFFF086  }
0x1c: {  	p1 =	slt.u32 s9, $0xF7A;
	s5 =	simm.s32 @!p2 $0x0  }
0x1d: {  	s5 =	simm.s32 @p1 $0x1;
	p0 =	seq.s32 s7, s2  }
0x1e: {  	s7 =	smul.u32 @!p0 $0xF7A, s2;
	p2 =	seq.s32 @!p0 s5, $0x0  }
0x1f: {  	s9 =	smul.u32 $0xF7A, s1;
	s8 =	simm.s32 @!p0 $0x1BF5;
	p2 =	por !p2, p0  }
0x20: {  	[sflag:s8] =	ssyncset.s32 @!p0 $0xFFFFF086;
	s6 =	sadd.s32 @!p0 s3, s7;
	s7 =	simm.s32 @!p0 $0x108  }
0x21: {  	s3 =	sadd.s32 s3, s9;
	s6 =	sadd.s32 @!p0 $0x88, s6;
	s7 =	simm.s32 @p2 $0x1082  }
0x22: {  	[simem:s7], [sflag:s8] =	dma.local @!p0 [hbm:s6], $0xF7A  }
0x23: {  	s9 =	sor.u32 $0xD0000000, s2;
	s6 =	simm.s32 $0x108;
	_ =	swait.ge @!p0 [sflag:s8], $0x0  }
0x24: {  	s3 =	sadd.s32 $0x88, s3;
	s6 =	simm.s32 @!p1 $0x1082;
	[sflag:s4] =	ssyncset.s32 $0xFFFFF086  }
0x25: {  	[simem:s6], [sflag:s4] =	dma.local [hbm:s3], $0xF7A  }
0x26: {  	[smem:$0x3F96] =	sst s1;
	(tag) =	ssettag s2;
	_ =	strace s9  }
0x27: {  	s1 =	sld [smem:$0x3FA6]  }
0x28: {  	s2 =	sld [smem:$0x3FA7]  }
0x29: {  	s4 =	sld [smem:$0x3FA9]  }
0x2a: {  	p0 =	seq.s32 s5, $0x0;
	s5 =	sld [smem:$0x3FAA]  }
0x2b: {  	s6 =	sld [smem:$0x3FAB]  }
0x2c: {  	s7 =	sld [smem:$0x3FAC]  }
0x2d: {  	s3 =	simm.s32 $0x108;
	s8 =	sld [smem:$0x3FAD]  }
0x2e: {  	s3 =	simm.s32 @!p0 $0x1082;
	s9 =	sld [smem:$0x3FAE]  }
0x2f: {  	lr =	sadd.s32 s0, s3;
	s0 =	sld [smem:$0x3FA5]  }
0x30: {  	s3 =	sld [smem:$0x3FA8]  }
0x31: {  	[smem:$0x3FB1] =	sst s10  }
0x32: {  	s10 =	sld [smem:$0x3FAF];
	_ =	sdelay $0x3  }
0x33: {  	p0 =	seq.s32 s10, $0x1;
	s10 =	sld [smem:$0x3FB1];
	_ =	sdelay $0x3  }
0x34: {  	[smem:$0x3FB1] =	sst s10  }
0x35: {  	s10 =	sld [smem:$0x3FB0];
	_ =	sdelay $0x3  }
0x36: {  	p1 =	seq.s32 s10, $0x1;
	s10 =	sld [smem:$0x3FB1];
	_ =	sdelay $0x3  }
0x37: {  	[smem:$0x3FB1] =	sst s10  }
0x38: {  	s10 =	sld [smem:$0x3FB2]  }
0x39: {  	_ = 	snop;
	(pc) =	sbr.ind lr, $3  }
0x3a: {  	_ = 	snop  }
0x3b: {  	_ = 	snop  }
0x3c: {  	p2 =	seq.s32 s10, $0x1;
	s10 =	sld [smem:$0x3FB1]  }
0x3d: {  	_ =	shalt  }
0x3e: {  	_ =	shalt  }
0x3f: {  	_ =	shalt  }
0x40: {  	_ =	shalt  }
0x41: {  	_ =	shalt  }
0x42: {  	_ =	shalt  }
0x43: {  	_ =	shalt  }
0x44: {  	_ =	shalt  }
0x45: {  	_ =	shalt  }
0x46: {  	_ =	shalt  }
0x47: {  	_ =	shalt  }
0x48: {  	_ =	shalt  }
0x49: {  	_ =	shalt  }
0x4a: {  	_ =	shalt  }
0x4b: {  	_ =	shalt  }
0x4c: {  	_ =	shalt  }
0x4d: {  	_ =	shalt  }
0x4e: {  	_ =	shalt  }
0x4f: {  	_ =	shalt  }
0x50: {  	_ =	shalt  }
0x51: {  	_ =	shalt  }
0x52: {  	_ =	shalt  }
0x53: {  	_ =	shalt  }
0x54: {  	_ =	shalt  }
0x55: {  	_ =	shalt  }
0x56: {  	_ =	shalt  }
0x57: {  	_ =	shalt  }
0x58: {  	_ =	shalt  }
0x59: {  	_ =	shalt  }
0x5a: {  	_ =	shalt  }
0x5b: {  	_ =	shalt  }
0x5c: {  	_ =	shalt  }
0x5d: {  	_ =	shalt  }
0x5e: {  	_ =	shalt  }
0x5f: {  	_ =	shalt  }
0x60: {  	_ =	shalt  }
0x61: {  	_ =	shalt  }
0x62: {  	_ =	shalt  }
0x63: {  	_ =	shalt  }
0x64: {  	_ =	shalt  }
0x65: {  	_ =	shalt  }
0x66: {  	_ =	shalt  }
0x67: {  	_ =	shalt  }
0x68: {  	_ =	shalt  }
0x69: {  	_ =	shalt  }
0x6a: {  	_ =	shalt  }
0x6b: {  	_ =	shalt  }
0x6c: {  	_ =	shalt  }
0x6d: {  	_ =	shalt  }
0x6e: {  	_ =	shalt  }
0x6f: {  	_ =	shalt  }
0x70: {  	_ =	shalt  }
0x71: {  	_ =	shalt  }
0x72: {  	_ =	shalt  }
0x73: {  	_ =	shalt  }
0x74: {  	_ =	shalt  }
0x75: {  	_ =	shalt  }
0x76: {  	_ =	shalt  }
0x77: {  	_ =	shalt  }
0x78: {  	_ =	shalt  }
0x79: {  	_ =	shalt  }
0x7a: {  	_ =	shalt  }
0x7b: {  	_ =	shalt  }
0x7c: {  	_ =	shalt  }
0x7d: {  	_ =	shalt  }
0x7e: {  	_ =	shalt  }
0x7f: {  	_ =	shalt  }
0x80: {  	_ =	shalt  }
0x81: {  	_ =	shalt  }
0x82: {  	_ =	shalt  }
0x83: {  	_ =	shalt  }
0x84: {  	_ =	shalt  }
0x85: {  	_ =	shalt  }
0x86: {  	_ =	shalt  }
0x87: {  	_ =	shalt  }
.Lfunc_end0:
.L_simem_size_0:
called_computation_lowered:
.L_overlay_start_0:
0x88: {  	s2 =	sld [smem:$0x3FD9]  }
0x89: {  	s3 =	sld [smem:$0x3FFE];
	_ =	sdelay $0x1  }
0x8a: {  	s1 =	srdreg.scid  }
0x8b: {  	s0 =	sand.u32 $0x1, s1  }
0x8c: {  	s16 =	sshll.u32 s0, $0xA;
	s2 =	sadd.s32 s3, s2  }
0x8d: {  	s2 =	sadd.s32 s2, s16  }
0x8e: {  	[smem:$0x3FBD] =	sst s2  }
0x8f: {  	_ = 	snop  }
0x90: {  	(tm) =	ssettm $0x1  }
0x91: {  	s17 =	sld [smem:$0x3FFB];
	_ =	sdelay $0x3  }
0x92: {  	_ =	strace s17  }
0x93: {  	s2 =	sld [smem:$0x3FFC];
	_ =	sdelay $0x3  }
0x94: {  	_ =	strace s2  }
0x95: {  	s2 =	sld [smem:$0x3FFD];
	_ =	sdelay $0x3  }
0x96: {  	_ =	strace s2  }
0x97: {  	_ =	strace $0x8FFFFFFF  }
0x98: {  	s18 =	sld [smem:$0x3FDB];
	_ =	sdelay $0x1  }
0x99: {  	s19 =	simm.s32 $_scs_section_size  }
0x9a: {  	s4 =	simm.s32 $_size__tile_overlayer_lowered;
	s5 =	simm.s32 $_tile_overlayer_lowered  }
0x9b: {  	s22 =	simm.s32 $0x1BFF;
	s21 =	sshll.u32 s5, $0x1;
	s2 =	sadd.s32 s19, s18  }
0x9c: {  	s6 =	simm.s32 $0x0;
	s20 =	sshll.u32 s4, $0x1;
	s4 =	sadd.s32 s21, s2  }
0x9d: {  	[timem:s6], [sflag:s22] =	dma.local [hbm:s4], s20  }
0x9e: {  	_ =	swait.ge [sflag:s22], s20  }
0x9f: {  	s3 =	ssub.s32 $0x0, s20;
	[sflag:s22] =	ssyncset.done $0x0  }
0xa0: {  	[sflag:s22] =	ssyncadd.s32 s3;
	_ =	sdelay $0x1  }
0xa1: {  	s23 =	simm.s32 $0x1B8B  }
0xa2: {  	_ =	swait.ge [sflag:s23], $0x1  }
0xa3: {  	[sflag:s23] =	ssyncset.done $0x0  }
0xa4: {  	s25 =	simm.s32 $0x1B8E;
	s24 =	sld [smem:$0x3FFE];
	[sflag:s23] =	ssyncadd.s32 $0xFFFFFFFF  }
0xa5: {  	s26 =	simm.s32 $execute0_lowered;
	[smem:$0x3FD2] =	sst s25  }
0xa6: {  	s4 =	sshll.u32 s26, $0x1;
	_ =	strace $0x80000046;
	[dreg:$0x1] =	wrdreg $0xFFFFFFFF  }
0xa7: {  	s28 =	simm.s32 $_size_execute0_lowered;
	s2 =	sadd.s32 s2, s4;
	[dreg:$0x0] =	wrdreg $0x0  }
0xa8: {  	s4 =	sshll.u32 s28, $0x1;
	[dreg:$0x2] =	wrdreg s2  }
0xa9: {  	[dreg:$0x3] =	wrdreg s4  }
0xaa: {  	[dreg:$0x4] =	wrdreg $0xC0  }
0xab: {  	_ =	task [dreg:s6], $0x5FFFF  }
0xac: {  	[dreg:$0x1] =	wrdreg $0xFFFFFFFF  }
0xad: {  	[dreg:$0x0] =	wrdreg $0x60  }
0xae: {  	[dreg:$0x2] =	wrdreg s24  }
0xaf: {  	[dreg:$0x3] =	wrdreg $0x90800  }
0xb0: {  	[dreg:$0x4] =	wrdreg $0x9  }
0xb1: {  	_ =	task.clear_ibuf [dreg:s6], $0x5FFFF;
	_ =	strace $0x90000046  }
0xb2: {  	s29 =	simm.s32 $0x9;
	_ =	strace $0x80000048  }
0xb3: {  	_ =	swait.ge [sflag:s29], $0x1  }
0xb4: {  	[sflag:s29] =	ssyncadd.s32 $0xFFFFFFFF  }
0xb5: {  	_ =	strace $0x90000048  }
0xb6: {  	_ =	sfence  }
0xb7: {  	s30 =	sld [smem:$0x0];
	_ =	sdelay $0x2  }
0xb8: {  	s31 =	sshll.u32 s1, $0xD;
	s1 =	sshrl.u32 s1, $0x2  }
0xb9: {  	s3 =	sand.u32 $0x4000, s31;
	s1 =	sadd.s32 s1, s30  }
0xba: {  	s0 =	sor.u32 s3, s0;
	s1 =	sshll.u32 s1, $0x11  }
0xbb: {  	s0 =	sor.u32 s1, s0  }
0xbc: {  	s0 =	sadd.s32 $0x8F2B, s0  }
0xbd: {  	[sflag:s0] =	ssyncadd.remote.s32 $0x1  }
0xbe: {  	_ =	sfence.sel $0xFFFF  }
0xbf: {  	[dreg:$0x0] =	wrdreg $0xFFFFFFFF;
	(pc) =	sbr.abs _section_cstart, $3  }
0xc0: {  	[dreg:$0x1] =	wrdreg $0xFFFFFFFF  }
0xc1: {  	_ =	task.clear_ibuf [dreg:s6], $0x2FFFF;
	_ =	strace $0x9FFFFFFF  }
0xc2: {  	(tm) =	ssettm $0x7FFFFFFF  }
0xc3: {  	_ =	shalt  }
tec
execute0_lowered:
.L_overlay_start_1:
0x0: {  	(tag) =	ssettag $0x1  }
0x1: {  	s4 =	rddreg [dreg:$0x0]  }
0x2: {  	s1 =	rddreg [dreg:$0x1]  }
0x3: {  	s3 =	srdreg.scid;
	s0 =	rddreg [dreg:$0x2];
	s2 =	simm.s32 $0x0  }
0x4: {  	s12 =	stileid.u32;
	s10 =	simm.s32 $0x5000;
	s11 =	simm.s32 $0x1  }
0x5: {  	s13 =	simm.s32 $0x0;
	s5 =	sand.u32 $0x1, s3;
	s7 =	smul.u32 $0x2800, s12  }
0x6: {  	[smem:$0x7FF] =	sst s2;
	s3 =	sadd.s32 $0x2A00, s4;
	s6 =	smul.u32 $0x28000, s5  }
0x7: {  	p0 =	sne.s32 s12, $0x0;
	s9 =	smul.u32 $0x2800, s5;
	s5 =	ssub.s32 $0x2, s5  }
0x8: {  	s8 =	sshrl.u32 s5, $0x1;
	s6 =	sadd.s32 s6, s4;
	s4 =	smul.u32 $0x280, s12  }
0x9: {  	_ =	strace $0x80000047;
	s8 =	ssub.s32 s5, s8;
	s5 =	smul.u32 $0x5, s12  }
0xa: {  	v0 =	vmov s9;
	s9 =	simm.s32 $0x9000;
	s12 =	simm.s32 $0x1000;
	s7 =	sadd.s32 s7, s6  }
0xb: {  	v1 =	vimm.f32 $0.0e+00;
	v2 =	vimm.f32 $1.000000000e+00;
	v3 =	vlaneseq.u32;
	s6 =	smax.u32 s8, $0x1;
	s8 =	simm.s32 $0x80;
	s7 =	sadd.s32 $0xCA00, s7  }
.LBB2_1:
0xc: {  	s14 =	simm.s32 $0x0  }
.LBB2_2:
0xd: {  	p1 =	sne.s32 s14, $0xFFC0  }
.Ltmp0:
0xe: {  	_ = 	snop;
	(pc) =	sbr.rel @p1 .LBB2_2-.Ltmp0, $4  }
0xf: {  	_ = 	snop  }
0x10: {  	s15 =	sshra.s32 s14, $0x2  }
0x11: {  	[tilespmem:s15+$0x5000] =	vst v1  }
0x12: {  	s14 =	sadd.s32 $0x40, s14;
	[tilespmem:s15+$0x1000] =	vst v2  }
0x13: {  	s14 =	sadd.s32 $0x0, s4  }
0x14: {  	v4 =	vor.u32 s14, v3;
	s15 =	sadd.s32 $0x70, s14  }
0x15: {  	s16 =	sadd.s32 $0x60, s14;
	[tilespmem:$0x9000] =	vst v4;
	v4 =	vor.u32 s15, v3  }
0x16: {  	s30 =	sadd.s32 $0x30, s14;
	v5 =	vor.u32 s16, v3;
	[tilespmem:$0x9070] =	vst v4  }
0x17: {  	s28 =	sadd.s32 $0x50, s14;
	v6 =	vor.u32 s30, v3;
	[tilespmem:$0x9060] =	vst v5  }
0x18: {  	s29 =	sadd.s32 $0x40, s14;
	v4 =	vor.u32 s28, v3;
	[tilespmem:$0x9030] =	vst v6  }
0x19: {  	s31 =	sadd.s32 $0x20, s14;
	v5 =	vor.u32 s29, v3;
	[tilespmem:$0x9050] =	vst v4  }
0x1a: {  	s15 =	sadd.s32 $0x10, s14;
	s14 =	simm.s32 $0x80;
	[tilespmem:$0x9040] =	vst v5;
	v4 =	vor.u32 s31, v3  }
.LBB2_4:
0x1b: {  	p1 =	sne.s32 s14, $0x200;
	v5 =	vor.u32 s15, v3;
	[tilespmem:$0x9020] =	vst v4  }
0x1c: {  	[tilespmem:$0x9010] =	vst v5;
	[spmem:s1] =	stream.indirect.scatter [tilespmem:s10], [sflag:$0x1], $0x80, s9, s8, $0xb8  }
0x1d: {  	_ =	swait.ge [sflag:s11], $0x4000  }
0x1e: {  	s15 =	sadd.s32 s14, s4;
	[sflag:s11] =	ssyncset.done $0x0  }
0x1f: {  	v4 =	vor.u32 s15, v3;
	s16 =	sadd.s32 $0x70, s15;
	[sflag:s11] =	ssyncadd.s32 $0xFFFFC000  }
0x20: {  	s17 =	sadd.s32 $0x60, s15;
	[tilespmem:$0x9000] =	vst v4;
	v4 =	vor.u32 s16, v3  }
.Ltmp1:
0x21: {  	v5 =	vor.u32 s17, v3;
	s16 =	sadd.s32 $0x50, s15;
	[tilespmem:$0x9070] =	vst v4;
	(pc) =	sbr.rel @p1 .LBB2_4-.Ltmp1, $4  }
0x22: {  	s17 =	sadd.s32 $0x40, s15;
	v4 =	vor.u32 s16, v3;
	[tilespmem:$0x9060] =	vst v5  }
0x23: {  	s16 =	sadd.s32 $0x30, s15;
	v5 =	vor.u32 s17, v3;
	[tilespmem:$0x9050] =	vst v4  }
0x24: {  	s17 =	sadd.s32 $0x20, s15;
	v6 =	vor.u32 s16, v3;
	[tilespmem:$0x9040] =	vst v5  }
0x25: {  	s14 =	sadd.s32 $0x80, s14;
	s15 =	sadd.s32 $0x10, s15;
	v4 =	vor.u32 s17, v3;
	[tilespmem:$0x9030] =	vst v6  }
0x26: {  	v5 =	vor.u32 s15, v3;
	[tilespmem:$0x9020] =	vst v4  }
0x27: {  	[tilespmem:$0x9010] =	vst v5  }
0x28: {  	[spmem:s1] =	stream.indirect.scatter [tilespmem:s10], [sflag:$0x1], $0x80, s9, s8, $0xb8;
	[tilespmem:$0x1D0C0] =	vst v63  }
0x29: {  	_ =	swait.ge [sflag:s11], $0x4000  }
0x2a: {  	v4 =	vlaneseq.u32 @!p0;
	[sflag:s11] =	ssyncset.done $0x0  }
0x2b: {  	v5 =	vadd.s32 @!p0 $0x2788, v4;
	[sflag:s11] =	ssyncadd.s32 $0xFFFFC000  }
0x2c: {  	[tilespmem:$0x9000] =	vst @!p0 v5;
	v5 =	vadd.s32 @!p0 $0x2798, v4  }
0x2d: {  	[tilespmem:$0x9010] =	vst @!p0 v5;
	v5 =	vadd.s32 @!p0 $0x27A8, v4  }
0x2e: {  	[tilespmem:$0x9020] =	vst @!p0 v5;
	v5 =	vadd.s32 @!p0 $0x27B8, v4  }
0x2f: {  	[tilespmem:$0x9030] =	vst @!p0 v5;
	v5 =	vadd.s32 @!p0 $0x27C8, v4  }
0x30: {  	[tilespmem:$0x9040] =	vst @!p0 v5;
	v5 =	vadd.s32 @!p0 $0x27D8, v4  }
0x31: {  	[tilespmem:$0x9050] =	vst @!p0 v5;
	v5 =	vadd.s32 @!p0 $0x27E8, v4  }
0x32: {  	v4 =	vadd.s32 @!p0 $0x27F8, v4;
	[tilespmem:$0x9060] =	vst @!p0 v5  }
0x33: {  	s14 =	simm.s32 @!p0 $0x80;
	s15 =	simm.s32 @!p0 $0x9000;
	s16 =	simm.s32 @!p0 $0x5000;
	[tilespmem:$0x9070] =	vst @!p0 v4  }
0x34: {  	[spmem:s1] =	stream.indirect.scatter @!p0 [tilespmem:s16], [sflag:$0x1], $0x80, s15, s14, $0xb8;
	[tilespmem:$0x1D0C0] =	vst v63  }
0x35: {  	s14 =	simm.s32 @!p0 $0x1  }
0x36: {  	_ =	swait.ge @!p0 [sflag:s14], $0x4000  }
0x37: {  	[sflag:s14] =	ssyncset.done @!p0 $0x0  }
0x38: {  	[sflag:s14] =	ssyncadd.s32 @!p0 $0xFFFFC000  }
0x39: {  	s15 =	simm.s32 $0x0;
	s14 =	simm.s32 $0x0;
	[bflag:$0x0] =	sbarrier.arrive $0xFFFF  }
.LBB2_6:
0x3a: {  	s16 =	sadd.s32 s5, s15  }
0x3b: {  	s16 =	sshll.u32 s16, $0x9  }
0x3c: {  	s16 =	sadd.s32 s3, s16  }
0x3d: {  	[tilespmem:s14], [sflag:$0x1] =	stream.linear.gather [hbm4b:s16+s14], $0x1000, $0x38;
	[tilespmem:$0x1D0C0] =	vst v63  }
0x3e: {  	s30 =	sand.u32 $0x3E00, s14;
	_ =	swait.ge [sflag:s11], $0x1000  }
0x3f: {  	s17 =	sand.u32 $0x70, s14;
	s16 =	sshrl.u32 s30, $0x2;
	[sflag:s11] =	ssyncset.done $0x0  }
0x40: {  	s16 =	sor.u32 s17, s16;
	[sflag:s11] =	ssyncadd.s32 $0xFFFFF000  }
0x41: {  	v4 =	vld [tilespmem:s16+$0x0];
	_ =	sdelay $0x3  }
0x42: {  	s31 =	simm.s32 $0x40  }
0x43: {  	s18 =	simm.s32 $0x10;
	s19 =	sand.u32 $0x3E00, s31;
	s17 =	simm.s32 $0x80;
	v4 =	vsub.s32 v4, v0  }
.LBB2_7:
0x44: {  	p1 =	sne.s32 s17, $0x3FC0;
	s20 =	sand.u32 $0x70, s18;
	s19 =	sshrl.u32 s19, $0x2;
	v4 =	vmin.u32 v4, $0x2800  }
0x45: {  	[tilespmem:s16+$0x0] =	vst v4;
	s16 =	sor.u32 s20, s19  }
0x46: {  	v4 =	vld [tilespmem:s16+$0x0]  }
.Ltmp2:
0x47: {  	(pc) =	sbr.rel @p1 .LBB2_7-.Ltmp2, $2  }
0x48: {  	_ =	sdelay $0x2  }
0x49: {  	s18 =	sadd.s32 $0x10, s18;
	s19 =	sand.u32 $0x3E00, s17;
	s17 =	sadd.s32 $0x40, s17;
	v4 =	vsub.s32 v4, v0  }
0x4a: {  	s17 =	sand.u32 $0x70, s18;
	s30 =	sshrl.u32 s19, $0x2;
	v4 =	vmin.u32 v4, $0x2800  }
0x4b: {  	s17 =	sor.u32 s17, s30;
	[tilespmem:s16+$0x0] =	vst v4  }
0x4c: {  	v4 =	vld [tilespmem:s17+$0x0];
	_ =	sdelay $0x4  }
0x4d: {  	v4 =	vsub.s32 v4, v0  }
0x4e: {  	v4 =	vmin.u32 v4, $0x2800  }
0x4f: {  	s31 =	simm.s32 $0x0;
	[tilespmem:s17+$0x0] =	vst v4  }
0x50: {  	[spmem:s1] =	stream.indirect.scatter.add.f32 [tilespmem:s12], [sflag:$0x1], $0x80, s31, s8, $0xb8;
	[tilespmem:$0x1D0C0] =	vst v63  }
0x51: {  	_ =	swait.ge [sflag:s11], $0x4000  }
0x52: {  	s16 =	simm.s32 $0x200;
	[sflag:s11] =	ssyncset.done $0x0  }
.LBB2_9:
0x53: {  	s17 =	sshra.s32 s16, $0x2;
	[sflag:s11] =	ssyncadd.s32 $0xFFFFC000;
	p1 =	sne.s32 s16, $0x3E00  }
0x54: {  	[spmem:s1] =	stream.indirect.scatter.add.f32 [tilespmem:s12], [sflag:$0x1], $0x80, s17, s8, $0xb8;
	[tilespmem:$0x1D0C0] =	vst v63  }
.Ltmp3:
0x55: {  	_ = 	snop;
	(pc) =	sbr.rel @p1 .LBB2_9-.Ltmp3, $4  }
0x56: {  	_ = 	snop  }
0x57: {  	s16 =	sadd.s32 $0x200, s16  }
0x58: {  	_ =	swait.ge [sflag:s11], $0x4000  }
0x59: {  	[sflag:s11] =	ssyncset.done $0x0  }
0x5a: {  	s15 =	sadd.s32 $0x1, s15  }
0x5b: {  	p1 =	sne.s32 s15, $0x5  }
.Ltmp4:
0x5c: {  	_ = 	snop;
	(pc) =	sbr.rel @p1 .LBB2_6-.Ltmp4, $2  }
0x5d: {  	_ =	sdelay $0x2  }
0x5e: {  	[sflag:s11] =	ssyncadd.s32 $0xFFFFC000  }
0x5f: {  	s14 =	sadd.s32 $0x0, s4  }
0x60: {  	[bflag:$0x0] =	sbarrier.arrive $0xFFFF;
	v4 =	vor.u32 s14, v3;
	s15 =	sadd.s32 $0x10, s14  }
0x61: {  	s16 =	sadd.s32 $0x20, s14;
	[tilespmem:$0x9000] =	vst v4;
	v4 =	vor.u32 s15, v3  }
0x62: {  	s28 =	sadd.s32 $0x70, s14;
	v5 =	vor.u32 s16, v3;
	[tilespmem:$0x9010] =	vst v4  }
0x63: {  	s30 =	sadd.s32 $0x40, s14;
	v4 =	vor.u32 s28, v3;
	[tilespmem:$0x9020] =	vst v5  }
0x64: {  	s29 =	sadd.s32 $0x50, s14;
	v5 =	vor.u32 s30, v3;
	[tilespmem:$0x9070] =	vst v4  }
0x65: {  	s31 =	sadd.s32 $0x60, s14;
	s14 =	sadd.s32 $0x30, s14;
	v4 =	vor.u32 s29, v3;
	[tilespmem:$0x9040] =	vst v5  }
0x66: {  	v5 =	vor.u32 s14, v3;
	[tilespmem:$0x9050] =	vst v4  }
0x67: {  	v4 =	vor.u32 s31, v3;
	[tilespmem:$0x9030] =	vst v5  }
0x68: {  	s16 =	smov.u32 s7;
	s15 =	smov.u32 s7;
	s14 =	simm.s32 $0x80;
	[tilespmem:$0x9060] =	vst v4  }
0x69: {  	[tilespmem:s10], [sflag:$0x1] =	stream.indirect.gather [spmem:s1], $0x80, s9, s8, $0xb8;
	[tilespmem:$0x1D0C0] =	vst v63  }
.LBB2_12:
0x6a: {  	p1 =	sne.s32 s14, $0x200;
	_ =	swait.ge [sflag:s11], $0x4000;
	s16 =	sadd.s32 $0x800, s16  }
0x6b: {  	s17 =	smov.u32 s14;
	s14 =	sadd.s32 $0x80, s14;
	[sflag:s11] =	ssyncset.done $0x0  }
0x6c: {  	[sflag:s11] =	ssyncadd.s32 $0xFFFFC000  }
0x6d: {  	[hbm4b:s15+s2] =	stream.linear.scatter [tilespmem:s10], [sflag:$0x1], $0x4000, $0x38;
	[tilespmem:$0x1D0C0] =	vst v63  }
0x6e: {  	s15 =	smov.u32 s16;
	_ =	swait.ge [sflag:s11], $0x4000  }
0x6f: {  	s17 =	sadd.s32 s17, s4;
	[sflag:s11] =	ssyncset.done $0x0  }
0x70: {  	v4 =	vor.u32 s17, v3;
	s18 =	sadd.s32 $0x10, s17;
	s19 =	sadd.s32 $0x20, s17;
	[sflag:s11] =	ssyncadd.s32 $0xFFFFC000  }
0x71: {  	s20 =	sadd.s32 $0x70, s17;
	v5 =	vor.u32 s19, v3;
	s19 =	sadd.s32 $0x50, s17;
	[tilespmem:$0x9000] =	vst v4;
	v4 =	vor.u32 s18, v3;
	s18 =	sadd.s32 $0x40, s17  }
0x72: {  	s21 =	sadd.s32 $0x30, s17;
	v7 =	vor.u32 s20, v3;
	v6 =	vor.u32 s19, v3;
	s17 =	sadd.s32 $0x60, s17;
	[tilespmem:$0x9010] =	vst v4;
	v4 =	vor.u32 s18, v3  }
0x73: {  	v8 =	vor.u32 s21, v3;
	v9 =	vor.u32 s17, v3;
	[tilespmem:$0x9070] =	vst v7  }
0x74: {  	[tilespmem:$0x9020] =	vst v5  }
.Ltmp5:
0x75: {  	[tilespmem:$0x9050] =	vst v6;
	(pc) =	sbr.rel @p1 .LBB2_12-.Ltmp5, $4  }
0x76: {  	[tilespmem:$0x9040] =	vst v4  }
0x77: {  	[tilespmem:$0x9060] =	vst v9  }
0x78: {  	[tilespmem:$0x9030] =	vst v8  }
0x79: {  	[tilespmem:s10], [sflag:$0x1] =	stream.indirect.gather [spmem:s1], $0x80, s9, s8, $0xb8;
	[tilespmem:$0x1D0C0] =	vst v63  }
0x7a: {  	_ =	swait.ge [sflag:s11], $0x4000;
	s13 =	sadd.s32 $0x1, s13  }
0x7b: {  	[sflag:s11] =	ssyncset.done $0x0;
	p1 =	sne.s32 s13, s6  }
.Ltmp6:
0x7c: {  	[sflag:s11] =	ssyncadd.s32 $0xFFFFC000;
	(pc) =	sbr.rel @p1 .LBB2_1-.Ltmp6, $4  }
0x7d: {  	[hbm4b:s15+s2] =	stream.linear.scatter [tilespmem:s10], [sflag:$0x1], $0x4000, $0x38;
	[tilespmem:$0x1D0C0] =	vst v63  }
0x7e: {  	_ =	swait.ge [sflag:s11], $0x4000  }
0x7f: {  	[sflag:s11] =	ssyncset.done $0x0  }
0x80: {  	[sflag:s11] =	ssyncadd.s32 $0xFFFFC000  }
0x81: {  	_ =	sfence.sel $0x180000  }
0x82: {  	[bflag:$0x0] =	sbarrier.arrive $0xFFFF  }
0x83: {  	_ =	strace $0x90000047  }
0x84: {  	s0 =	sadd.s32 @!p0 $0x100000, s0;
	[bflag:$0x2] =	sbarrier.arrive $0xFFFF  }
0x85: {  	[sflag:s0] =	ssyncadd.tile.s32 @!p0 $0x1;
	_ =	shalt  }
.Lfunc_end2:
_tile_overlayer_lowered:
.L_overlay_start_2:
0x86: {  	(tag) =	ssettag $0x2  }
0x87: {  	s0 =	rddreg [dreg:$0x0];
	s2 =	stileid.u32  }
0x88: {  	s1 =	rddreg [dreg:$0x1];
	p0 =	sne.s32 s2, $0x0  }
0x89: {  	s3 =	rddreg [dreg:$0x2];
	[bflag:$0x3] =	sbarrier.arrive $0xFFFF;
	s2 =	simm.s32 @!p0 $0x1C01  }
0x8a: {  	[timem:s3], [sflag:s2] =	dma.local @!p0 [hbm:s0], s1  }
0x8b: {  	s0 =	simm.s32 @!p0 $0x1  }
0x8c: {  	_ =	swait.ge @!p0 [sflag:s0], s1  }
0x8d: {  	s1 =	ssub.s32 @!p0 $0x0, s1;
	[sflag:s0] =	ssyncset.done @!p0 $0x0  }
0x8e: {  	[sflag:s0] =	ssyncadd.s32 @!p0 s1  }
0x8f: {  	[bflag:$0x3] =	sbarrier.arrive $0xFFFF  }
0x90: {  	_ =	shalt  }

</sc_bundles>
